<compile_context>
chip_gen: v7x
topology: tpu7x:2x2x1
jax: 0.10.2.dev20260603
libtpu: 0.0.44.dev20260713+nightly
codegen_flags: <defaults>
</compile_context>

<pallas_src>
import functools

import jax
import jax.numpy as jnp
from jax import lax
from jax.experimental import pallas as pl
from jax.experimental.pallas import tpu as pltpu
from jax.experimental.pallas import tpu_sc as plsc

V = 10000
E = 320000
C = 256
H = 56
W = 56
HID = 128

VP = 10240
NC, NS = 2, 16
NW = NC * NS
VPW = VP // NW
ROWS_PER_TILE = VP // NS

GH, GW = H + 2, W + 2
GP = GH * GW
HWP = 3200

CH = 128
ARCS = 2 * E
NCHUNK = -(-ARCS // CH)
APT0 = 173
APT1 = 141
APTMAX = max(APT0, APT1)
NCHUNKP = NS * (APT0 + APT1)
ARCP = NCHUNKP * CH

BLK = 512


def _table_body(ft_ref, wb_ref, o_ref):
    o_ref[...] = jnp.dot(ft_ref[...], wb_ref[...],
                         preferred_element_type=jnp.float32)


def _make_table(featT, Wb):
    return pl.pallas_call(
        _table_body,
        grid=(HWP // 128,),
        in_specs=[
            pl.BlockSpec((128, C), lambda i: (i, 0)),
            pl.BlockSpec((C, HID), lambda i: (0, 0)),
        ],
        out_specs=pl.BlockSpec((128, HID), lambda i: (i, 0)),
        out_shape=jax.ShapeDtypeStruct((HWP, HID), jnp.float32),
    )(featT, Wb)


def _coords_body(xs_ref, ys_ref, i0_ref, i1_ref, wy0_ref, wy1_ref,
                 wxa_ref, wxb_ref):
    x = (xs_ref[...] + 1.0) * ((W - 1) / 2.0)
    y = (ys_ref[...] + 1.0) * ((H - 1) / 2.0)
    x0 = jnp.floor(x)
    y0 = jnp.floor(y)
    wx1 = x - x0
    wy1 = y - y0
    x0i = x0.astype(jnp.int32)
    y0i = y0.astype(jnp.int32)
    vx0 = (x0i >= 0) & (x0i <= W - 1)
    vx1 = (x0i >= -1) & (x0i <= W - 2)
    vy0 = (y0i >= 0) & (y0i <= H - 1)
    vy1 = (y0i >= -1) & (y0i <= H - 2)
    pc = jnp.clip(x0i + 1, 0, GW - 2)
    py0 = jnp.clip(y0i + 1, 0, GH - 1)
    py1 = jnp.clip(y0i + 2, 0, GH - 1)
    i0_ref[...] = py0 * GW + pc
    i1_ref[...] = py1 * GW + pc
    wy0_ref[...] = jnp.where(vy0, 1.0 - wy1, 0.0)
    wy1_ref[...] = jnp.where(vy1, wy1, 0.0)
    wxa_ref[...] = jnp.where(vx0, 1.0 - wx1, 0.0)
    wxb_ref[...] = jnp.where(vx1, wx1, 0.0)


def _make_coords(xs, ys):
    n = VP // 128
    f32 = jnp.float32
    outs = pl.pallas_call(
        _coords_body,
        grid=(1,),
        in_specs=[pl.BlockSpec((n, 128), lambda i: (0, 0))] * 2,
        out_specs=[pl.BlockSpec((n, 128), lambda i: (0, 0))] * 6,
        out_shape=[
            jax.ShapeDtypeStruct((n, 128), jnp.int32),
            jax.ShapeDtypeStruct((n, 128), jnp.int32),
            jax.ShapeDtypeStruct((n, 128), f32),
            jax.ShapeDtypeStruct((n, 128), f32),
            jax.ShapeDtypeStruct((n, 128), f32),
            jax.ShapeDtypeStruct((n, 128), f32),
        ],
    )(xs.reshape(n, 128), ys.reshape(n, 128))
    return [o.reshape(VP) for o in outs]


VPWP = 384


def _make_vert_gather(tp, i01):
    mesh = plsc.VectorSubcoreMesh(core_axis_name="c", subcore_axis_name="s")

    @functools.partial(
        pl.kernel,
        mesh=mesh,
        out_type=(
            jax.ShapeDtypeStruct((VP, 2 * HID), jnp.float32),
            jax.ShapeDtypeStruct((VP, 2 * HID), jnp.float32),
        ),
        scratch_types=[
            pltpu.VMEM((2, VPWP), jnp.int32),
            pltpu.VMEM((VPW, 2 * HID), jnp.float32),
            pltpu.SemaphoreType.DMA,
        ],
    )
    def k(tp_hbm, i01_hbm, va0_hbm, va1_hbm, ibuf, rows, sem):
        wid = lax.axis_index("s") * NC + lax.axis_index("c")
        base = wid * VPW
        for j in range(2):
            pltpu.sync_copy(i01_hbm.at[pl.ds((j * NW + wid) * VPWP, VPWP)],
                            ibuf.at[j])
        for j, vh in ((0, va0_hbm), (1, va1_hbm)):
            for off, n in ((0, 128), (128, 128), (256, 64)):
                pltpu.async_copy(tp_hbm.at[ibuf.at[j, pl.ds(off, n)]],
                                 rows.at[pl.ds(off, n)], sem).wait()
            pltpu.sync_copy(rows, vh.at[pl.ds(base, VPW)])

    return k(tp, i01)


def _make_edge_agg(nbr, arcs, zrows):
    mesh = plsc.VectorSubcoreMesh(core_axis_name="c", subcore_axis_name="s")

    @functools.partial(
        pl.kernel,
        mesh=mesh,
        out_type=jax.ShapeDtypeStruct((NC, VP, HID), jnp.float32),
        scratch_types=[
            pltpu.VMEM((2, CH), jnp.int32),
            pltpu.VMEM((CH, HID), jnp.float32),
            pltpu.VMEM_SHARED((VP, HID), jnp.float32),
            pltpu.SemaphoreType.DMA,
        ],
    )
    def k(nbr_hbm, arcs_hbm, z_hbm, agg_hbm, idxv, rows, acc, sem):
        cid = lax.axis_index("c")
        sid = lax.axis_index("s")
        wid = sid * NC + cid
        pltpu.sync_copy(z_hbm, acc.at[pl.ds(sid * ROWS_PER_TILE,
                                            ROWS_PER_TILE)])
        plsc.subcore_barrier()

        def body(i, carry):
            pltpu.sync_copy(arcs_hbm.at[wid, i], idxv)
            pltpu.async_copy(nbr_hbm.at[idxv.at[0]], rows, sem).wait()
            pltpu.sync_copy(rows, acc.at[idxv.at[1]], add=True)
            return carry

        lax.fori_loop(0, jnp.where(cid == 0, APT0, APT1), body, 0)
        plsc.subcore_barrier()
        pltpu.sync_copy(
            acc.at[pl.ds(sid * ROWS_PER_TILE, ROWS_PER_TILE)],
            agg_hbm.at[cid, pl.ds(sid * ROWS_PER_TILE, ROWS_PER_TILE)])

    return k(nbr, arcs, zrows)


def _layer0_body(va0_ref, va1_ref, wy0_ref, wy1_ref, wxa_ref, wxb_ref,
                 bb_ref, vp_ref, wh_ref, wv_ref, bc_ref, out_ref, nbr_ref):
    t = wy0_ref[...] * va0_ref[...] + wy1_ref[...] * va1_ref[...]
    h = wxa_ref[...] * t[:, :HID] + wxb_ref[...] * t[:, HID:]
    x = jnp.maximum(h + bb_ref[...], 0.0)
    y = (jnp.dot(x, wh_ref[...], preferred_element_type=jnp.float32)
         + jnp.dot(vp_ref[...], wv_ref[...],
                   preferred_element_type=jnp.float32)
         + bc_ref[...])
    out_ref[...] = y[:, :HID]
    nbr_ref[...] = y[:, HID:]


def _layer_body(prev_ref, agg_ref, vp_ref, wh_ref, wv_ref, bc_ref,
                out_ref, nbr_ref):
    x = jnp.maximum(prev_ref[...] + agg_ref[0] + agg_ref[1], 0.0)
    y = (jnp.dot(x, wh_ref[...], preferred_element_type=jnp.float32)
         + jnp.dot(vp_ref[...], wv_ref[...],
                   preferred_element_type=jnp.float32)
         + bc_ref[...])
    out_ref[...] = y[:, :HID]
    nbr_ref[...] = y[:, HID:]


def _final_body(prev_ref, agg_ref, vp_ref, v128_ref, wh_ref, wv_ref,
                bc_ref, nopos_ref, newv_ref):
    x = jnp.maximum(prev_ref[...] + agg_ref[0] + agg_ref[1], 0.0)
    off = (jnp.dot(x, wh_ref[...], preferred_element_type=jnp.float32)
           + jnp.dot(vp_ref[...], wv_ref[...],
                     preferred_element_type=jnp.float32)
           + bc_ref[...])
    off = jnp.where(jnp.isnan(off), 0.0, off)
    col = lax.broadcasted_iota(jnp.int32, off.shape, 1)
    nopos_ref[...] = x
    newv_ref[...] = v128_ref[...] + jnp.where(col < 3, off, 0.0)


def _run_layer0(va0, va1, wy0, wy1, wxa, wxb, bb, vpad8, Wh, Wv, bc):
    vec = lambda: pl.BlockSpec((BLK, 1), lambda i: (i, 0))
    return pl.pallas_call(
        _layer0_body,
        grid=(VP // BLK,),
        in_specs=[
            pl.BlockSpec((BLK, 2 * HID), lambda i: (i, 0)),
            pl.BlockSpec((BLK, 2 * HID), lambda i: (i, 0)),
            vec(), vec(), vec(), vec(),
            pl.BlockSpec((1, HID), lambda i: (0, 0)),
            pl.BlockSpec((BLK, 8), lambda i: (i, 0)),
            pl.BlockSpec((HID, 2 * HID), lambda i: (0, 0)),
            pl.BlockSpec((8, 2 * HID), lambda i: (0, 0)),
            pl.BlockSpec((1, 2 * HID), lambda i: (0, 0)),
        ],
        out_specs=[pl.BlockSpec((BLK, HID), lambda i: (i, 0))] * 2,
        out_shape=[jax.ShapeDtypeStruct((VP, HID), jnp.float32)] * 2,
    )(va0, va1, wy0, wy1, wxa, wxb, bb, vpad8, Wh, Wv, bc)


def _run_layer(prev, agg, vpad8, Wh, Wv, bc):
    return pl.pallas_call(
        _layer_body,
        grid=(VP // BLK,),
        in_specs=[
            pl.BlockSpec((BLK, HID), lambda i: (i, 0)),
            pl.BlockSpec((NC, BLK, HID), lambda i: (0, i, 0)),
            pl.BlockSpec((BLK, 8), lambda i: (i, 0)),
            pl.BlockSpec((HID, 2 * HID), lambda i: (0, 0)),
            pl.BlockSpec((8, 2 * HID), lambda i: (0, 0)),
            pl.BlockSpec((1, 2 * HID), lambda i: (0, 0)),
        ],
        out_specs=[pl.BlockSpec((BLK, HID), lambda i: (i, 0))] * 2,
        out_shape=[jax.ShapeDtypeStruct((VP, HID), jnp.float32)] * 2,
    )(prev, agg, vpad8, Wh, Wv, bc)


def _run_final(prev, agg, vpad8, vpad128, Wh, Wv, bc):
    return pl.pallas_call(
        _final_body,
        grid=(VP // BLK,),
        in_specs=[
            pl.BlockSpec((BLK, HID), lambda i: (i, 0)),
            pl.BlockSpec((NC, BLK, HID), lambda i: (0, i, 0)),
            pl.BlockSpec((BLK, 8), lambda i: (i, 0)),
            pl.BlockSpec((BLK, HID), lambda i: (i, 0)),
            pl.BlockSpec((HID, HID), lambda i: (0, 0)),
            pl.BlockSpec((8, HID), lambda i: (0, 0)),
            pl.BlockSpec((1, HID), lambda i: (0, 0)),
        ],
        out_specs=[pl.BlockSpec((BLK, HID), lambda i: (i, 0))] * 2,
        out_shape=[jax.ShapeDtypeStruct((VP, HID), jnp.float32)] * 2,
    )(prev, agg, vpad8, vpad128, Wh, Wv, bc)


def kernel(img_feats, verts, edges, Wb, bb, gparams, Woff, boff):
    f32 = jnp.float32

    featT = img_feats[0].reshape(C, H * W).T
    featT = jnp.pad(featT, ((0, HWP - H * W), (0, 0)))
    table = _make_table(featT, Wb)

    grid = table[:H * W].reshape(H, W, HID)
    gpad = jnp.pad(grid, ((1, 1), (1, 1), (0, 0))).reshape(GP, HID)
    gshift = jnp.concatenate([gpad[1:], jnp.zeros((1, HID), f32)], axis=0)
    tp = jnp.concatenate([gpad, gshift], axis=1)

    vx = jnp.pad(verts[:, 0], (0, VP - V))
    vy = jnp.pad(verts[:, 1], (0, VP - V))
    idx0, idx1, wy0, wy1, wxa, wxb = _make_coords(vx, vy)

    pad_idx = lambda a: jnp.pad(a.reshape(NW, VPW),
                                ((0, 0), (0, VPWP - VPW))).reshape(-1)
    va0, va1 = _make_vert_gather(
        tp, jnp.concatenate([pad_idx(idx0), pad_idx(idx1)]))

    vpad8 = jnp.pad(verts, ((0, VP - V), (0, 5)))
    vpad128 = jnp.pad(verts, ((0, VP - V), (0, HID - 3)))

    asrc = jnp.concatenate([edges[:, 1], edges[:, 0]])
    adst = jnp.concatenate([edges[:, 0], edges[:, 1]])
    asrc = jnp.pad(asrc, (0, ARCP - ARCS),
                   constant_values=VP - 1).reshape(NCHUNKP, 1, CH)
    adst = jnp.pad(adst, (0, ARCP - ARCS),
                   constant_values=VP - 1).reshape(NCHUNKP, 1, CH)
    chunks = jnp.concatenate([asrc, adst], axis=1)
    junk = jnp.full((1, 2, CH), VP - 1, jnp.int32)
    pieces, off = [], 0
    for w in range(NW):
        cnt = APT0 if w % NC == 0 else APT1
        piece = chunks[off:off + cnt]
        if cnt < APTMAX:
            piece = jnp.concatenate(
                [piece, jnp.broadcast_to(junk, (APTMAX - cnt, 2, CH))])
        pieces.append(piece)
        off += cnt
    arcs = jnp.stack(pieces)
    zrows = jnp.zeros((ROWS_PER_TILE, HID), f32)

    col2 = lambda v: v.reshape(VP, 1)

    w0, b0, w1, b1 = gparams[0]
    Wh = jnp.concatenate([w0[:HID], w1[:HID]], axis=1)
    Wv = jnp.pad(jnp.concatenate([w0[HID:], w1[HID:]], axis=1),
                 ((0, 5), (0, 0)))
    bc = jnp.concatenate([b0, b1]).reshape(1, 2 * HID)
    out, nbr = _run_layer0(va0, va1, col2(wy0), col2(wy1), col2(wxa),
                           col2(wxb), bb.reshape(1, HID), vpad8, Wh, Wv, bc)

    for li in range(1, len(gparams)):
        agg = _make_edge_agg(nbr, arcs, zrows)
        w0, b0, w1, b1 = gparams[li]
        Wh = jnp.concatenate([w0[:HID], w1[:HID]], axis=1)
        Wv = jnp.pad(jnp.concatenate([w0[HID:], w1[HID:]], axis=1),
                     ((0, 5), (0, 0)))
        bc = jnp.concatenate([b0, b1]).reshape(1, 2 * HID)
        out, nbr = _run_layer(out, agg, vpad8, Wh, Wv, bc)

    agg = _make_edge_agg(nbr, arcs, zrows)
    Whf = jnp.pad(Woff[:HID], ((0, 0), (0, HID - 3)))
    Wvf = jnp.pad(Woff[HID:], ((0, 5), (0, HID - 3)))
    bcf = jnp.pad(boff, (0, HID - 3)).reshape(1, HID)
    nopos, newv = _run_final(out, agg, vpad8, vpad128, Whf, Wvf, bcf)

    return newv[:V, :3], nopos[:V]

# --- scband reference (transcript-rebuilt; emitter-appended) ---
"""Pipeline reference for scband-mesh-geo-refinement-stage-85203561218176 (READ-ONLY COPY).

The authoritative reference and input builder live on the scoring server;
editing this copy changes nothing except your own understanding.
"""

import jax, jax.numpy as jnp
import numpy as np

V = 10000
E = 320000
C = 256
H = 56
W = 56
HID = 128
DEPTH = 3
IN_DIM = HID + 3


def setup_inputs(seed: int = 0) -> dict:
    key = jax.random.key(seed)
    img_feats = jax.random.normal(jax.random.fold_in(key, 0), (1, C, H, W), dtype=jnp.float32)
    verts = jax.random.uniform(jax.random.fold_in(key, 1), (V, 3), dtype=jnp.float32)
    edges = jax.random.randint(jax.random.fold_in(key, 2), (E, 2), 0, V, dtype=jnp.int32)
    Wb = jax.random.normal(jax.random.fold_in(key, 3), (C, HID), dtype=jnp.float32) * 0.01
    bb = jnp.zeros((HID,), dtype=jnp.float32)
    gparams = []
    for i in range(DEPTH):
        w0 = jax.random.normal(jax.random.fold_in(key, 10 + 4 * i), (IN_DIM, HID), dtype=jnp.float32) * 0.05
        b0 = jnp.zeros((HID,), dtype=jnp.float32)
        w1 = jax.random.normal(jax.random.fold_in(key, 11 + 4 * i), (IN_DIM, HID), dtype=jnp.float32) * 0.05
        b1 = jnp.zeros((HID,), dtype=jnp.float32)
        gparams.append((w0, b0, w1, b1))
    Woff = jax.random.normal(jax.random.fold_in(key, 30), (IN_DIM, 3), dtype=jnp.float32) * 0.01
    boff = jnp.zeros((3,), dtype=jnp.float32)
    return {"img_feats": img_feats, "verts": verts, "edges": edges, "Wb": Wb, "bb": bb,
            "gparams": gparams, "Woff": Woff, "boff": boff}


def _vert_align(feat, verts_xy):
    # feat: [C, H, W]; verts_xy: [V, 2] grid coords in [-1, 1]
    # bilinear grid_sample, align_corners=True, padding_mode='zeros'
    x = (verts_xy[:, 0] + 1.0) * (W - 1) / 2.0
    y = (verts_xy[:, 1] + 1.0) * (H - 1) / 2.0
    x0 = jnp.floor(x)
    y0 = jnp.floor(y)
    x1 = x0 + 1.0
    y1 = y0 + 1.0

    def gather(ix, iy):
        valid = (ix >= 0) & (ix <= W - 1) & (iy >= 0) & (iy <= H - 1)
        ixc = jnp.clip(ix, 0, W - 1).astype(jnp.int32)
        iyc = jnp.clip(iy, 0, H - 1).astype(jnp.int32)
        v = feat[:, iyc, ixc]  # [C, V] gather
        return jnp.where(valid[None, :], v, 0.0)

    wx1 = x - x0
    wx0 = 1.0 - wx1
    wy1 = y - y0
    wy0 = 1.0 - wy1
    out = (gather(x0, y0) * (wx0 * wy0)[None, :]
           + gather(x1, y0) * (wx1 * wy0)[None, :]
           + gather(x0, y1) * (wx0 * wy1)[None, :]
           + gather(x1, y1) * (wx1 * wy1)[None, :])
    return out.T  # [V, C]


def _graph_conv(x, edges, w0, b0, w1, b1):
    # pytorch3d GraphConv, directed=False: w0(x) + scatter-sum of w1(x) over both edge directions
    out = x @ w0 + b0
    nbr = x @ w1 + b1
    agg = jnp.zeros_like(out)
    agg = agg.at[edges[:, 0]].add(nbr[edges[:, 1]])
    agg = agg.at[edges[:, 1]].add(nbr[edges[:, 0]])
    return out + agg


def reference(img_feats, verts, edges, Wb, bb, gparams, Woff, boff):
    # single mesh in batch -> padded == packed, verts_padded_to_packed_idx == arange(V)
    va = _vert_align(img_feats[0], verts[:, :2])          # vert_align + _padded_to_packed
    h = jax.nn.relu(va @ Wb + bb)                          # bottleneck
    vf = jnp.concatenate([h, verts], axis=1)               # [vert_align_feats, vert_pos_packed]
    nopos = h
    for (w0, b0, w1, b1) in gparams:
        nopos = jax.nn.relu(_graph_conv(vf, edges, w0, b0, w1, b1))
        vf = jnp.concatenate([nopos, verts], axis=1)
    off = vf @ Woff + boff
    off = jnp.where(jnp.isnan(off), 0.0, off)              # nan -> 0 (vert_offset_threshold=None)
    new_verts = verts + off                                # meshes.offset_verts
    return (new_verts, nopos)

if __name__ == "__main__":
    import jax
    _d = setup_inputs()
    print(jax.jit(kernel)(*tuple(_d.values())))

</pallas_src>

<mosaic_0001>
#map = affine_map<(d0, d1) -> (0, 0)>
#map1 = affine_map<(d0, d1) -> (0, 0, 0, 0)>
#map2 = affine_map<(d0, d1) -> (0, 0, 0)>
module attributes {stable_mosaic.version = 14 : i64} {
  func.func @k(%arg0: i32, %arg1: i32, %arg2: memref<10240x128xf32, #tpu.memory_space<hbm>>, %arg3: memref<32x173x2x128xi32, #tpu.memory_space<hbm>>, %arg4: memref<640x128xf32, #tpu.memory_space<hbm>>, %arg5: memref<2x10240x128xf32, #tpu.memory_space<hbm>>, %arg6: memref<2x128xi32, #tpu.memory_space<vmem>>, %arg7: memref<128x128xf32, #tpu.memory_space<vmem>>, %arg8: memref<10240x128xf32, #tpu.memory_space<vmem_shared>>, %arg9: memref<!tpu.dma_semaphore, #tpu.memory_space<semaphore_mem>>) attributes {dimension_semantics = [#tpu.dimension_semantics<core_parallel>, #tpu.dimension_semantics<subcore_parallel>], iteration_bounds = array<i64: 2, 16>, scalar_prefetch = 0 : i64, scratch_operands = 4 : i64, tpu.core_type = #tpu.core_type<sc_vector_subcore>, window_params = [{transform_indices = #map}, {transform_indices = #map1}, {transform_indices = #map}, {transform_indices = #map2}]} {
    %mul3A = arith.constant 2 : i32
    %mul3A_0 = arith.muli %arg1, %mul3A : i32
    %add3A = arith.addi %mul3A_0, %arg0 : i32
    %mul3A_1 = arith.constant 640 : i32
    %mul3A_2 = arith.muli %arg1, %mul3A_1 : i32
    "tpu.region"() ({
      %run_scoped3A = tpu.sem_alloc : memref<!tpu.dma_semaphore, #tpu.memory_space<semaphore_mem>>
      %dma_start3A = arith.constant 0 : i32
      %dma_start3A_19 = tpu.memref_slice %arg8[%mul3A_2, %dma_start3A] : memref<10240x128xf32, #tpu.memory_space<vmem_shared>> -> memref<640x128xf32, #tpu.memory_space<vmem_shared>>
      tpu.enqueue_dma source(%arg4 : memref<640x128xf32, #tpu.memory_space<hbm>>) target(%dma_start3A_19 : memref<640x128xf32, #tpu.memory_space<vmem_shared>>) target_semaphore(%run_scoped3A : memref<!tpu.dma_semaphore, #tpu.memory_space<semaphore_mem>>)
      %dma_wait3A = arith.constant 0 : i32
      %dma_wait3A_20 = tpu.memref_slice %arg8[%mul3A_2, %dma_wait3A] : memref<10240x128xf32, #tpu.memory_space<vmem_shared>> -> memref<640x128xf32, #tpu.memory_space<vmem_shared>>
      tpu.wait_dma2 semaphore(%run_scoped3A : memref<!tpu.dma_semaphore, #tpu.memory_space<semaphore_mem>>) src(%arg4 : memref<640x128xf32, #tpu.memory_space<hbm>>) dst(%dma_wait3A_20 : memref<640x128xf32, #tpu.memory_space<vmem_shared>>)
      tpu.yield
    }) : () -> ()
    %barrier3A = arith.constant 0 : index
    tpu.barrier barrier_id(%barrier3A)
    %eq3A = arith.constant 0 : i32
    %eq3A_3 = arith.cmpi eq, %arg0, %eq3A : i32
    %jit3A = arith.constant 173 : i32
    %jit3A_4 = arith.constant 141 : i32
    %select_n3A = arith.select %eq3A_3, %jit3A, %jit3A_4 : i32
    %while3A = arith.constant 0 : i32
    %while3A_5 = arith.constant 0 : i32
    %while3A_6 = arith.subi %select_n3A, %while3A_5 : i32
    %while3A_7 = arith.addi %while3A_5, %while3A_6 : i32
    %while3A_8 = arith.constant 1 : i32
    %while3A_9 = arith.divsi %while3A_6, %while3A_8 : i32
    %while3A_10 = arith.muli %while3A_9, %while3A_8 : i32
    %while3A_11 = arith.addi %while3A_5, %while3A_10 : i32
    %while3A_12 = arith.constant 1 : i32
    scf.for %while3A_19 = %while3A_5 to %while3A_11 step %while3A_12  : i32 {
      "tpu.region"() ({
        %run_scoped3A_32 = tpu.sem_alloc : memref<!tpu.dma_semaphore, #tpu.memory_space<semaphore_mem>>
        %dma_start3A_33 = arith.constant 0 : i32
        %dma_start3A_34 = arith.constant 0 : i32
        %dma_start3A_35 = tpu.memref_slice %arg3[%add3A, %while3A_19, %dma_start3A_33, %dma_start3A_34] : memref<32x173x2x128xi32, #tpu.memory_space<hbm>> -> memref<1x1x2x128xi32, #tpu.memory_space<hbm>>
        %dma_start3A_36 = tpu.memref_squeeze %dma_start3A_35 : memref<1x1x2x128xi32, #tpu.memory_space<hbm>> -> memref<2x128xi32, #tpu.memory_space<hbm>>
        %dma_start3A_37 = arith.constant 0 : i32
        %dma_start3A_38 = arith.constant 0 : i32
        %dma_start3A_39 = tpu.memref_slice %arg3[%add3A, %while3A_19, %dma_start3A_37, %dma_start3A_38] : memref<32x173x2x128xi32, #tpu.memory_space<hbm>> -> memref<1x1x2x128xi32, #tpu.memory_space<hbm>>
        %dma_start3A_40 = tpu.memref_squeeze %dma_start3A_39 : memref<1x1x2x128xi32, #tpu.memory_space<hbm>> -> memref<2x128xi32, #tpu.memory_space<hbm>>
        tpu.enqueue_dma source(%dma_start3A_40 : memref<2x128xi32, #tpu.memory_space<hbm>>) target(%arg6 : memref<2x128xi32, #tpu.memory_space<vmem>>) target_semaphore(%run_scoped3A_32 : memref<!tpu.dma_semaphore, #tpu.memory_space<semaphore_mem>>)
        %dma_wait3A_41 = arith.constant 0 : i32
        %dma_wait3A_42 = arith.constant 0 : i32
        %dma_wait3A_43 = tpu.memref_slice %arg3[%add3A, %while3A_19, %dma_wait3A_41, %dma_wait3A_42] : memref<32x173x2x128xi32, #tpu.memory_space<hbm>> -> memref<1x1x2x128xi32, #tpu.memory_space<hbm>>
        %dma_wait3A_44 = tpu.memref_squeeze %dma_wait3A_43 : memref<1x1x2x128xi32, #tpu.memory_space<hbm>> -> memref<2x128xi32, #tpu.memory_space<hbm>>
        %dma_wait3A_45 = arith.constant 0 : i32
        %dma_wait3A_46 = arith.constant 0 : i32
        %dma_wait3A_47 = tpu.memref_slice %arg3[%add3A, %while3A_19, %dma_wait3A_45, %dma_wait3A_46] : memref<32x173x2x128xi32, #tpu.memory_space<hbm>> -> memref<1x1x2x128xi32, #tpu.memory_space<hbm>>
        %dma_wait3A_48 = tpu.memref_squeeze %dma_wait3A_47 : memref<1x1x2x128xi32, #tpu.memory_space<hbm>> -> memref<2x128xi32, #tpu.memory_space<hbm>>
        tpu.wait_dma2 semaphore(%run_scoped3A_32 : memref<!tpu.dma_semaphore, #tpu.memory_space<semaphore_mem>>) src(%dma_wait3A_48 : memref<2x128xi32, #tpu.memory_space<hbm>>) dst(%arg6 : memref<2x128xi32, #tpu.memory_space<vmem>>)
        tpu.yield
      }) : () -> ()
      %dma_start3A = arith.constant 0 : i32
      %dma_start3A_20 = arith.constant 0 : i32
      %dma_start3A_21 = tpu.memref_slice %arg6[%dma_start3A, %dma_start3A_20] : memref<2x128xi32, #tpu.memory_space<vmem>> -> memref<1x128xi32, #tpu.memory_space<vmem>>
      %dma_start3A_22 = tpu.memref_squeeze %dma_start3A_21 : memref<1x128xi32, #tpu.memory_space<vmem>> -> memref<128xi32, #tpu.memory_space<vmem>>
      %dma_start3A_23 = arith.constant 0 : i32
      %dma_start3A_24 = arith.constant 0 : i32
      %dma_start3A_25 = tpu.memref_slice %arg2[%dma_start3A_23, %dma_start3A_24] : memref<10240x128xf32, #tpu.memory_space<hbm>> -> memref<10240x128xf32, #tpu.memory_space<hbm>>
      tpu.enqueue_indirect_dma source(%dma_start3A_25 : memref<10240x128xf32, #tpu.memory_space<hbm>>) target(%arg7 : memref<128x128xf32, #tpu.memory_space<vmem>>) offsets(%dma_start3A_22 : memref<128xi32, #tpu.memory_space<vmem>>) semaphore(%arg9 : memref<!tpu.dma_semaphore, #tpu.memory_space<semaphore_mem>>)
      %dma_wait3A = arith.constant 0 : i32
      %dma_wait3A_26 = arith.constant 0 : i32
      %dma_wait3A_27 = tpu.memref_slice %arg6[%dma_wait3A, %dma_wait3A_26] : memref<2x128xi32, #tpu.memory_space<vmem>> -> memref<1x128xi32, #tpu.memory_space<vmem>>
      %dma_wait3A_28 = tpu.memref_squeeze %dma_wait3A_27 : memref<1x128xi32, #tpu.memory_space<vmem>> -> memref<128xi32, #tpu.memory_space<vmem>>
      %dma_wait3A_29 = arith.constant 0 : i32
      %dma_wait3A_30 = arith.constant 0 : i32
      %dma_wait3A_31 = tpu.memref_slice %arg2[%dma_wait3A_29, %dma_wait3A_30] : memref<10240x128xf32, #tpu.memory_space<hbm>> -> memref<10240x128xf32, #tpu.memory_space<hbm>>
      tpu.wait_indirect_dma semaphore(%arg9 : memref<!tpu.dma_semaphore, #tpu.memory_space<semaphore_mem>>) src(%dma_wait3A_31 : memref<10240x128xf32, #tpu.memory_space<hbm>>) dst(%arg7 : memref<128x128xf32, #tpu.memory_space<vmem>>)
      %run_scoped3A = arith.constant 1 : i32
      "tpu.region"() ({
        %run_scoped3A_32 = tpu.sem_alloc : memref<!tpu.dma_semaphore, #tpu.memory_space<semaphore_mem>>
        %dma_start3A_33 = arith.constant 0 : i32
        %dma_start3A_34 = tpu.memref_slice %arg6[%run_scoped3A, %dma_start3A_33] : memref<2x128xi32, #tpu.memory_space<vmem>> -> memref<1x128xi32, #tpu.memory_space<vmem>>
        %dma_start3A_35 = tpu.memref_squeeze %dma_start3A_34 : memref<1x128xi32, #tpu.memory_space<vmem>> -> memref<128xi32, #tpu.memory_space<vmem>>
        %dma_start3A_36 = arith.constant 0 : i32
        %dma_start3A_37 = arith.constant 0 : i32
        %dma_start3A_38 = tpu.memref_slice %arg8[%dma_start3A_36, %dma_start3A_37] : memref<10240x128xf32, #tpu.memory_space<vmem_shared>> -> memref<10240x128xf32, #tpu.memory_space<vmem_shared>>
        tpu.enqueue_indirect_dma source(%arg7 : memref<128x128xf32, #tpu.memory_space<vmem>>) target(%dma_start3A_38 : memref<10240x128xf32, #tpu.memory_space<vmem_shared>>) offsets(%dma_start3A_35 : memref<128xi32, #tpu.memory_space<vmem>>) semaphore(%run_scoped3A_32 : memref<!tpu.dma_semaphore, #tpu.memory_space<semaphore_mem>>) {add = true}
        %dma_wait3A_39 = arith.constant 0 : i32
        %dma_wait3A_40 = tpu.memref_slice %arg6[%run_scoped3A, %dma_wait3A_39] : memref<2x128xi32, #tpu.memory_space<vmem>> -> memref<1x128xi32, #tpu.memory_space<vmem>>
        %dma_wait3A_41 = tpu.memref_squeeze %dma_wait3A_40 : memref<1x128xi32, #tpu.memory_space<vmem>> -> memref<128xi32, #tpu.memory_space<vmem>>
        %dma_wait3A_42 = arith.constant 0 : i32
        %dma_wait3A_43 = arith.constant 0 : i32
        %dma_wait3A_44 = tpu.memref_slice %arg8[%dma_wait3A_42, %dma_wait3A_43] : memref<10240x128xf32, #tpu.memory_space<vmem_shared>> -> memref<10240x128xf32, #tpu.memory_space<vmem_shared>>
        tpu.wait_indirect_dma semaphore(%run_scoped3A_32 : memref<!tpu.dma_semaphore, #tpu.memory_space<semaphore_mem>>) src(%arg7 : memref<128x128xf32, #tpu.memory_space<vmem>>) dst(%dma_wait3A_44 : memref<10240x128xf32, #tpu.memory_space<vmem_shared>>)
        tpu.yield
      }) : () -> ()
    }
    %while3A_13 = arith.constant 1 : i32
    scf.for %while3A_19 = %while3A_11 to %while3A_7 step %while3A_13  : i32 {
      "tpu.region"() ({
        %run_scoped3A_32 = tpu.sem_alloc : memref<!tpu.dma_semaphore, #tpu.memory_space<semaphore_mem>>
        %dma_start3A_33 = arith.constant 0 : i32
        %dma_start3A_34 = arith.constant 0 : i32
        %dma_start3A_35 = tpu.memref_slice %arg3[%add3A, %while3A_19, %dma_start3A_33, %dma_start3A_34] : memref<32x173x2x128xi32, #tpu.memory_space<hbm>> -> memref<1x1x2x128xi32, #tpu.memory_space<hbm>>
        %dma_start3A_36 = tpu.memref_squeeze %dma_start3A_35 : memref<1x1x2x128xi32, #tpu.memory_space<hbm>> -> memref<2x128xi32, #tpu.memory_space<hbm>>
        %dma_start3A_37 = arith.constant 0 : i32
        %dma_start3A_38 = arith.constant 0 : i32
        %dma_start3A_39 = tpu.memref_slice %arg3[%add3A, %while3A_19, %dma_start3A_37, %dma_start3A_38] : memref<32x173x2x128xi32, #tpu.memory_space<hbm>> -> memref<1x1x2x128xi32, #tpu.memory_space<hbm>>
        %dma_start3A_40 = tpu.memref_squeeze %dma_start3A_39 : memref<1x1x2x128xi32, #tpu.memory_space<hbm>> -> memref<2x128xi32, #tpu.memory_space<hbm>>
        tpu.enqueue_dma source(%dma_start3A_40 : memref<2x128xi32, #tpu.memory_space<hbm>>) target(%arg6 : memref<2x128xi32, #tpu.memory_space<vmem>>) target_semaphore(%run_scoped3A_32 : memref<!tpu.dma_semaphore, #tpu.memory_space<semaphore_mem>>)
        %dma_wait3A_41 = arith.constant 0 : i32
        %dma_wait3A_42 = arith.constant 0 : i32
        %dma_wait3A_43 = tpu.memref_slice %arg3[%add3A, %while3A_19, %dma_wait3A_41, %dma_wait3A_42] : memref<32x173x2x128xi32, #tpu.memory_space<hbm>> -> memref<1x1x2x128xi32, #tpu.memory_space<hbm>>
        %dma_wait3A_44 = tpu.memref_squeeze %dma_wait3A_43 : memref<1x1x2x128xi32, #tpu.memory_space<hbm>> -> memref<2x128xi32, #tpu.memory_space<hbm>>
        %dma_wait3A_45 = arith.constant 0 : i32
        %dma_wait3A_46 = arith.constant 0 : i32
        %dma_wait3A_47 = tpu.memref_slice %arg3[%add3A, %while3A_19, %dma_wait3A_45, %dma_wait3A_46] : memref<32x173x2x128xi32, #tpu.memory_space<hbm>> -> memref<1x1x2x128xi32, #tpu.memory_space<hbm>>
        %dma_wait3A_48 = tpu.memref_squeeze %dma_wait3A_47 : memref<1x1x2x128xi32, #tpu.memory_space<hbm>> -> memref<2x128xi32, #tpu.memory_space<hbm>>
        tpu.wait_dma2 semaphore(%run_scoped3A_32 : memref<!tpu.dma_semaphore, #tpu.memory_space<semaphore_mem>>) src(%dma_wait3A_48 : memref<2x128xi32, #tpu.memory_space<hbm>>) dst(%arg6 : memref<2x128xi32, #tpu.memory_space<vmem>>)
        tpu.yield
      }) : () -> ()
      %dma_start3A = arith.constant 0 : i32
      %dma_start3A_20 = arith.constant 0 : i32
      %dma_start3A_21 = tpu.memref_slice %arg6[%dma_start3A, %dma_start3A_20] : memref<2x128xi32, #tpu.memory_space<vmem>> -> memref<1x128xi32, #tpu.memory_space<vmem>>
      %dma_start3A_22 = tpu.memref_squeeze %dma_start3A_21 : memref<1x128xi32, #tpu.memory_space<vmem>> -> memref<128xi32, #tpu.memory_space<vmem>>
      %dma_start3A_23 = arith.constant 0 : i32
      %dma_start3A_24 = arith.constant 0 : i32
      %dma_start3A_25 = tpu.memref_slice %arg2[%dma_start3A_23, %dma_start3A_24] : memref<10240x128xf32, #tpu.memory_space<hbm>> -> memref<10240x128xf32, #tpu.memory_space<hbm>>
      tpu.enqueue_indirect_dma source(%dma_start3A_25 : memref<10240x128xf32, #tpu.memory_space<hbm>>) target(%arg7 : memref<128x128xf32, #tpu.memory_space<vmem>>) offsets(%dma_start3A_22 : memref<128xi32, #tpu.memory_space<vmem>>) semaphore(%arg9 : memref<!tpu.dma_semaphore, #tpu.memory_space<semaphore_mem>>)
      %dma_wait3A = arith.constant 0 : i32
      %dma_wait3A_26 = arith.constant 0 : i32
      %dma_wait3A_27 = tpu.memref_slice %arg6[%dma_wait3A, %dma_wait3A_26] : memref<2x128xi32, #tpu.memory_space<vmem>> -> memref<1x128xi32, #tpu.memory_space<vmem>>
      %dma_wait3A_28 = tpu.memref_squeeze %dma_wait3A_27 : memref<1x128xi32, #tpu.memory_space<vmem>> -> memref<128xi32, #tpu.memory_space<vmem>>
      %dma_wait3A_29 = arith.constant 0 : i32
      %dma_wait3A_30 = arith.constant 0 : i32
      %dma_wait3A_31 = tpu.memref_slice %arg2[%dma_wait3A_29, %dma_wait3A_30] : memref<10240x128xf32, #tpu.memory_space<hbm>> -> memref<10240x128xf32, #tpu.memory_space<hbm>>
      tpu.wait_indirect_dma semaphore(%arg9 : memref<!tpu.dma_semaphore, #tpu.memory_space<semaphore_mem>>) src(%dma_wait3A_31 : memref<10240x128xf32, #tpu.memory_space<hbm>>) dst(%arg7 : memref<128x128xf32, #tpu.memory_space<vmem>>)
      %run_scoped3A = arith.constant 1 : i32
      "tpu.region"() ({
        %run_scoped3A_32 = tpu.sem_alloc : memref<!tpu.dma_semaphore, #tpu.memory_space<semaphore_mem>>
        %dma_start3A_33 = arith.constant 0 : i32
        %dma_start3A_34 = tpu.memref_slice %arg6[%run_scoped3A, %dma_start3A_33] : memref<2x128xi32, #tpu.memory_space<vmem>> -> memref<1x128xi32, #tpu.memory_space<vmem>>
        %dma_start3A_35 = tpu.memref_squeeze %dma_start3A_34 : memref<1x128xi32, #tpu.memory_space<vmem>> -> memref<128xi32, #tpu.memory_space<vmem>>
        %dma_start3A_36 = arith.constant 0 : i32
        %dma_start3A_37 = arith.constant 0 : i32
        %dma_start3A_38 = tpu.memref_slice %arg8[%dma_start3A_36, %dma_start3A_37] : memref<10240x128xf32, #tpu.memory_space<vmem_shared>> -> memref<10240x128xf32, #tpu.memory_space<vmem_shared>>
        tpu.enqueue_indirect_dma source(%arg7 : memref<128x128xf32, #tpu.memory_space<vmem>>) target(%dma_start3A_38 : memref<10240x128xf32, #tpu.memory_space<vmem_shared>>) offsets(%dma_start3A_35 : memref<128xi32, #tpu.memory_space<vmem>>) semaphore(%run_scoped3A_32 : memref<!tpu.dma_semaphore, #tpu.memory_space<semaphore_mem>>) {add = true}
        %dma_wait3A_39 = arith.constant 0 : i32
        %dma_wait3A_40 = tpu.memref_slice %arg6[%run_scoped3A, %dma_wait3A_39] : memref<2x128xi32, #tpu.memory_space<vmem>> -> memref<1x128xi32, #tpu.memory_space<vmem>>
        %dma_wait3A_41 = tpu.memref_squeeze %dma_wait3A_40 : memref<1x128xi32, #tpu.memory_space<vmem>> -> memref<128xi32, #tpu.memory_space<vmem>>
        %dma_wait3A_42 = arith.constant 0 : i32
        %dma_wait3A_43 = arith.constant 0 : i32
        %dma_wait3A_44 = tpu.memref_slice %arg8[%dma_wait3A_42, %dma_wait3A_43] : memref<10240x128xf32, #tpu.memory_space<vmem_shared>> -> memref<10240x128xf32, #tpu.memory_space<vmem_shared>>
        tpu.wait_indirect_dma semaphore(%run_scoped3A_32 : memref<!tpu.dma_semaphore, #tpu.memory_space<semaphore_mem>>) src(%arg7 : memref<128x128xf32, #tpu.memory_space<vmem>>) dst(%dma_wait3A_44 : memref<10240x128xf32, #tpu.memory_space<vmem_shared>>)
        tpu.yield
      }) : () -> ()
    }
    %barrier3A_14 = arith.constant 0 : index
    tpu.barrier barrier_id(%barrier3A_14)
    %mul3A_15 = arith.constant 640 : i32
    %mul3A_16 = arith.muli %arg1, %mul3A_15 : i32
    %mul3A_17 = arith.constant 640 : i32
    %mul3A_18 = arith.muli %arg1, %mul3A_17 : i32
    "tpu.region"() ({
      %run_scoped3A = tpu.sem_alloc : memref<!tpu.dma_semaphore, #tpu.memory_space<semaphore_mem>>
      %dma_start3A = arith.constant 0 : i32
      %dma_start3A_19 = tpu.memref_slice %arg5[%arg0, %mul3A_18, %dma_start3A] : memref<2x10240x128xf32, #tpu.memory_space<hbm>> -> memref<1x640x128xf32, #tpu.memory_space<hbm>>
      %dma_start3A_20 = tpu.memref_squeeze %dma_start3A_19 : memref<1x640x128xf32, #tpu.memory_space<hbm>> -> memref<640x128xf32, #tpu.memory_space<hbm>>
      %dma_start3A_21 = arith.constant 0 : i32
      %dma_start3A_22 = tpu.memref_slice %arg8[%mul3A_16, %dma_start3A_21] : memref<10240x128xf32, #tpu.memory_space<vmem_shared>> -> memref<640x128xf32, #tpu.memory_space<vmem_shared>>
      tpu.enqueue_dma source(%dma_start3A_22 : memref<640x128xf32, #tpu.memory_space<vmem_shared>>) target(%dma_start3A_20 : memref<640x128xf32, #tpu.memory_space<hbm>>) target_semaphore(%run_scoped3A : memref<!tpu.dma_semaphore, #tpu.memory_space<semaphore_mem>>)
      %dma_wait3A = arith.constant 0 : i32
      %dma_wait3A_23 = tpu.memref_slice %arg5[%arg0, %mul3A_18, %dma_wait3A] : memref<2x10240x128xf32, #tpu.memory_space<hbm>> -> memref<1x640x128xf32, #tpu.memory_space<hbm>>
      %dma_wait3A_24 = tpu.memref_squeeze %dma_wait3A_23 : memref<1x640x128xf32, #tpu.memory_space<hbm>> -> memref<640x128xf32, #tpu.memory_space<hbm>>
      %dma_wait3A_25 = arith.constant 0 : i32
      %dma_wait3A_26 = tpu.memref_slice %arg8[%mul3A_16, %dma_wait3A_25] : memref<10240x128xf32, #tpu.memory_space<vmem_shared>> -> memref<640x128xf32, #tpu.memory_space<vmem_shared>>
      tpu.wait_dma2 semaphore(%run_scoped3A : memref<!tpu.dma_semaphore, #tpu.memory_space<semaphore_mem>>) src(%dma_wait3A_26 : memref<640x128xf32, #tpu.memory_space<vmem_shared>>) dst(%dma_wait3A_24 : memref<640x128xf32, #tpu.memory_space<hbm>>)
      tpu.yield
    }) : () -> ()
    return
  }
}

#map = affine_map<(d0, d1) -> (0, 0)>
#map1 = affine_map<(d0, d1) -> (0)>
module attributes {stable_mosaic.version = 14 : i64} {
  func.func @k(%arg0: i32, %arg1: i32, %arg2: memref<3364x256xf32, #tpu.memory_space<hbm>>, %arg3: memref<24576xi32, #tpu.memory_space<hbm>>, %arg4: memref<10240x256xf32, #tpu.memory_space<hbm>>, %arg5: memref<10240x256xf32, #tpu.memory_space<hbm>>, %arg6: memref<2x384xi32, #tpu.memory_space<vmem>>, %arg7: memref<320x256xf32, #tpu.memory_space<vmem>>, %arg8: memref<!tpu.dma_semaphore, #tpu.memory_space<semaphore_mem>>) attributes {dimension_semantics = [#tpu.dimension_semantics<core_parallel>, #tpu.dimension_semantics<subcore_parallel>], iteration_bounds = array<i64: 2, 16>, scalar_prefetch = 0 : i64, scratch_operands = 3 : i64, tpu.core_type = #tpu.core_type<sc_vector_subcore>, window_params = [{transform_indices = #map}, {transform_indices = #map1}, {transform_indices = #map}, {transform_indices = #map}]} {
    %mul3A = arith.constant 2 : i32
    %mul3A_0 = arith.muli %arg1, %mul3A : i32
    %add3A = arith.addi %mul3A_0, %arg0 : i32
    %mul3A_1 = arith.constant 320 : i32
    %mul3A_2 = arith.muli %add3A, %mul3A_1 : i32
    %add3A_3 = arith.constant 0 : i32
    %add3A_4 = arith.addi %add3A_3, %add3A : i32
    %mul3A_5 = arith.constant 384 : i32
    %mul3A_6 = arith.muli %add3A_4, %mul3A_5 : i32
    %run_scoped3A = arith.constant 0 : i32
    "tpu.region"() ({
      %run_scoped3A_130 = tpu.sem_alloc : memref<!tpu.dma_semaphore, #tpu.memory_space<semaphore_mem>>
      %dma_start3A_131 = arith.constant 0 : i32
      %dma_start3A_132 = tpu.memref_slice %arg6[%run_scoped3A, %dma_start3A_131] : memref<2x384xi32, #tpu.memory_space<vmem>> -> memref<1x384xi32, #tpu.memory_space<vmem>>
      %dma_start3A_133 = tpu.memref_squeeze %dma_start3A_132 : memref<1x384xi32, #tpu.memory_space<vmem>> -> memref<384xi32, #tpu.memory_space<vmem>>
      %dma_start3A_134 = tpu.memref_slice %arg3[%mul3A_6] : memref<24576xi32, #tpu.memory_space<hbm>> -> memref<384xi32, #tpu.memory_space<hbm>>
      %dma_start3A_135 = arith.constant 0 : i32
      %dma_start3A_136 = tpu.memref_slice %arg6[%run_scoped3A, %dma_start3A_135] : memref<2x384xi32, #tpu.memory_space<vmem>> -> memref<1x384xi32, #tpu.memory_space<vmem>>
      %dma_start3A_137 = tpu.memref_squeeze %dma_start3A_136 : memref<1x384xi32, #tpu.memory_space<vmem>> -> memref<384xi32, #tpu.memory_space<vmem>>
      %dma_start3A_138 = tpu.memref_slice %arg3[%mul3A_6] : memref<24576xi32, #tpu.memory_space<hbm>> -> memref<384xi32, #tpu.memory_space<hbm>>
      tpu.enqueue_dma source(%dma_start3A_138 : memref<384xi32, #tpu.memory_space<hbm>>) target(%dma_start3A_137 : memref<384xi32, #tpu.memory_space<vmem>>) target_semaphore(%run_scoped3A_130 : memref<!tpu.dma_semaphore, #tpu.memory_space<semaphore_mem>>)
      %dma_wait3A_139 = arith.constant 0 : i32
      %dma_wait3A_140 = tpu.memref_slice %arg6[%run_scoped3A, %dma_wait3A_139] : memref<2x384xi32, #tpu.memory_space<vmem>> -> memref<1x384xi32, #tpu.memory_space<vmem>>
      %dma_wait3A_141 = tpu.memref_squeeze %dma_wait3A_140 : memref<1x384xi32, #tpu.memory_space<vmem>> -> memref<384xi32, #tpu.memory_space<vmem>>
      %dma_wait3A_142 = tpu.memref_slice %arg3[%mul3A_6] : memref<24576xi32, #tpu.memory_space<hbm>> -> memref<384xi32, #tpu.memory_space<hbm>>
      %dma_wait3A_143 = arith.constant 0 : i32
      %dma_wait3A_144 = tpu.memref_slice %arg6[%run_scoped3A, %dma_wait3A_143] : memref<2x384xi32, #tpu.memory_space<vmem>> -> memref<1x384xi32, #tpu.memory_space<vmem>>
      %dma_wait3A_145 = tpu.memref_squeeze %dma_wait3A_144 : memref<1x384xi32, #tpu.memory_space<vmem>> -> memref<384xi32, #tpu.memory_space<vmem>>
      %dma_wait3A_146 = tpu.memref_slice %arg3[%mul3A_6] : memref<24576xi32, #tpu.memory_space<hbm>> -> memref<384xi32, #tpu.memory_space<hbm>>
      tpu.wait_dma2 semaphore(%run_scoped3A_130 : memref<!tpu.dma_semaphore, #tpu.memory_space<semaphore_mem>>) src(%dma_wait3A_146 : memref<384xi32, #tpu.memory_space<hbm>>) dst(%dma_wait3A_145 : memref<384xi32, #tpu.memory_space<vmem>>)
      tpu.yield
    }) : () -> ()
    %add3A_7 = arith.constant 32 : i32
    %add3A_8 = arith.addi %add3A_7, %add3A : i32
    %mul3A_9 = arith.constant 384 : i32
    %mul3A_10 = arith.muli %add3A_8, %mul3A_9 : i32
    %run_scoped3A_11 = arith.constant 1 : i32
    "tpu.region"() ({
      %run_scoped3A_130 = tpu.sem_alloc : memref<!tpu.dma_semaphore, #tpu.memory_space<semaphore_mem>>
      %dma_start3A_131 = arith.constant 0 : i32
      %dma_start3A_132 = tpu.memref_slice %arg6[%run_scoped3A_11, %dma_start3A_131] : memref<2x384xi32, #tpu.memory_space<vmem>> -> memref<1x384xi32, #tpu.memory_space<vmem>>
      %dma_start3A_133 = tpu.memref_squeeze %dma_start3A_132 : memref<1x384xi32, #tpu.memory_space<vmem>> -> memref<384xi32, #tpu.memory_space<vmem>>
      %dma_start3A_134 = tpu.memref_slice %arg3[%mul3A_10] : memref<24576xi32, #tpu.memory_space<hbm>> -> memref<384xi32, #tpu.memory_space<hbm>>
      %dma_start3A_135 = arith.constant 0 : i32
      %dma_start3A_136 = tpu.memref_slice %arg6[%run_scoped3A_11, %dma_start3A_135] : memref<2x384xi32, #tpu.memory_space<vmem>> -> memref<1x384xi32, #tpu.memory_space<vmem>>
      %dma_start3A_137 = tpu.memref_squeeze %dma_start3A_136 : memref<1x384xi32, #tpu.memory_space<vmem>> -> memref<384xi32, #tpu.memory_space<vmem>>
      %dma_start3A_138 = tpu.memref_slice %arg3[%mul3A_10] : memref<24576xi32, #tpu.memory_space<hbm>> -> memref<384xi32, #tpu.memory_space<hbm>>
      tpu.enqueue_dma source(%dma_start3A_138 : memref<384xi32, #tpu.memory_space<hbm>>) target(%dma_start3A_137 : memref<384xi32, #tpu.memory_space<vmem>>) target_semaphore(%run_scoped3A_130 : memref<!tpu.dma_semaphore, #tpu.memory_space<semaphore_mem>>)
      %dma_wait3A_139 = arith.constant 0 : i32
      %dma_wait3A_140 = tpu.memref_slice %arg6[%run_scoped3A_11, %dma_wait3A_139] : memref<2x384xi32, #tpu.memory_space<vmem>> -> memref<1x384xi32, #tpu.memory_space<vmem>>
      %dma_wait3A_141 = tpu.memref_squeeze %dma_wait3A_140 : memref<1x384xi32, #tpu.memory_space<vmem>> -> memref<384xi32, #tpu.memory_space<vmem>>
      %dma_wait3A_142 = tpu.memref_slice %arg3[%mul3A_10] : memref<24576xi32, #tpu.memory_space<hbm>> -> memref<384xi32, #tpu.memory_space<hbm>>
      %dma_wait3A_143 = arith.constant 0 : i32
      %dma_wait3A_144 = tpu.memref_slice %arg6[%run_scoped3A_11, %dma_wait3A_143] : memref<2x384xi32, #tpu.memory_space<vmem>> -> memref<1x384xi32, #tpu.memory_space<vmem>>
      %dma_wait3A_145 = tpu.memref_squeeze %dma_wait3A_144 : memref<1x384xi32, #tpu.memory_space<vmem>> -> memref<384xi32, #tpu.memory_space<vmem>>
      %dma_wait3A_146 = tpu.memref_slice %arg3[%mul3A_10] : memref<24576xi32, #tpu.memory_space<hbm>> -> memref<384xi32, #tpu.memory_space<hbm>>
      tpu.wait_dma2 semaphore(%run_scoped3A_130 : memref<!tpu.dma_semaphore, #tpu.memory_space<semaphore_mem>>) src(%dma_wait3A_146 : memref<384xi32, #tpu.memory_space<hbm>>) dst(%dma_wait3A_145 : memref<384xi32, #tpu.memory_space<vmem>>)
      tpu.yield
    }) : () -> ()
    %dma_start3A = arith.constant 0 : i32
    %dma_start3A_12 = arith.constant 0 : i32
    %dma_start3A_13 = arith.constant 0 : i32
    %dma_start3A_14 = tpu.memref_slice %arg7[%dma_start3A_12, %dma_start3A_13] : memref<320x256xf32, #tpu.memory_space<vmem>> -> memref<128x256xf32, #tpu.memory_space<vmem>>
    %dma_start3A_15 = arith.constant 0 : i32
    %dma_start3A_16 = tpu.memref_slice %arg6[%dma_start3A, %dma_start3A_15] : memref<2x384xi32, #tpu.memory_space<vmem>> -> memref<1x128xi32, #tpu.memory_space<vmem>>
    %dma_start3A_17 = tpu.memref_squeeze %dma_start3A_16 : memref<1x128xi32, #tpu.memory_space<vmem>> -> memref<128xi32, #tpu.memory_space<vmem>>
    %dma_start3A_18 = arith.constant 0 : i32
    %dma_start3A_19 = arith.constant 0 : i32
    %dma_start3A_20 = tpu.memref_slice %arg2[%dma_start3A_18, %dma_start3A_19] : memref<3364x256xf32, #tpu.memory_space<hbm>> -> memref<3364x256xf32, #tpu.memory_space<hbm>>
    tpu.enqueue_indirect_dma source(%dma_start3A_20 : memref<3364x256xf32, #tpu.memory_space<hbm>>) target(%dma_start3A_14 : memref<128x256xf32, #tpu.memory_space<vmem>>) offsets(%dma_start3A_17 : memref<128xi32, #tpu.memory_space<vmem>>) semaphore(%arg8 : memref<!tpu.dma_semaphore, #tpu.memory_space<semaphore_mem>>)
    %dma_wait3A = arith.constant 0 : i32
    %dma_wait3A_21 = arith.constant 0 : i32
    %dma_wait3A_22 = arith.constant 0 : i32
    %dma_wait3A_23 = tpu.memref_slice %arg7[%dma_wait3A_21, %dma_wait3A_22] : memref<320x256xf32, #tpu.memory_space<vmem>> -> memref<128x256xf32, #tpu.memory_space<vmem>>
    %dma_wait3A_24 = arith.constant 0 : i32
    %dma_wait3A_25 = tpu.memref_slice %arg6[%dma_wait3A, %dma_wait3A_24] : memref<2x384xi32, #tpu.memory_space<vmem>> -> memref<1x128xi32, #tpu.memory_space<vmem>>
    %dma_wait3A_26 = tpu.memref_squeeze %dma_wait3A_25 : memref<1x128xi32, #tpu.memory_space<vmem>> -> memref<128xi32, #tpu.memory_space<vmem>>
    %dma_wait3A_27 = arith.constant 0 : i32
    %dma_wait3A_28 = arith.constant 0 : i32
    %dma_wait3A_29 = tpu.memref_slice %arg2[%dma_wait3A_27, %dma_wait3A_28] : memref<3364x256xf32, #tpu.memory_space<hbm>> -> memref<3364x256xf32, #tpu.memory_space<hbm>>
    tpu.wait_indirect_dma semaphore(%arg8 : memref<!tpu.dma_semaphore, #tpu.memory_space<semaphore_mem>>) src(%dma_wait3A_29 : memref<3364x256xf32, #tpu.memory_space<hbm>>) dst(%dma_wait3A_23 : memref<128x256xf32, #tpu.memory_space<vmem>>)
    %dma_start3A_30 = arith.constant 0 : i32
    %dma_start3A_31 = arith.constant 128 : i32
    %dma_start3A_32 = arith.constant 0 : i32
    %dma_start3A_33 = tpu.memref_slice %arg7[%dma_start3A_31, %dma_start3A_32] : memref<320x256xf32, #tpu.memory_space<vmem>> -> memref<128x256xf32, #tpu.memory_space<vmem>>
    %dma_start3A_34 = arith.constant 128 : i32
    %dma_start3A_35 = tpu.memref_slice %arg6[%dma_start3A_30, %dma_start3A_34] : memref<2x384xi32, #tpu.memory_space<vmem>> -> memref<1x128xi32, #tpu.memory_space<vmem>>
    %dma_start3A_36 = tpu.memref_squeeze %dma_start3A_35 : memref<1x128xi32, #tpu.memory_space<vmem>> -> memref<128xi32, #tpu.memory_space<vmem>>
    %dma_start3A_37 = arith.constant 0 : i32
    %dma_start3A_38 = arith.constant 0 : i32
    %dma_start3A_39 = tpu.memref_slice %arg2[%dma_start3A_37, %dma_start3A_38] : memref<3364x256xf32, #tpu.memory_space<hbm>> -> memref<3364x256xf32, #tpu.memory_space<hbm>>
    tpu.enqueue_indirect_dma source(%dma_start3A_39 : memref<3364x256xf32, #tpu.memory_space<hbm>>) target(%dma_start3A_33 : memref<128x256xf32, #tpu.memory_space<vmem>>) offsets(%dma_start3A_36 : memref<128xi32, #tpu.memory_space<vmem>>) semaphore(%arg8 : memref<!tpu.dma_semaphore, #tpu.memory_space<semaphore_mem>>)
    %dma_wait3A_40 = arith.constant 0 : i32
    %dma_wait3A_41 = arith.constant 128 : i32
    %dma_wait3A_42 = arith.constant 0 : i32
    %dma_wait3A_43 = tpu.memref_slice %arg7[%dma_wait3A_41, %dma_wait3A_42] : memref<320x256xf32, #tpu.memory_space<vmem>> -> memref<128x256xf32, #tpu.memory_space<vmem>>
    %dma_wait3A_44 = arith.constant 128 : i32
    %dma_wait3A_45 = tpu.memref_slice %arg6[%dma_wait3A_40, %dma_wait3A_44] : memref<2x384xi32, #tpu.memory_space<vmem>> -> memref<1x128xi32, #tpu.memory_space<vmem>>
    %dma_wait3A_46 = tpu.memref_squeeze %dma_wait3A_45 : memref<1x128xi32, #tpu.memory_space<vmem>> -> memref<128xi32, #tpu.memory_space<vmem>>
    %dma_wait3A_47 = arith.constant 0 : i32
    %dma_wait3A_48 = arith.constant 0 : i32
    %dma_wait3A_49 = tpu.memref_slice %arg2[%dma_wait3A_47, %dma_wait3A_48] : memref<3364x256xf32, #tpu.memory_space<hbm>> -> memref<3364x256xf32, #tpu.memory_space<hbm>>
    tpu.wait_indirect_dma semaphore(%arg8 : memref<!tpu.dma_semaphore, #tpu.memory_space<semaphore_mem>>) src(%dma_wait3A_49 : memref<3364x256xf32, #tpu.memory_space<hbm>>) dst(%dma_wait3A_43 : memref<128x256xf32, #tpu.memory_space<vmem>>)
    %dma_start3A_50 = arith.constant 0 : i32
    %dma_start3A_51 = arith.constant 256 : i32
    %dma_start3A_52 = arith.constant 0 : i32
    %dma_start3A_53 = tpu.memref_slice %arg7[%dma_start3A_51, %dma_start3A_52] : memref<320x256xf32, #tpu.memory_space<vmem>> -> memref<64x256xf32, #tpu.memory_space<vmem>>
    %dma_start3A_54 = arith.constant 256 : i32
    %dma_start3A_55 = tpu.memref_slice %arg6[%dma_start3A_50, %dma_start3A_54] : memref<2x384xi32, #tpu.memory_space<vmem>> -> memref<1x64xi32, #tpu.memory_space<vmem>>
    %dma_start3A_56 = tpu.memref_squeeze %dma_start3A_55 : memref<1x64xi32, #tpu.memory_space<vmem>> -> memref<64xi32, #tpu.memory_space<vmem>>
    %dma_start3A_57 = arith.constant 0 : i32
    %dma_start3A_58 = arith.constant 0 : i32
    %dma_start3A_59 = tpu.memref_slice %arg2[%dma_start3A_57, %dma_start3A_58] : memref<3364x256xf32, #tpu.memory_space<hbm>> -> memref<3364x256xf32, #tpu.memory_space<hbm>>
    tpu.enqueue_indirect_dma source(%dma_start3A_59 : memref<3364x256xf32, #tpu.memory_space<hbm>>) target(%dma_start3A_53 : memref<64x256xf32, #tpu.memory_space<vmem>>) offsets(%dma_start3A_56 : memref<64xi32, #tpu.memory_space<vmem>>) semaphore(%arg8 : memref<!tpu.dma_semaphore, #tpu.memory_space<semaphore_mem>>)
    %dma_wait3A_60 = arith.constant 0 : i32
    %dma_wait3A_61 = arith.constant 256 : i32
    %dma_wait3A_62 = arith.constant 0 : i32
    %dma_wait3A_63 = tpu.memref_slice %arg7[%dma_wait3A_61, %dma_wait3A_62] : memref<320x256xf32, #tpu.memory_space<vmem>> -> memref<64x256xf32, #tpu.memory_space<vmem>>
    %dma_wait3A_64 = arith.constant 256 : i32
    %dma_wait3A_65 = tpu.memref_slice %arg6[%dma_wait3A_60, %dma_wait3A_64] : memref<2x384xi32, #tpu.memory_space<vmem>> -> memref<1x64xi32, #tpu.memory_space<vmem>>
    %dma_wait3A_66 = tpu.memref_squeeze %dma_wait3A_65 : memref<1x64xi32, #tpu.memory_space<vmem>> -> memref<64xi32, #tpu.memory_space<vmem>>
    %dma_wait3A_67 = arith.constant 0 : i32
    %dma_wait3A_68 = arith.constant 0 : i32
    %dma_wait3A_69 = tpu.memref_slice %arg2[%dma_wait3A_67, %dma_wait3A_68] : memref<3364x256xf32, #tpu.memory_space<hbm>> -> memref<3364x256xf32, #tpu.memory_space<hbm>>
    tpu.wait_indirect_dma semaphore(%arg8 : memref<!tpu.dma_semaphore, #tpu.memory_space<semaphore_mem>>) src(%dma_wait3A_69 : memref<3364x256xf32, #tpu.memory_space<hbm>>) dst(%dma_wait3A_63 : memref<64x256xf32, #tpu.memory_space<vmem>>)
    "tpu.region"() ({
      %run_scoped3A_130 = tpu.sem_alloc : memref<!tpu.dma_semaphore, #tpu.memory_space<semaphore_mem>>
      %dma_start3A_131 = arith.constant 0 : i32
      %dma_start3A_132 = tpu.memref_slice %arg4[%mul3A_2, %dma_start3A_131] : memref<10240x256xf32, #tpu.memory_space<hbm>> -> memref<320x256xf32, #tpu.memory_space<hbm>>
      %dma_start3A_133 = arith.constant 0 : i32
      %dma_start3A_134 = tpu.memref_slice %arg4[%mul3A_2, %dma_start3A_133] : memref<10240x256xf32, #tpu.memory_space<hbm>> -> memref<320x256xf32, #tpu.memory_space<hbm>>
      tpu.enqueue_dma source(%arg7 : memref<320x256xf32, #tpu.memory_space<vmem>>) target(%dma_start3A_134 : memref<320x256xf32, #tpu.memory_space<hbm>>) target_semaphore(%run_scoped3A_130 : memref<!tpu.dma_semaphore, #tpu.memory_space<semaphore_mem>>)
      %dma_wait3A_135 = arith.constant 0 : i32
      %dma_wait3A_136 = tpu.memref_slice %arg4[%mul3A_2, %dma_wait3A_135] : memref<10240x256xf32, #tpu.memory_space<hbm>> -> memref<320x256xf32, #tpu.memory_space<hbm>>
      %dma_wait3A_137 = arith.constant 0 : i32
      %dma_wait3A_138 = tpu.memref_slice %arg4[%mul3A_2, %dma_wait3A_137] : memref<10240x256xf32, #tpu.memory_space<hbm>> -> memref<320x256xf32, #tpu.memory_space<hbm>>
      tpu.wait_dma2 semaphore(%run_scoped3A_130 : memref<!tpu.dma_semaphore, #tpu.memory_space<semaphore_mem>>) src(%arg7 : memref<320x256xf32, #tpu.memory_space<vmem>>) dst(%dma_wait3A_138 : memref<320x256xf32, #tpu.memory_space<hbm>>)
      tpu.yield
    }) : () -> ()
    %dma_start3A_70 = arith.constant 1 : i32
    %dma_start3A_71 = arith.constant 0 : i32
    %dma_start3A_72 = arith.constant 0 : i32
    %dma_start3A_73 = tpu.memref_slice %arg7[%dma_start3A_71, %dma_start3A_72] : memref<320x256xf32, #tpu.memory_space<vmem>> -> memref<128x256xf32, #tpu.memory_space<vmem>>
    %dma_start3A_74 = arith.constant 0 : i32
    %dma_start3A_75 = tpu.memref_slice %arg6[%dma_start3A_70, %dma_start3A_74] : memref<2x384xi32, #tpu.memory_space<vmem>> -> memref<1x128xi32, #tpu.memory_space<vmem>>
    %dma_start3A_76 = tpu.memref_squeeze %dma_start3A_75 : memref<1x128xi32, #tpu.memory_space<vmem>> -> memref<128xi32, #tpu.memory_space<vmem>>
    %dma_start3A_77 = arith.constant 0 : i32
    %dma_start3A_78 = arith.constant 0 : i32
    %dma_start3A_79 = tpu.memref_slice %arg2[%dma_start3A_77, %dma_start3A_78] : memref<3364x256xf32, #tpu.memory_space<hbm>> -> memref<3364x256xf32, #tpu.memory_space<hbm>>
    tpu.enqueue_indirect_dma source(%dma_start3A_79 : memref<3364x256xf32, #tpu.memory_space<hbm>>) target(%dma_start3A_73 : memref<128x256xf32, #tpu.memory_space<vmem>>) offsets(%dma_start3A_76 : memref<128xi32, #tpu.memory_space<vmem>>) semaphore(%arg8 : memref<!tpu.dma_semaphore, #tpu.memory_space<semaphore_mem>>)
    %dma_wait3A_80 = arith.constant 1 : i32
    %dma_wait3A_81 = arith.constant 0 : i32
    %dma_wait3A_82 = arith.constant 0 : i32
    %dma_wait3A_83 = tpu.memref_slice %arg7[%dma_wait3A_81, %dma_wait3A_82] : memref<320x256xf32, #tpu.memory_space<vmem>> -> memref<128x256xf32, #tpu.memory_space<vmem>>
    %dma_wait3A_84 = arith.constant 0 : i32
    %dma_wait3A_85 = tpu.memref_slice %arg6[%dma_wait3A_80, %dma_wait3A_84] : memref<2x384xi32, #tpu.memory_space<vmem>> -> memref<1x128xi32, #tpu.memory_space<vmem>>
    %dma_wait3A_86 = tpu.memref_squeeze %dma_wait3A_85 : memref<1x128xi32, #tpu.memory_space<vmem>> -> memref<128xi32, #tpu.memory_space<vmem>>
    %dma_wait3A_87 = arith.constant 0 : i32
    %dma_wait3A_88 = arith.constant 0 : i32
    %dma_wait3A_89 = tpu.memref_slice %arg2[%dma_wait3A_87, %dma_wait3A_88] : memref<3364x256xf32, #tpu.memory_space<hbm>> -> memref<3364x256xf32, #tpu.memory_space<hbm>>
    tpu.wait_indirect_dma semaphore(%arg8 : memref<!tpu.dma_semaphore, #tpu.memory_space<semaphore_mem>>) src(%dma_wait3A_89 : memref<3364x256xf32, #tpu.memory_space<hbm>>) dst(%dma_wait3A_83 : memref<128x256xf32, #tpu.memory_space<vmem>>)
    %dma_start3A_90 = arith.constant 1 : i32
    %dma_start3A_91 = arith.constant 128 : i32
    %dma_start3A_92 = arith.constant 0 : i32
    %dma_start3A_93 = tpu.memref_slice %arg7[%dma_start3A_91, %dma_start3A_92] : memref<320x256xf32, #tpu.memory_space<vmem>> -> memref<128x256xf32, #tpu.memory_space<vmem>>
    %dma_start3A_94 = arith.constant 128 : i32
    %dma_start3A_95 = tpu.memref_slice %arg6[%dma_start3A_90, %dma_start3A_94] : memref<2x384xi32, #tpu.memory_space<vmem>> -> memref<1x128xi32, #tpu.memory_space<vmem>>
    %dma_start3A_96 = tpu.memref_squeeze %dma_start3A_95 : memref<1x128xi32, #tpu.memory_space<vmem>> -> memref<128xi32, #tpu.memory_space<vmem>>
    %dma_start3A_97 = arith.constant 0 : i32
    %dma_start3A_98 = arith.constant 0 : i32
    %dma_start3A_99 = tpu.memref_slice %arg2[%dma_start3A_97, %dma_start3A_98] : memref<3364x256xf32, #tpu.memory_space<hbm>> -> memref<3364x256xf32, #tpu.memory_space<hbm>>
    tpu.enqueue_indirect_dma source(%dma_start3A_99 : memref<3364x256xf32, #tpu.memory_space<hbm>>) target(%dma_start3A_93 : memref<128x256xf32, #tpu.memory_space<vmem>>) offsets(%dma_start3A_96 : memref<128xi32, #tpu.memory_space<vmem>>) semaphore(%arg8 : memref<!tpu.dma_semaphore, #tpu.memory_space<semaphore_mem>>)
    %dma_wait3A_100 = arith.constant 1 : i32
    %dma_wait3A_101 = arith.constant 128 : i32
    %dma_wait3A_102 = arith.constant 0 : i32
    %dma_wait3A_103 = tpu.memref_slice %arg7[%dma_wait3A_101, %dma_wait3A_102] : memref<320x256xf32, #tpu.memory_space<vmem>> -> memref<128x256xf32, #tpu.memory_space<vmem>>
    %dma_wait3A_104 = arith.constant 128 : i32
    %dma_wait3A_105 = tpu.memref_slice %arg6[%dma_wait3A_100, %dma_wait3A_104] : memref<2x384xi32, #tpu.memory_space<vmem>> -> memref<1x128xi32, #tpu.memory_space<vmem>>
    %dma_wait3A_106 = tpu.memref_squeeze %dma_wait3A_105 : memref<1x128xi32, #tpu.memory_space<vmem>> -> memref<128xi32, #tpu.memory_space<vmem>>
    %dma_wait3A_107 = arith.constant 0 : i32
    %dma_wait3A_108 = arith.constant 0 : i32
    %dma_wait3A_109 = tpu.memref_slice %arg2[%dma_wait3A_107, %dma_wait3A_108] : memref<3364x256xf32, #tpu.memory_space<hbm>> -> memref<3364x256xf32, #tpu.memory_space<hbm>>
    tpu.wait_indirect_dma semaphore(%arg8 : memref<!tpu.dma_semaphore, #tpu.memory_space<semaphore_mem>>) src(%dma_wait3A_109 : memref<3364x256xf32, #tpu.memory_space<hbm>>) dst(%dma_wait3A_103 : memref<128x256xf32, #tpu.memory_space<vmem>>)
    %dma_start3A_110 = arith.constant 1 : i32
    %dma_start3A_111 = arith.constant 256 : i32
    %dma_start3A_112 = arith.constant 0 : i32
    %dma_start3A_113 = tpu.memref_slice %arg7[%dma_start3A_111, %dma_start3A_112] : memref<320x256xf32, #tpu.memory_space<vmem>> -> memref<64x256xf32, #tpu.memory_space<vmem>>
    %dma_start3A_114 = arith.constant 256 : i32
    %dma_start3A_115 = tpu.memref_slice %arg6[%dma_start3A_110, %dma_start3A_114] : memref<2x384xi32, #tpu.memory_space<vmem>> -> memref<1x64xi32, #tpu.memory_space<vmem>>
    %dma_start3A_116 = tpu.memref_squeeze %dma_start3A_115 : memref<1x64xi32, #tpu.memory_space<vmem>> -> memref<64xi32, #tpu.memory_space<vmem>>
    %dma_start3A_117 = arith.constant 0 : i32
    %dma_start3A_118 = arith.constant 0 : i32
    %dma_start3A_119 = tpu.memref_slice %arg2[%dma_start3A_117, %dma_start3A_118] : memref<3364x256xf32, #tpu.memory_space<hbm>> -> memref<3364x256xf32, #tpu.memory_space<hbm>>
    tpu.enqueue_indirect_dma source(%dma_start3A_119 : memref<3364x256xf32, #tpu.memory_space<hbm>>) target(%dma_start3A_113 : memref<64x256xf32, #tpu.memory_space<vmem>>) offsets(%dma_start3A_116 : memref<64xi32, #tpu.memory_space<vmem>>) semaphore(%arg8 : memref<!tpu.dma_semaphore, #tpu.memory_space<semaphore_mem>>)
    %dma_wait3A_120 = arith.constant 1 : i32
    %dma_wait3A_121 = arith.constant 256 : i32
    %dma_wait3A_122 = arith.constant 0 : i32
    %dma_wait3A_123 = tpu.memref_slice %arg7[%dma_wait3A_121, %dma_wait3A_122] : memref<320x256xf32, #tpu.memory_space<vmem>> -> memref<64x256xf32, #tpu.memory_space<vmem>>
    %dma_wait3A_124 = arith.constant 256 : i32
    %dma_wait3A_125 = tpu.memref_slice %arg6[%dma_wait3A_120, %dma_wait3A_124] : memref<2x384xi32, #tpu.memory_space<vmem>> -> memref<1x64xi32, #tpu.memory_space<vmem>>
    %dma_wait3A_126 = tpu.memref_squeeze %dma_wait3A_125 : memref<1x64xi32, #tpu.memory_space<vmem>> -> memref<64xi32, #tpu.memory_space<vmem>>
    %dma_wait3A_127 = arith.constant 0 : i32
    %dma_wait3A_128 = arith.constant 0 : i32
    %dma_wait3A_129 = tpu.memref_slice %arg2[%dma_wait3A_127, %dma_wait3A_128] : memref<3364x256xf32, #tpu.memory_space<hbm>> -> memref<3364x256xf32, #tpu.memory_space<hbm>>
    tpu.wait_indirect_dma semaphore(%arg8 : memref<!tpu.dma_semaphore, #tpu.memory_space<semaphore_mem>>) src(%dma_wait3A_129 : memref<3364x256xf32, #tpu.memory_space<hbm>>) dst(%dma_wait3A_123 : memref<64x256xf32, #tpu.memory_space<vmem>>)
    "tpu.region"() ({
      %run_scoped3A_130 = tpu.sem_alloc : memref<!tpu.dma_semaphore, #tpu.memory_space<semaphore_mem>>
      %dma_start3A_131 = arith.constant 0 : i32
      %dma_start3A_132 = tpu.memref_slice %arg5[%mul3A_2, %dma_start3A_131] : memref<10240x256xf32, #tpu.memory_space<hbm>> -> memref<320x256xf32, #tpu.memory_space<hbm>>
      %dma_start3A_133 = arith.constant 0 : i32
      %dma_start3A_134 = tpu.memref_slice %arg5[%mul3A_2, %dma_start3A_133] : memref<10240x256xf32, #tpu.memory_space<hbm>> -> memref<320x256xf32, #tpu.memory_space<hbm>>
      tpu.enqueue_dma source(%arg7 : memref<320x256xf32, #tpu.memory_space<vmem>>) target(%dma_start3A_134 : memref<320x256xf32, #tpu.memory_space<hbm>>) target_semaphore(%run_scoped3A_130 : memref<!tpu.dma_semaphore, #tpu.memory_space<semaphore_mem>>)
      %dma_wait3A_135 = arith.constant 0 : i32
      %dma_wait3A_136 = tpu.memref_slice %arg5[%mul3A_2, %dma_wait3A_135] : memref<10240x256xf32, #tpu.memory_space<hbm>> -> memref<320x256xf32, #tpu.memory_space<hbm>>
      %dma_wait3A_137 = arith.constant 0 : i32
      %dma_wait3A_138 = tpu.memref_slice %arg5[%mul3A_2, %dma_wait3A_137] : memref<10240x256xf32, #tpu.memory_space<hbm>> -> memref<320x256xf32, #tpu.memory_space<hbm>>
      tpu.wait_dma2 semaphore(%run_scoped3A_130 : memref<!tpu.dma_semaphore, #tpu.memory_space<semaphore_mem>>) src(%arg7 : memref<320x256xf32, #tpu.memory_space<vmem>>) dst(%dma_wait3A_138 : memref<320x256xf32, #tpu.memory_space<hbm>>)
      tpu.yield
    }) : () -> ()
    return
  }
}

#map = affine_map<(d0, d1) -> (0, 0)>
#map1 = affine_map<(d0, d1) -> (0, 0, 0, 0)>
#map2 = affine_map<(d0, d1) -> (0, 0, 0)>
module attributes {stable_mosaic.version = 14 : i64} {
  func.func @k(%arg0: i32, %arg1: i32, %arg2: memref<10240x128xf32, #tpu.memory_space<hbm>>, %arg3: memref<32x173x2x128xi32, #tpu.memory_space<hbm>>, %arg4: memref<640x128xf32, #tpu.memory_space<hbm>>, %arg5: memref<2x10240x128xf32, #tpu.memory_space<hbm>>, %arg6: memref<2x128xi32, #tpu.memory_space<vmem>>, %arg7: memref<128x128xf32, #tpu.memory_space<vmem>>, %arg8: memref<10240x128xf32, #tpu.memory_space<vmem_shared>>, %arg9: memref<!tpu.dma_semaphore, #tpu.memory_space<semaphore_mem>>) attributes {dimension_semantics = [#tpu.dimension_semantics<core_parallel>, #tpu.dimension_semantics<subcore_parallel>], iteration_bounds = array<i64: 2, 16>, scalar_prefetch = 0 : i64, scratch_operands = 4 : i64, tpu.core_type = #tpu.core_type<sc_vector_subcore>, window_params = [{transform_indices = #map}, {transform_indices = #map1}, {transform_indices = #map}, {transform_indices = #map2}]} {
    %mul3A = arith.constant 2 : i32
    %mul3A_0 = arith.muli %arg1, %mul3A : i32
    %add3A = arith.addi %mul3A_0, %arg0 : i32
    %mul3A_1 = arith.constant 640 : i32
    %mul3A_2 = arith.muli %arg1, %mul3A_1 : i32
    "tpu.region"() ({
      %run_scoped3A = tpu.sem_alloc : memref<!tpu.dma_semaphore, #tpu.memory_space<semaphore_mem>>
      %dma_start3A = arith.constant 0 : i32
      %dma_start3A_19 = tpu.memref_slice %arg8[%mul3A_2, %dma_start3A] : memref<10240x128xf32, #tpu.memory_space<vmem_shared>> -> memref<640x128xf32, #tpu.memory_space<vmem_shared>>
      tpu.enqueue_dma source(%arg4 : memref<640x128xf32, #tpu.memory_space<hbm>>) target(%dma_start3A_19 : memref<640x128xf32, #tpu.memory_space<vmem_shared>>) target_semaphore(%run_scoped3A : memref<!tpu.dma_semaphore, #tpu.memory_space<semaphore_mem>>)
      %dma_wait3A = arith.constant 0 : i32
      %dma_wait3A_20 = tpu.memref_slice %arg8[%mul3A_2, %dma_wait3A] : memref<10240x128xf32, #tpu.memory_space<vmem_shared>> -> memref<640x128xf32, #tpu.memory_space<vmem_shared>>
      tpu.wait_dma2 semaphore(%run_scoped3A : memref<!tpu.dma_semaphore, #tpu.memory_space<semaphore_mem>>) src(%arg4 : memref<640x128xf32, #tpu.memory_space<hbm>>) dst(%dma_wait3A_20 : memref<640x128xf32, #tpu.memory_space<vmem_shared>>)
      tpu.yield
    }) : () -> ()
    %barrier3A = arith.constant 0 : index
    tpu.barrier barrier_id(%barrier3A)
    %eq3A = arith.constant 0 : i32
    %eq3A_3 = arith.cmpi eq, %arg0, %eq3A : i32
    %jit3A = arith.constant 173 : i32
    %jit3A_4 = arith.constant 141 : i32
    %select_n3A = arith.select %eq3A_3, %jit3A, %jit3A_4 : i32
    %while3A = arith.constant 0 : i32
    %while3A_5 = arith.constant 0 : i32
    %while3A_6 = arith.subi %select_n3A, %while3A_5 : i32
    %while3A_7 = arith.addi %while3A_5, %while3A_6 : i32
    %while3A_8 = arith.constant 1 : i32
    %while3A_9 = arith.divsi %while3A_6, %while3A_8 : i32
    %while3A_10 = arith.muli %while3A_9, %while3A_8 : i32
    %while3A_11 = arith.addi %while3A_5, %while3A_10 : i32
    %while3A_12 = arith.constant 1 : i32
    scf.for %while3A_19 = %while3A_5 to %while3A_11 step %while3A_12  : i32 {
      "tpu.region"() ({
        %run_scoped3A_32 = tpu.sem_alloc : memref<!tpu.dma_semaphore, #tpu.memory_space<semaphore_mem>>
        %dma_start3A_33 = arith.constant 0 : i32
        %dma_start3A_34 = arith.constant 0 : i32
        %dma_start3A_35 = tpu.memref_slice %arg3[%add3A, %while3A_19, %dma_start3A_33, %dma_start3A_34] : memref<32x173x2x128xi32, #tpu.memory_space<hbm>> -> memref<1x1x2x128xi32, #tpu.memory_space<hbm>>
        %dma_start3A_36 = tpu.memref_squeeze %dma_start3A_35 : memref<1x1x2x128xi32, #tpu.memory_space<hbm>> -> memref<2x128xi32, #tpu.memory_space<hbm>>
        %dma_start3A_37 = arith.constant 0 : i32
        %dma_start3A_38 = arith.constant 0 : i32
        %dma_start3A_39 = tpu.memref_slice %arg3[%add3A, %while3A_19, %dma_start3A_37, %dma_start3A_38] : memref<32x173x2x128xi32, #tpu.memory_space<hbm>> -> memref<1x1x2x128xi32, #tpu.memory_space<hbm>>
        %dma_start3A_40 = tpu.memref_squeeze %dma_start3A_39 : memref<1x1x2x128xi32, #tpu.memory_space<hbm>> -> memref<2x128xi32, #tpu.memory_space<hbm>>
        tpu.enqueue_dma source(%dma_start3A_40 : memref<2x128xi32, #tpu.memory_space<hbm>>) target(%arg6 : memref<2x128xi32, #tpu.memory_space<vmem>>) target_semaphore(%run_scoped3A_32 : memref<!tpu.dma_semaphore, #tpu.memory_space<semaphore_mem>>)
        %dma_wait3A_41 = arith.constant 0 : i32
        %dma_wait3A_42 = arith.constant 0 : i32
        %dma_wait3A_43 = tpu.memref_slice %arg3[%add3A, %while3A_19, %dma_wait3A_41, %dma_wait3A_42] : memref<32x173x2x128xi32, #tpu.memory_space<hbm>> -> memref<1x1x2x128xi32, #tpu.memory_space<hbm>>
        %dma_wait3A_44 = tpu.memref_squeeze %dma_wait3A_43 : memref<1x1x2x128xi32, #tpu.memory_space<hbm>> -> memref<2x128xi32, #tpu.memory_space<hbm>>
        %dma_wait3A_45 = arith.constant 0 : i32
        %dma_wait3A_46 = arith.constant 0 : i32
        %dma_wait3A_47 = tpu.memref_slice %arg3[%add3A, %while3A_19, %dma_wait3A_45, %dma_wait3A_46] : memref<32x173x2x128xi32, #tpu.memory_space<hbm>> -> memref<1x1x2x128xi32, #tpu.memory_space<hbm>>
        %dma_wait3A_48 = tpu.memref_squeeze %dma_wait3A_47 : memref<1x1x2x128xi32, #tpu.memory_space<hbm>> -> memref<2x128xi32, #tpu.memory_space<hbm>>
        tpu.wait_dma2 semaphore(%run_scoped3A_32 : memref<!tpu.dma_semaphore, #tpu.memory_space<semaphore_mem>>) src(%dma_wait3A_48 : memref<2x128xi32, #tpu.memory_space<hbm>>) dst(%arg6 : memref<2x128xi32, #tpu.memory_space<vmem>>)
        tpu.yield
      }) : () -> ()
      %dma_start3A = arith.constant 0 : i32
      %dma_start3A_20 = arith.constant 0 : i32
      %dma_start3A_21 = tpu.memref_slice %arg6[%dma_start3A, %dma_start3A_20] : memref<2x128xi32, #tpu.memory_space<vmem>> -> memref<1x128xi32, #tpu.memory_space<vmem>>
      %dma_start3A_22 = tpu.memref_squeeze %dma_start3A_21 : memref<1x128xi32, #tpu.memory_space<vmem>> -> memref<128xi32, #tpu.memory_space<vmem>>
      %dma_start3A_23 = arith.constant 0 : i32
      %dma_start3A_24 = arith.constant 0 : i32
      %dma_start3A_25 = tpu.memref_slice %arg2[%dma_start3A_23, %dma_start3A_24] : memref<10240x128xf32, #tpu.memory_space<hbm>> -> memref<10240x128xf32, #tpu.memory_space<hbm>>
      tpu.enqueue_indirect_dma source(%dma_start3A_25 : memref<10240x128xf32, #tpu.memory_space<hbm>>) target(%arg7 : memref<128x128xf32, #tpu.memory_space<vmem>>) offsets(%dma_start3A_22 : memref<128xi32, #tpu.memory_space<vmem>>) semaphore(%arg9 : memref<!tpu.dma_semaphore, #tpu.memory_space<semaphore_mem>>)
      %dma_wait3A = arith.constant 0 : i32
      %dma_wait3A_26 = arith.constant 0 : i32
      %dma_wait3A_27 = tpu.memref_slice %arg6[%dma_wait3A, %dma_wait3A_26] : memref<2x128xi32, #tpu.memory_space<vmem>> -> memref<1x128xi32, #tpu.memory_space<vmem>>
      %dma_wait3A_28 = tpu.memref_squeeze %dma_wait3A_27 : memref<1x128xi32, #tpu.memory_space<vmem>> -> memref<128xi32, #tpu.memory_space<vmem>>
      %dma_wait3A_29 = arith.constant 0 : i32
      %dma_wait3A_30 = arith.constant 0 : i32
      %dma_wait3A_31 = tpu.memref_slice %arg2[%dma_wait3A_29, %dma_wait3A_30] : memref<10240x128xf32, #tpu.memory_space<hbm>> -> memref<10240x128xf32, #tpu.memory_space<hbm>>
      tpu.wait_indirect_dma semaphore(%arg9 : memref<!tpu.dma_semaphore, #tpu.memory_space<semaphore_mem>>) src(%dma_wait3A_31 : memref<10240x128xf32, #tpu.memory_space<hbm>>) dst(%arg7 : memref<128x128xf32, #tpu.memory_space<vmem>>)
      %run_scoped3A = arith.constant 1 : i32
      "tpu.region"() ({
        %run_scoped3A_32 = tpu.sem_alloc : memref<!tpu.dma_semaphore, #tpu.memory_space<semaphore_mem>>
        %dma_start3A_33 = arith.constant 0 : i32
        %dma_start3A_34 = tpu.memref_slice %arg6[%run_scoped3A, %dma_start3A_33] : memref<2x128xi32, #tpu.memory_space<vmem>> -> memref<1x128xi32, #tpu.memory_space<vmem>>
        %dma_start3A_35 = tpu.memref_squeeze %dma_start3A_34 : memref<1x128xi32, #tpu.memory_space<vmem>> -> memref<128xi32, #tpu.memory_space<vmem>>
        %dma_start3A_36 = arith.constant 0 : i32
        %dma_start3A_37 = arith.constant 0 : i32
        %dma_start3A_38 = tpu.memref_slice %arg8[%dma_start3A_36, %dma_start3A_37] : memref<10240x128xf32, #tpu.memory_space<vmem_shared>> -> memref<10240x128xf32, #tpu.memory_space<vmem_shared>>
        tpu.enqueue_indirect_dma source(%arg7 : memref<128x128xf32, #tpu.memory_space<vmem>>) target(%dma_start3A_38 : memref<10240x128xf32, #tpu.memory_space<vmem_shared>>) offsets(%dma_start3A_35 : memref<128xi32, #tpu.memory_space<vmem>>) semaphore(%run_scoped3A_32 : memref<!tpu.dma_semaphore, #tpu.memory_space<semaphore_mem>>) {add = true}
        %dma_wait3A_39 = arith.constant 0 : i32
        %dma_wait3A_40 = tpu.memref_slice %arg6[%run_scoped3A, %dma_wait3A_39] : memref<2x128xi32, #tpu.memory_space<vmem>> -> memref<1x128xi32, #tpu.memory_space<vmem>>
        %dma_wait3A_41 = tpu.memref_squeeze %dma_wait3A_40 : memref<1x128xi32, #tpu.memory_space<vmem>> -> memref<128xi32, #tpu.memory_space<vmem>>
        %dma_wait3A_42 = arith.constant 0 : i32
        %dma_wait3A_43 = arith.constant 0 : i32
        %dma_wait3A_44 = tpu.memref_slice %arg8[%dma_wait3A_42, %dma_wait3A_43] : memref<10240x128xf32, #tpu.memory_space<vmem_shared>> -> memref<10240x128xf32, #tpu.memory_space<vmem_shared>>
        tpu.wait_indirect_dma semaphore(%run_scoped3A_32 : memref<!tpu.dma_semaphore, #tpu.memory_space<semaphore_mem>>) src(%arg7 : memref<128x128xf32, #tpu.memory_space<vmem>>) dst(%dma_wait3A_44 : memref<10240x128xf32, #tpu.memory_space<vmem_shared>>)
        tpu.yield
      }) : () -> ()
    }
    %while3A_13 = arith.constant 1 : i32
    scf.for %while3A_19 = %while3A_11 to %while3A_7 step %while3A_13  : i32 {
      "tpu.region"() ({
        %run_scoped3A_32 = tpu.sem_alloc : memref<!tpu.dma_semaphore, #tpu.memory_space<semaphore_mem>>
        %dma_start3A_33 = arith.constant 0 : i32
        %dma_start3A_34 = arith.constant 0 : i32
        %dma_start3A_35 = tpu.memref_slice %arg3[%add3A, %while3A_19, %dma_start3A_33, %dma_start3A_34] : memref<32x173x2x128xi32, #tpu.memory_space<hbm>> -> memref<1x1x2x128xi32, #tpu.memory_space<hbm>>
        %dma_start3A_36 = tpu.memref_squeeze %dma_start3A_35 : memref<1x1x2x128xi32, #tpu.memory_space<hbm>> -> memref<2x128xi32, #tpu.memory_space<hbm>>
        %dma_start3A_37 = arith.constant 0 : i32
        %dma_start3A_38 = arith.constant 0 : i32
        %dma_start3A_39 = tpu.memref_slice %arg3[%add3A, %while3A_19, %dma_start3A_37, %dma_start3A_38] : memref<32x173x2x128xi32, #tpu.memory_space<hbm>> -> memref<1x1x2x128xi32, #tpu.memory_space<hbm>>
        %dma_start3A_40 = tpu.memref_squeeze %dma_start3A_39 : memref<1x1x2x128xi32, #tpu.memory_space<hbm>> -> memref<2x128xi32, #tpu.memory_space<hbm>>
        tpu.enqueue_dma source(%dma_start3A_40 : memref<2x128xi32, #tpu.memory_space<hbm>>) target(%arg6 : memref<2x128xi32, #tpu.memory_space<vmem>>) target_semaphore(%run_scoped3A_32 : memref<!tpu.dma_semaphore, #tpu.memory_space<semaphore_mem>>)
        %dma_wait3A_41 = arith.constant 0 : i32
        %dma_wait3A_42 = arith.constant 0 : i32
        %dma_wait3A_43 = tpu.memref_slice %arg3[%add3A, %while3A_19, %dma_wait3A_41, %dma_wait3A_42] : memref<32x173x2x128xi32, #tpu.memory_space<hbm>> -> memref<1x1x2x128xi32, #tpu.memory_space<hbm>>
        %dma_wait3A_44 = tpu.memref_squeeze %dma_wait3A_43 : memref<1x1x2x128xi32, #tpu.memory_space<hbm>> -> memref<2x128xi32, #tpu.memory_space<hbm>>
        %dma_wait3A_45 = arith.constant 0 : i32
        %dma_wait3A_46 = arith.constant 0 : i32
        %dma_wait3A_47 = tpu.memref_slice %arg3[%add3A, %while3A_19, %dma_wait3A_45, %dma_wait3A_46] : memref<32x173x2x128xi32, #tpu.memory_space<hbm>> -> memref<1x1x2x128xi32, #tpu.memory_space<hbm>>
        %dma_wait3A_48 = tpu.memref_squeeze %dma_wait3A_47 : memref<1x1x2x128xi32, #tpu.memory_space<hbm>> -> memref<2x128xi32, #tpu.memory_space<hbm>>
        tpu.wait_dma2 semaphore(%run_scoped3A_32 : memref<!tpu.dma_semaphore, #tpu.memory_space<semaphore_mem>>) src(%dma_wait3A_48 : memref<2x128xi32, #tpu.memory_space<hbm>>) dst(%arg6 : memref<2x128xi32, #tpu.memory_space<vmem>>)
        tpu.yield
      }) : () -> ()
      %dma_start3A = arith.constant 0 : i32
      %dma_start3A_20 = arith.constant 0 : i32
      %dma_start3A_21 = tpu.memref_slice %arg6[%dma_start3A, %dma_start3A_20] : memref<2x128xi32, #tpu.memory_space<vmem>> -> memref<1x128xi32, #tpu.memory_space<vmem>>
      %dma_start3A_22 = tpu.memref_squeeze %dma_start3A_21 : memref<1x128xi32, #tpu.memory_space<vmem>> -> memref<128xi32, #tpu.memory_space<vmem>>
      %dma_start3A_23 = arith.constant 0 : i32
      %dma_start3A_24 = arith.constant 0 : i32
      %dma_start3A_25 = tpu.memref_slice %arg2[%dma_start3A_23, %dma_start3A_24] : memref<10240x128xf32, #tpu.memory_space<hbm>> -> memref<10240x128xf32, #tpu.memory_space<hbm>>
      tpu.enqueue_indirect_dma source(%dma_start3A_25 : memref<10240x128xf32, #tpu.memory_space<hbm>>) target(%arg7 : memref<128x128xf32, #tpu.memory_space<vmem>>) offsets(%dma_start3A_22 : memref<128xi32, #tpu.memory_space<vmem>>) semaphore(%arg9 : memref<!tpu.dma_semaphore, #tpu.memory_space<semaphore_mem>>)
      %dma_wait3A = arith.constant 0 : i32
      %dma_wait3A_26 = arith.constant 0 : i32
      %dma_wait3A_27 = tpu.memref_slice %arg6[%dma_wait3A, %dma_wait3A_26] : memref<2x128xi32, #tpu.memory_space<vmem>> -> memref<1x128xi32, #tpu.memory_space<vmem>>
      %dma_wait3A_28 = tpu.memref_squeeze %dma_wait3A_27 : memref<1x128xi32, #tpu.memory_space<vmem>> -> memref<128xi32, #tpu.memory_space<vmem>>
      %dma_wait3A_29 = arith.constant 0 : i32
      %dma_wait3A_30 = arith.constant 0 : i32
      %dma_wait3A_31 = tpu.memref_slice %arg2[%dma_wait3A_29, %dma_wait3A_30] : memref<10240x128xf32, #tpu.memory_space<hbm>> -> memref<10240x128xf32, #tpu.memory_space<hbm>>
      tpu.wait_indirect_dma semaphore(%arg9 : memref<!tpu.dma_semaphore, #tpu.memory_space<semaphore_mem>>) src(%dma_wait3A_31 : memref<10240x128xf32, #tpu.memory_space<hbm>>) dst(%arg7 : memref<128x128xf32, #tpu.memory_space<vmem>>)
      %run_scoped3A = arith.constant 1 : i32
      "tpu.region"() ({
        %run_scoped3A_32 = tpu.sem_alloc : memref<!tpu.dma_semaphore, #tpu.memory_space<semaphore_mem>>
        %dma_start3A_33 = arith.constant 0 : i32
        %dma_start3A_34 = tpu.memref_slice %arg6[%run_scoped3A, %dma_start3A_33] : memref<2x128xi32, #tpu.memory_space<vmem>> -> memref<1x128xi32, #tpu.memory_space<vmem>>
        %dma_start3A_35 = tpu.memref_squeeze %dma_start3A_34 : memref<1x128xi32, #tpu.memory_space<vmem>> -> memref<128xi32, #tpu.memory_space<vmem>>
        %dma_start3A_36 = arith.constant 0 : i32
        %dma_start3A_37 = arith.constant 0 : i32
        %dma_start3A_38 = tpu.memref_slice %arg8[%dma_start3A_36, %dma_start3A_37] : memref<10240x128xf32, #tpu.memory_space<vmem_shared>> -> memref<10240x128xf32, #tpu.memory_space<vmem_shared>>
        tpu.enqueue_indirect_dma source(%arg7 : memref<128x128xf32, #tpu.memory_space<vmem>>) target(%dma_start3A_38 : memref<10240x128xf32, #tpu.memory_space<vmem_shared>>) offsets(%dma_start3A_35 : memref<128xi32, #tpu.memory_space<vmem>>) semaphore(%run_scoped3A_32 : memref<!tpu.dma_semaphore, #tpu.memory_space<semaphore_mem>>) {add = true}
        %dma_wait3A_39 = arith.constant 0 : i32
        %dma_wait3A_40 = tpu.memref_slice %arg6[%run_scoped3A, %dma_wait3A_39] : memref<2x128xi32, #tpu.memory_space<vmem>> -> memref<1x128xi32, #tpu.memory_space<vmem>>
        %dma_wait3A_41 = tpu.memref_squeeze %dma_wait3A_40 : memref<1x128xi32, #tpu.memory_space<vmem>> -> memref<128xi32, #tpu.memory_space<vmem>>
        %dma_wait3A_42 = arith.constant 0 : i32
        %dma_wait3A_43 = arith.constant 0 : i32
        %dma_wait3A_44 = tpu.memref_slice %arg8[%dma_wait3A_42, %dma_wait3A_43] : memref<10240x128xf32, #tpu.memory_space<vmem_shared>> -> memref<10240x128xf32, #tpu.memory_space<vmem_shared>>
        tpu.wait_indirect_dma semaphore(%run_scoped3A_32 : memref<!tpu.dma_semaphore, #tpu.memory_space<semaphore_mem>>) src(%arg7 : memref<128x128xf32, #tpu.memory_space<vmem>>) dst(%dma_wait3A_44 : memref<10240x128xf32, #tpu.memory_space<vmem_shared>>)
        tpu.yield
      }) : () -> ()
    }
    %barrier3A_14 = arith.constant 0 : index
    tpu.barrier barrier_id(%barrier3A_14)
    %mul3A_15 = arith.constant 640 : i32
    %mul3A_16 = arith.muli %arg1, %mul3A_15 : i32
    %mul3A_17 = arith.constant 640 : i32
    %mul3A_18 = arith.muli %arg1, %mul3A_17 : i32
    "tpu.region"() ({
      %run_scoped3A = tpu.sem_alloc : memref<!tpu.dma_semaphore, #tpu.memory_space<semaphore_mem>>
      %dma_start3A = arith.constant 0 : i32
      %dma_start3A_19 = tpu.memref_slice %arg5[%arg0, %mul3A_18, %dma_start3A] : memref<2x10240x128xf32, #tpu.memory_space<hbm>> -> memref<1x640x128xf32, #tpu.memory_space<hbm>>
      %dma_start3A_20 = tpu.memref_squeeze %dma_start3A_19 : memref<1x640x128xf32, #tpu.memory_space<hbm>> -> memref<640x128xf32, #tpu.memory_space<hbm>>
      %dma_start3A_21 = arith.constant 0 : i32
      %dma_start3A_22 = tpu.memref_slice %arg8[%mul3A_16, %dma_start3A_21] : memref<10240x128xf32, #tpu.memory_space<vmem_shared>> -> memref<640x128xf32, #tpu.memory_space<vmem_shared>>
      tpu.enqueue_dma source(%dma_start3A_22 : memref<640x128xf32, #tpu.memory_space<vmem_shared>>) target(%dma_start3A_20 : memref<640x128xf32, #tpu.memory_space<hbm>>) target_semaphore(%run_scoped3A : memref<!tpu.dma_semaphore, #tpu.memory_space<semaphore_mem>>)
      %dma_wait3A = arith.constant 0 : i32
      %dma_wait3A_23 = tpu.memref_slice %arg5[%arg0, %mul3A_18, %dma_wait3A] : memref<2x10240x128xf32, #tpu.memory_space<hbm>> -> memref<1x640x128xf32, #tpu.memory_space<hbm>>
      %dma_wait3A_24 = tpu.memref_squeeze %dma_wait3A_23 : memref<1x640x128xf32, #tpu.memory_space<hbm>> -> memref<640x128xf32, #tpu.memory_space<hbm>>
      %dma_wait3A_25 = arith.constant 0 : i32
      %dma_wait3A_26 = tpu.memref_slice %arg8[%mul3A_16, %dma_wait3A_25] : memref<10240x128xf32, #tpu.memory_space<vmem_shared>> -> memref<640x128xf32, #tpu.memory_space<vmem_shared>>
      tpu.wait_dma2 semaphore(%run_scoped3A : memref<!tpu.dma_semaphore, #tpu.memory_space<semaphore_mem>>) src(%dma_wait3A_26 : memref<640x128xf32, #tpu.memory_space<vmem_shared>>) dst(%dma_wait3A_24 : memref<640x128xf32, #tpu.memory_space<hbm>>)
      tpu.yield
    }) : () -> ()
    return
  }
}

#map = affine_map<(d0, d1) -> (0, 0)>
#map1 = affine_map<(d0, d1) -> (0, 0, 0, 0)>
#map2 = affine_map<(d0, d1) -> (0, 0, 0)>
module attributes {stable_mosaic.version = 14 : i64} {
  func.func @k(%arg0: i32, %arg1: i32, %arg2: memref<10240x128xf32, #tpu.memory_space<hbm>>, %arg3: memref<32x173x2x128xi32, #tpu.memory_space<hbm>>, %arg4: memref<640x128xf32, #tpu.memory_space<hbm>>, %arg5: memref<2x10240x128xf32, #tpu.memory_space<hbm>>, %arg6: memref<2x128xi32, #tpu.memory_space<vmem>>, %arg7: memref<128x128xf32, #tpu.memory_space<vmem>>, %arg8: memref<10240x128xf32, #tpu.memory_space<vmem_shared>>, %arg9: memref<!tpu.dma_semaphore, #tpu.memory_space<semaphore_mem>>) attributes {dimension_semantics = [#tpu.dimension_semantics<core_parallel>, #tpu.dimension_semantics<subcore_parallel>], iteration_bounds = array<i64: 2, 16>, scalar_prefetch = 0 : i64, scratch_operands = 4 : i64, tpu.core_type = #tpu.core_type<sc_vector_subcore>, window_params = [{transform_indices = #map}, {transform_indices = #map1}, {transform_indices = #map}, {transform_indices = #map2}]} {
    %mul3A = arith.constant 2 : i32
    %mul3A_0 = arith.muli %arg1, %mul3A : i32
    %add3A = arith.addi %mul3A_0, %arg0 : i32
    %mul3A_1 = arith.constant 640 : i32
    %mul3A_2 = arith.muli %arg1, %mul3A_1 : i32
    "tpu.region"() ({
      %run_scoped3A = tpu.sem_alloc : memref<!tpu.dma_semaphore, #tpu.memory_space<semaphore_mem>>
      %dma_start3A = arith.constant 0 : i32
      %dma_start3A_19 = tpu.memref_slice %arg8[%mul3A_2, %dma_start3A] : memref<10240x128xf32, #tpu.memory_space<vmem_shared>> -> memref<640x128xf32, #tpu.memory_space<vmem_shared>>
      tpu.enqueue_dma source(%arg4 : memref<640x128xf32, #tpu.memory_space<hbm>>) target(%dma_start3A_19 : memref<640x128xf32, #tpu.memory_space<vmem_shared>>) target_semaphore(%run_scoped3A : memref<!tpu.dma_semaphore, #tpu.memory_space<semaphore_mem>>)
      %dma_wait3A = arith.constant 0 : i32
      %dma_wait3A_20 = tpu.memref_slice %arg8[%mul3A_2, %dma_wait3A] : memref<10240x128xf32, #tpu.memory_space<vmem_shared>> -> memref<640x128xf32, #tpu.memory_space<vmem_shared>>
      tpu.wait_dma2 semaphore(%run_scoped3A : memref<!tpu.dma_semaphore, #tpu.memory_space<semaphore_mem>>) src(%arg4 : memref<640x128xf32, #tpu.memory_space<hbm>>) dst(%dma_wait3A_20 : memref<640x128xf32, #tpu.memory_space<vmem_shared>>)
      tpu.yield
    }) : () -> ()
    %barrier3A = arith.constant 0 : index
    tpu.barrier barrier_id(%barrier3A)
    %eq3A = arith.constant 0 : i32
    %eq3A_3 = arith.cmpi eq, %arg0, %eq3A : i32
    %jit3A = arith.constant 173 : i32
    %jit3A_4 = arith.constant 141 : i32
    %select_n3A = arith.select %eq3A_3, %jit3A, %jit3A_4 : i32
    %while3A = arith.constant 0 : i32
    %while3A_5 = arith.constant 0 : i32
    %while3A_6 = arith.subi %select_n3A, %while3A_5 : i32
    %while3A_7 = arith.addi %while3A_5, %while3A_6 : i32
    %while3A_8 = arith.constant 1 : i32
    %while3A_9 = arith.divsi %while3A_6, %while3A_8 : i32
    %while3A_10 = arith.muli %while3A_9, %while3A_8 : i32
    %while3A_11 = arith.addi %while3A_5, %while3A_10 : i32
    %while3A_12 = arith.constant 1 : i32
    scf.for %while3A_19 = %while3A_5 to %while3A_11 step %while3A_12  : i32 {
      "tpu.region"() ({
        %run_scoped3A_32 = tpu.sem_alloc : memref<!tpu.dma_semaphore, #tpu.memory_space<semaphore_mem>>
        %dma_start3A_33 = arith.constant 0 : i32
        %dma_start3A_34 = arith.constant 0 : i32
        %dma_start3A_35 = tpu.memref_slice %arg3[%add3A, %while3A_19, %dma_start3A_33, %dma_start3A_34] : memref<32x173x2x128xi32, #tpu.memory_space<hbm>> -> memref<1x1x2x128xi32, #tpu.memory_space<hbm>>
        %dma_start3A_36 = tpu.memref_squeeze %dma_start3A_35 : memref<1x1x2x128xi32, #tpu.memory_space<hbm>> -> memref<2x128xi32, #tpu.memory_space<hbm>>
        %dma_start3A_37 = arith.constant 0 : i32
        %dma_start3A_38 = arith.constant 0 : i32
        %dma_start3A_39 = tpu.memref_slice %arg3[%add3A, %while3A_19, %dma_start3A_37, %dma_start3A_38] : memref<32x173x2x128xi32, #tpu.memory_space<hbm>> -> memref<1x1x2x128xi32, #tpu.memory_space<hbm>>
        %dma_start3A_40 = tpu.memref_squeeze %dma_start3A_39 : memref<1x1x2x128xi32, #tpu.memory_space<hbm>> -> memref<2x128xi32, #tpu.memory_space<hbm>>
        tpu.enqueue_dma source(%dma_start3A_40 : memref<2x128xi32, #tpu.memory_space<hbm>>) target(%arg6 : memref<2x128xi32, #tpu.memory_space<vmem>>) target_semaphore(%run_scoped3A_32 : memref<!tpu.dma_semaphore, #tpu.memory_space<semaphore_mem>>)
        %dma_wait3A_41 = arith.constant 0 : i32
        %dma_wait3A_42 = arith.constant 0 : i32
        %dma_wait3A_43 = tpu.memref_slice %arg3[%add3A, %while3A_19, %dma_wait3A_41, %dma_wait3A_42] : memref<32x173x2x128xi32, #tpu.memory_space<hbm>> -> memref<1x1x2x128xi32, #tpu.memory_space<hbm>>
        %dma_wait3A_44 = tpu.memref_squeeze %dma_wait3A_43 : memref<1x1x2x128xi32, #tpu.memory_space<hbm>> -> memref<2x128xi32, #tpu.memory_space<hbm>>
        %dma_wait3A_45 = arith.constant 0 : i32
        %dma_wait3A_46 = arith.constant 0 : i32
        %dma_wait3A_47 = tpu.memref_slice %arg3[%add3A, %while3A_19, %dma_wait3A_45, %dma_wait3A_46] : memref<32x173x2x128xi32, #tpu.memory_space<hbm>> -> memref<1x1x2x128xi32, #tpu.memory_space<hbm>>
        %dma_wait3A_48 = tpu.memref_squeeze %dma_wait3A_47 : memref<1x1x2x128xi32, #tpu.memory_space<hbm>> -> memref<2x128xi32, #tpu.memory_space<hbm>>
        tpu.wait_dma2 semaphore(%run_scoped3A_32 : memref<!tpu.dma_semaphore, #tpu.memory_space<semaphore_mem>>) src(%dma_wait3A_48 : memref<2x128xi32, #tpu.memory_space<hbm>>) dst(%arg6 : memref<2x128xi32, #tpu.memory_space<vmem>>)
        tpu.yield
      }) : () -> ()
      %dma_start3A = arith.constant 0 : i32
      %dma_start3A_20 = arith.constant 0 : i32
      %dma_start3A_21 = tpu.memref_slice %arg6[%dma_start3A, %dma_start3A_20] : memref<2x128xi32, #tpu.memory_space<vmem>> -> memref<1x128xi32, #tpu.memory_space<vmem>>
      %dma_start3A_22 = tpu.memref_squeeze %dma_start3A_21 : memref<1x128xi32, #tpu.memory_space<vmem>> -> memref<128xi32, #tpu.memory_space<vmem>>
      %dma_start3A_23 = arith.constant 0 : i32
      %dma_start3A_24 = arith.constant 0 : i32
      %dma_start3A_25 = tpu.memref_slice %arg2[%dma_start3A_23, %dma_start3A_24] : memref<10240x128xf32, #tpu.memory_space<hbm>> -> memref<10240x128xf32, #tpu.memory_space<hbm>>
      tpu.enqueue_indirect_dma source(%dma_start3A_25 : memref<10240x128xf32, #tpu.memory_space<hbm>>) target(%arg7 : memref<128x128xf32, #tpu.memory_space<vmem>>) offsets(%dma_start3A_22 : memref<128xi32, #tpu.memory_space<vmem>>) semaphore(%arg9 : memref<!tpu.dma_semaphore, #tpu.memory_space<semaphore_mem>>)
      %dma_wait3A = arith.constant 0 : i32
      %dma_wait3A_26 = arith.constant 0 : i32
      %dma_wait3A_27 = tpu.memref_slice %arg6[%dma_wait3A, %dma_wait3A_26] : memref<2x128xi32, #tpu.memory_space<vmem>> -> memref<1x128xi32, #tpu.memory_space<vmem>>
      %dma_wait3A_28 = tpu.memref_squeeze %dma_wait3A_27 : memref<1x128xi32, #tpu.memory_space<vmem>> -> memref<128xi32, #tpu.memory_space<vmem>>
      %dma_wait3A_29 = arith.constant 0 : i32
      %dma_wait3A_30 = arith.constant 0 : i32
      %dma_wait3A_31 = tpu.memref_slice %arg2[%dma_wait3A_29, %dma_wait3A_30] : memref<10240x128xf32, #tpu.memory_space<hbm>> -> memref<10240x128xf32, #tpu.memory_space<hbm>>
      tpu.wait_indirect_dma semaphore(%arg9 : memref<!tpu.dma_semaphore, #tpu.memory_space<semaphore_mem>>) src(%dma_wait3A_31 : memref<10240x128xf32, #tpu.memory_space<hbm>>) dst(%arg7 : memref<128x128xf32, #tpu.memory_space<vmem>>)
      %run_scoped3A = arith.constant 1 : i32
      "tpu.region"() ({
        %run_scoped3A_32 = tpu.sem_alloc : memref<!tpu.dma_semaphore, #tpu.memory_space<semaphore_mem>>
        %dma_start3A_33 = arith.constant 0 : i32
        %dma_start3A_34 = tpu.memref_slice %arg6[%run_scoped3A, %dma_start3A_33] : memref<2x128xi32, #tpu.memory_space<vmem>> -> memref<1x128xi32, #tpu.memory_space<vmem>>
        %dma_start3A_35 = tpu.memref_squeeze %dma_start3A_34 : memref<1x128xi32, #tpu.memory_space<vmem>> -> memref<128xi32, #tpu.memory_space<vmem>>
        %dma_start3A_36 = arith.constant 0 : i32
        %dma_start3A_37 = arith.constant 0 : i32
        %dma_start3A_38 = tpu.memref_slice %arg8[%dma_start3A_36, %dma_start3A_37] : memref<10240x128xf32, #tpu.memory_space<vmem_shared>> -> memref<10240x128xf32, #tpu.memory_space<vmem_shared>>
        tpu.enqueue_indirect_dma source(%arg7 : memref<128x128xf32, #tpu.memory_space<vmem>>) target(%dma_start3A_38 : memref<10240x128xf32, #tpu.memory_space<vmem_shared>>) offsets(%dma_start3A_35 : memref<128xi32, #tpu.memory_space<vmem>>) semaphore(%run_scoped3A_32 : memref<!tpu.dma_semaphore, #tpu.memory_space<semaphore_mem>>) {add = true}
        %dma_wait3A_39 = arith.constant 0 : i32
        %dma_wait3A_40 = tpu.memref_slice %arg6[%run_scoped3A, %dma_wait3A_39] : memref<2x128xi32, #tpu.memory_space<vmem>> -> memref<1x128xi32, #tpu.memory_space<vmem>>
        %dma_wait3A_41 = tpu.memref_squeeze %dma_wait3A_40 : memref<1x128xi32, #tpu.memory_space<vmem>> -> memref<128xi32, #tpu.memory_space<vmem>>
        %dma_wait3A_42 = arith.constant 0 : i32
        %dma_wait3A_43 = arith.constant 0 : i32
        %dma_wait3A_44 = tpu.memref_slice %arg8[%dma_wait3A_42, %dma_wait3A_43] : memref<10240x128xf32, #tpu.memory_space<vmem_shared>> -> memref<10240x128xf32, #tpu.memory_space<vmem_shared>>
        tpu.wait_indirect_dma semaphore(%run_scoped3A_32 : memref<!tpu.dma_semaphore, #tpu.memory_space<semaphore_mem>>) src(%arg7 : memref<128x128xf32, #tpu.memory_space<vmem>>) dst(%dma_wait3A_44 : memref<10240x128xf32, #tpu.memory_space<vmem_shared>>)
        tpu.yield
      }) : () -> ()
    }
    %while3A_13 = arith.constant 1 : i32
    scf.for %while3A_19 = %while3A_11 to %while3A_7 step %while3A_13  : i32 {
      "tpu.region"() ({
        %run_scoped3A_32 = tpu.sem_alloc : memref<!tpu.dma_semaphore, #tpu.memory_space<semaphore_mem>>
        %dma_start3A_33 = arith.constant 0 : i32
        %dma_start3A_34 = arith.constant 0 : i32
        %dma_start3A_35 = tpu.memref_slice %arg3[%add3A, %while3A_19, %dma_start3A_33, %dma_start3A_34] : memref<32x173x2x128xi32, #tpu.memory_space<hbm>> -> memref<1x1x2x128xi32, #tpu.memory_space<hbm>>
        %dma_start3A_36 = tpu.memref_squeeze %dma_start3A_35 : memref<1x1x2x128xi32, #tpu.memory_space<hbm>> -> memref<2x128xi32, #tpu.memory_space<hbm>>
        %dma_start3A_37 = arith.constant 0 : i32
        %dma_start3A_38 = arith.constant 0 : i32
        %dma_start3A_39 = tpu.memref_slice %arg3[%add3A, %while3A_19, %dma_start3A_37, %dma_start3A_38] : memref<32x173x2x128xi32, #tpu.memory_space<hbm>> -> memref<1x1x2x128xi32, #tpu.memory_space<hbm>>
        %dma_start3A_40 = tpu.memref_squeeze %dma_start3A_39 : memref<1x1x2x128xi32, #tpu.memory_space<hbm>> -> memref<2x128xi32, #tpu.memory_space<hbm>>
        tpu.enqueue_dma source(%dma_start3A_40 : memref<2x128xi32, #tpu.memory_space<hbm>>) target(%arg6 : memref<2x128xi32, #tpu.memory_space<vmem>>) target_semaphore(%run_scoped3A_32 : memref<!tpu.dma_semaphore, #tpu.memory_space<semaphore_mem>>)
        %dma_wait3A_41 = arith.constant 0 : i32
        %dma_wait3A_42 = arith.constant 0 : i32
        %dma_wait3A_43 = tpu.memref_slice %arg3[%add3A, %while3A_19, %dma_wait3A_41, %dma_wait3A_42] : memref<32x173x2x128xi32, #tpu.memory_space<hbm>> -> memref<1x1x2x128xi32, #tpu.memory_space<hbm>>
        %dma_wait3A_44 = tpu.memref_squeeze %dma_wait3A_43 : memref<1x1x2x128xi32, #tpu.memory_space<hbm>> -> memref<2x128xi32, #tpu.memory_space<hbm>>
        %dma_wait3A_45 = arith.constant 0 : i32
        %dma_wait3A_46 = arith.constant 0 : i32
        %dma_wait3A_47 = tpu.memref_slice %arg3[%add3A, %while3A_19, %dma_wait3A_45, %dma_wait3A_46] : memref<32x173x2x128xi32, #tpu.memory_space<hbm>> -> memref<1x1x2x128xi32, #tpu.memory_space<hbm>>
        %dma_wait3A_48 = tpu.memref_squeeze %dma_wait3A_47 : memref<1x1x2x128xi32, #tpu.memory_space<hbm>> -> memref<2x128xi32, #tpu.memory_space<hbm>>
        tpu.wait_dma2 semaphore(%run_scoped3A_32 : memref<!tpu.dma_semaphore, #tpu.memory_space<semaphore_mem>>) src(%dma_wait3A_48 : memref<2x128xi32, #tpu.memory_space<hbm>>) dst(%arg6 : memref<2x128xi32, #tpu.memory_space<vmem>>)
        tpu.yield
      }) : () -> ()
      %dma_start3A = arith.constant 0 : i32
      %dma_start3A_20 = arith.constant 0 : i32
      %dma_start3A_21 = tpu.memref_slice %arg6[%dma_start3A, %dma_start3A_20] : memref<2x128xi32, #tpu.memory_space<vmem>> -> memref<1x128xi32, #tpu.memory_space<vmem>>
      %dma_start3A_22 = tpu.memref_squeeze %dma_start3A_21 : memref<1x128xi32, #tpu.memory_space<vmem>> -> memref<128xi32, #tpu.memory_space<vmem>>
      %dma_start3A_23 = arith.constant 0 : i32
      %dma_start3A_24 = arith.constant 0 : i32
      %dma_start3A_25 = tpu.memref_slice %arg2[%dma_start3A_23, %dma_start3A_24] : memref<10240x128xf32, #tpu.memory_space<hbm>> -> memref<10240x128xf32, #tpu.memory_space<hbm>>
      tpu.enqueue_indirect_dma source(%dma_start3A_25 : memref<10240x128xf32, #tpu.memory_space<hbm>>) target(%arg7 : memref<128x128xf32, #tpu.memory_space<vmem>>) offsets(%dma_start3A_22 : memref<128xi32, #tpu.memory_space<vmem>>) semaphore(%arg9 : memref<!tpu.dma_semaphore, #tpu.memory_space<semaphore_mem>>)
      %dma_wait3A = arith.constant 0 : i32
      %dma_wait3A_26 = arith.constant 0 : i32
      %dma_wait3A_27 = tpu.memref_slice %arg6[%dma_wait3A, %dma_wait3A_26] : memref<2x128xi32, #tpu.memory_space<vmem>> -> memref<1x128xi32, #tpu.memory_space<vmem>>
      %dma_wait3A_28 = tpu.memref_squeeze %dma_wait3A_27 : memref<1x128xi32, #tpu.memory_space<vmem>> -> memref<128xi32, #tpu.memory_space<vmem>>
      %dma_wait3A_29 = arith.constant 0 : i32
      %dma_wait3A_30 = arith.constant 0 : i32
      %dma_wait3A_31 = tpu.memref_slice %arg2[%dma_wait3A_29, %dma_wait3A_30] : memref<10240x128xf32, #tpu.memory_space<hbm>> -> memref<10240x128xf32, #tpu.memory_space<hbm>>
      tpu.wait_indirect_dma semaphore(%arg9 : memref<!tpu.dma_semaphore, #tpu.memory_space<semaphore_mem>>) src(%dma_wait3A_31 : memref<10240x128xf32, #tpu.memory_space<hbm>>) dst(%arg7 : memref<128x128xf32, #tpu.memory_space<vmem>>)
      %run_scoped3A = arith.constant 1 : i32
      "tpu.region"() ({
        %run_scoped3A_32 = tpu.sem_alloc : memref<!tpu.dma_semaphore, #tpu.memory_space<semaphore_mem>>
        %dma_start3A_33 = arith.constant 0 : i32
        %dma_start3A_34 = tpu.memref_slice %arg6[%run_scoped3A, %dma_start3A_33] : memref<2x128xi32, #tpu.memory_space<vmem>> -> memref<1x128xi32, #tpu.memory_space<vmem>>
        %dma_start3A_35 = tpu.memref_squeeze %dma_start3A_34 : memref<1x128xi32, #tpu.memory_space<vmem>> -> memref<128xi32, #tpu.memory_space<vmem>>
        %dma_start3A_36 = arith.constant 0 : i32
        %dma_start3A_37 = arith.constant 0 : i32
        %dma_start3A_38 = tpu.memref_slice %arg8[%dma_start3A_36, %dma_start3A_37] : memref<10240x128xf32, #tpu.memory_space<vmem_shared>> -> memref<10240x128xf32, #tpu.memory_space<vmem_shared>>
        tpu.enqueue_indirect_dma source(%arg7 : memref<128x128xf32, #tpu.memory_space<vmem>>) target(%dma_start3A_38 : memref<10240x128xf32, #tpu.memory_space<vmem_shared>>) offsets(%dma_start3A_35 : memref<128xi32, #tpu.memory_space<vmem>>) semaphore(%run_scoped3A_32 : memref<!tpu.dma_semaphore, #tpu.memory_space<semaphore_mem>>) {add = true}
        %dma_wait3A_39 = arith.constant 0 : i32
        %dma_wait3A_40 = tpu.memref_slice %arg6[%run_scoped3A, %dma_wait3A_39] : memref<2x128xi32, #tpu.memory_space<vmem>> -> memref<1x128xi32, #tpu.memory_space<vmem>>
        %dma_wait3A_41 = tpu.memref_squeeze %dma_wait3A_40 : memref<1x128xi32, #tpu.memory_space<vmem>> -> memref<128xi32, #tpu.memory_space<vmem>>
        %dma_wait3A_42 = arith.constant 0 : i32
        %dma_wait3A_43 = arith.constant 0 : i32
        %dma_wait3A_44 = tpu.memref_slice %arg8[%dma_wait3A_42, %dma_wait3A_43] : memref<10240x128xf32, #tpu.memory_space<vmem_shared>> -> memref<10240x128xf32, #tpu.memory_space<vmem_shared>>
        tpu.wait_indirect_dma semaphore(%run_scoped3A_32 : memref<!tpu.dma_semaphore, #tpu.memory_space<semaphore_mem>>) src(%arg7 : memref<128x128xf32, #tpu.memory_space<vmem>>) dst(%dma_wait3A_44 : memref<10240x128xf32, #tpu.memory_space<vmem_shared>>)
        tpu.yield
      }) : () -> ()
    }
    %barrier3A_14 = arith.constant 0 : index
    tpu.barrier barrier_id(%barrier3A_14)
    %mul3A_15 = arith.constant 640 : i32
    %mul3A_16 = arith.muli %arg1, %mul3A_15 : i32
    %mul3A_17 = arith.constant 640 : i32
    %mul3A_18 = arith.muli %arg1, %mul3A_17 : i32
    "tpu.region"() ({
      %run_scoped3A = tpu.sem_alloc : memref<!tpu.dma_semaphore, #tpu.memory_space<semaphore_mem>>
      %dma_start3A = arith.constant 0 : i32
      %dma_start3A_19 = tpu.memref_slice %arg5[%arg0, %mul3A_18, %dma_start3A] : memref<2x10240x128xf32, #tpu.memory_space<hbm>> -> memref<1x640x128xf32, #tpu.memory_space<hbm>>
      %dma_start3A_20 = tpu.memref_squeeze %dma_start3A_19 : memref<1x640x128xf32, #tpu.memory_space<hbm>> -> memref<640x128xf32, #tpu.memory_space<hbm>>
      %dma_start3A_21 = arith.constant 0 : i32
      %dma_start3A_22 = tpu.memref_slice %arg8[%mul3A_16, %dma_start3A_21] : memref<10240x128xf32, #tpu.memory_space<vmem_shared>> -> memref<640x128xf32, #tpu.memory_space<vmem_shared>>
      tpu.enqueue_dma source(%dma_start3A_22 : memref<640x128xf32, #tpu.memory_space<vmem_shared>>) target(%dma_start3A_20 : memref<640x128xf32, #tpu.memory_space<hbm>>) target_semaphore(%run_scoped3A : memref<!tpu.dma_semaphore, #tpu.memory_space<semaphore_mem>>)
      %dma_wait3A = arith.constant 0 : i32
      %dma_wait3A_23 = tpu.memref_slice %arg5[%arg0, %mul3A_18, %dma_wait3A] : memref<2x10240x128xf32, #tpu.memory_space<hbm>> -> memref<1x640x128xf32, #tpu.memory_space<hbm>>
      %dma_wait3A_24 = tpu.memref_squeeze %dma_wait3A_23 : memref<1x640x128xf32, #tpu.memory_space<hbm>> -> memref<640x128xf32, #tpu.memory_space<hbm>>
      %dma_wait3A_25 = arith.constant 0 : i32
      %dma_wait3A_26 = tpu.memref_slice %arg8[%mul3A_16, %dma_wait3A_25] : memref<10240x128xf32, #tpu.memory_space<vmem_shared>> -> memref<640x128xf32, #tpu.memory_space<vmem_shared>>
      tpu.wait_dma2 semaphore(%run_scoped3A : memref<!tpu.dma_semaphore, #tpu.memory_space<semaphore_mem>>) src(%dma_wait3A_26 : memref<640x128xf32, #tpu.memory_space<vmem_shared>>) dst(%dma_wait3A_24 : memref<640x128xf32, #tpu.memory_space<hbm>>)
      tpu.yield
    }) : () -> ()
    return
  }
}

module attributes {stable_mosaic.version = 14 : i64} {
  func.func @_table_body(%arg0: i32, %arg1: memref<128x256xf32, #tpu.memory_space<vmem>>, %arg2: memref<256x128xf32, #tpu.memory_space<vmem>>, %arg3: memref<128x128xf32, #tpu.memory_space<vmem>>) attributes {dimension_semantics = [#tpu.dimension_semantics<arbitrary>], iteration_bounds = array<i64: 25>, scalar_prefetch = 0 : i64, scratch_operands = 0 : i64, tpu.core_type = #tpu.core_type<tc>, window_params = [{transform_indices = @transform_0, window_bounds = array<i64: 128, 256>}, {pipeline_mode = #tpu.pipeline_mode<synchronous>, transform_indices = @transform_1, window_bounds = array<i64: 256, 128>}, {transform_indices = @transform_2, window_bounds = array<i64: 128, 128>}]} {
    %get3A = arith.constant 0 : index
    %get3A_0 = arith.constant 0 : index
    %get3A_1 = vector.load %arg1[%get3A, %get3A_0] : memref<128x256xf32, #tpu.memory_space<vmem>>, vector<128x256xf32>
    %get3A_2 = arith.constant 0 : index
    %get3A_3 = arith.constant 0 : index
    %get3A_4 = vector.load %arg2[%get3A_2, %get3A_3] : memref<256x128xf32, #tpu.memory_space<vmem>>, vector<256x128xf32>
    %dot_general3A = arith.constant dense<0.000000e+00> : vector<128x128xf32>
    %dot_general3A_5 = tpu.matmul %get3A_1, %get3A_4, %dot_general3A {dimension_numbers = #tpu.dot_dimension_numbers<[1], [0], [0], [1], [0, 0, 1, 1], [], []>, transpose_lhs_hint = false} : vector<128x256xf32>, vector<256x128xf32>, vector<128x128xf32> -> vector<128x128xf32>
    %swap3A = arith.constant 0 : index
    %swap3A_6 = arith.constant 0 : index
    %swap3A_7 = vector.load %arg3[%swap3A, %swap3A_6] : memref<128x128xf32, #tpu.memory_space<vmem>>, vector<128x128xf32>
    tpu.vector_store %arg3[%swap3A, %swap3A_6], %dot_general3A_5 {strides = array<i32>} : memref<128x128xf32, #tpu.memory_space<vmem>>, vector<128x128xf32>,
    return
  }
  func.func @transform_0(%arg0: i32) -> (i32, i32) {
    %c0_i32 = arith.constant 0 : i32
    %c0_i32_0 = arith.constant 0 : i32
    return %arg0, %c0_i32 : i32, i32
  }
  func.func @transform_1(%arg0: i32) -> (i32, i32) {
    %c0_i32 = arith.constant 0 : i32
    %c0_i32_0 = arith.constant 0 : i32
    %c0_i32_1 = arith.constant 0 : i32
    return %c0_i32, %c0_i32_0 : i32, i32
  }
  func.func @transform_2(%arg0: i32) -> (i32, i32) {
    %c0_i32 = arith.constant 0 : i32
    %c0_i32_0 = arith.constant 0 : i32
    return %arg0, %c0_i32 : i32, i32
  }
}

module attributes {stable_mosaic.version = 14 : i64} {
  func.func @_coords_body(%arg0: i32, %arg1: memref<80x128xf32, #tpu.memory_space<vmem>>, %arg2: memref<80x128xf32, #tpu.memory_space<vmem>>, %arg3: memref<80x128xi32, #tpu.memory_space<vmem>>, %arg4: memref<80x128xi32, #tpu.memory_space<vmem>>, %arg5: memref<80x128xf32, #tpu.memory_space<vmem>>, %arg6: memref<80x128xf32, #tpu.memory_space<vmem>>, %arg7: memref<80x128xf32, #tpu.memory_space<vmem>>, %arg8: memref<80x128xf32, #tpu.memory_space<vmem>>) attributes {dimension_semantics = [#tpu.dimension_semantics<arbitrary>], iteration_bounds = array<i64: 1>, scalar_prefetch = 0 : i64, scratch_operands = 0 : i64, tpu.core_type = #tpu.core_type<tc>, window_params = [{pipeline_mode = #tpu.pipeline_mode<synchronous>, transform_indices = @transform_0, window_bounds = array<i64: 80, 128>}, {pipeline_mode = #tpu.pipeline_mode<synchronous>, transform_indices = @transform_1, window_bounds = array<i64: 80, 128>}, {pipeline_mode = #tpu.pipeline_mode<synchronous>, transform_indices = @transform_2, window_bounds = array<i64: 80, 128>}, {pipeline_mode = #tpu.pipeline_mode<synchronous>, transform_indices = @transform_3, window_bounds = array<i64: 80, 128>}, {pipeline_mode = #tpu.pipeline_mode<synchronous>, transform_indices = @transform_4, window_bounds = array<i64: 80, 128>}, {pipeline_mode = #tpu.pipeline_mode<synchronous>, transform_indices = @transform_5, window_bounds = array<i64: 80, 128>}, {pipeline_mode = #tpu.pipeline_mode<synchronous>, transform_indices = @transform_6, window_bounds = array<i64: 80, 128>}, {pipeline_mode = #tpu.pipeline_mode<synchronous>, transform_indices = @transform_7, window_bounds = array<i64: 80, 128>}]} {
    %get3A = arith.constant 0 : index
    %get3A_0 = arith.constant 0 : index
    %get3A_1 = vector.load %arg1[%get3A, %get3A_0] : memref<80x128xf32, #tpu.memory_space<vmem>>, vector<80x128xf32>
    %add3A = arith.constant 1.000000e+00 : f32
    %add3A_2 = vector.broadcast %add3A : f32 to vector<80x128xf32>
    %add3A_3 = arith.addf %get3A_1, %add3A_2 : vector<80x128xf32>
    %mul3A = arith.constant 2.750000e+01 : f32
    %mul3A_4 = vector.broadcast %mul3A : f32 to vector<80x128xf32>
    %mul3A_5 = arith.mulf %add3A_3, %mul3A_4 : vector<80x128xf32>
    %get3A_6 = arith.constant 0 : index
    %get3A_7 = arith.constant 0 : index
    %get3A_8 = vector.load %arg2[%get3A_6, %get3A_7] : memref<80x128xf32, #tpu.memory_space<vmem>>, vector<80x128xf32>
    %add3A_9 = arith.constant 1.000000e+00 : f32
    %add3A_10 = vector.broadcast %add3A_9 : f32 to vector<80x128xf32>
    %add3A_11 = arith.addf %get3A_8, %add3A_10 : vector<80x128xf32>
    %mul3A_12 = arith.constant 2.750000e+01 : f32
    %mul3A_13 = vector.broadcast %mul3A_12 : f32 to vector<80x128xf32>
    %mul3A_14 = arith.mulf %add3A_11, %mul3A_13 : vector<80x128xf32>
    %floor3A = math.floor %mul3A_5 : vector<80x128xf32>
    %floor3A_15 = math.floor %mul3A_14 : vector<80x128xf32>
    %sub3A = arith.subf %mul3A_5, %floor3A : vector<80x128xf32>
    %sub3A_16 = arith.subf %mul3A_14, %floor3A_15 : vector<80x128xf32>
    %convert_element_type3A = arith.fptosi %floor3A : vector<80x128xf32> to vector<80x128xi32>
    %convert_element_type3A_17 = arith.fptosi %floor3A_15 : vector<80x128xf32> to vector<80x128xi32>
    %ge3A = arith.constant 0 : i32
    %ge3A_18 = vector.broadcast %ge3A : i32 to vector<80x128xi32>
    %ge3A_19 = arith.cmpi sge, %convert_element_type3A, %ge3A_18 : vector<80x128xi32>
    %le3A = arith.constant 55 : i32
    %le3A_20 = vector.broadcast %le3A : i32 to vector<80x128xi32>
    %le3A_21 = arith.cmpi sle, %convert_element_type3A, %le3A_20 : vector<80x128xi32>
    %and3A = arith.andi %ge3A_19, %le3A_21 : vector<80x128xi1>
    %ge3A_22 = arith.constant -1 : i32
    %ge3A_23 = vector.broadcast %ge3A_22 : i32 to vector<80x128xi32>
    %ge3A_24 = arith.cmpi sge, %convert_element_type3A, %ge3A_23 : vector<80x128xi32>
    %le3A_25 = arith.constant 54 : i32
    %le3A_26 = vector.broadcast %le3A_25 : i32 to vector<80x128xi32>
    %le3A_27 = arith.cmpi sle, %convert_element_type3A, %le3A_26 : vector<80x128xi32>
    %and3A_28 = arith.andi %ge3A_24, %le3A_27 : vector<80x128xi1>
    %ge3A_29 = arith.constant 0 : i32
    %ge3A_30 = vector.broadcast %ge3A_29 : i32 to vector<80x128xi32>
    %ge3A_31 = arith.cmpi sge, %convert_element_type3A_17, %ge3A_30 : vector<80x128xi32>
    %le3A_32 = arith.constant 55 : i32
    %le3A_33 = vector.broadcast %le3A_32 : i32 to vector<80x128xi32>
    %le3A_34 = arith.cmpi sle, %convert_element_type3A_17, %le3A_33 : vector<80x128xi32>
    %and3A_35 = arith.andi %ge3A_31, %le3A_34 : vector<80x128xi1>
    %ge3A_36 = arith.constant -1 : i32
    %ge3A_37 = vector.broadcast %ge3A_36 : i32 to vector<80x128xi32>
    %ge3A_38 = arith.cmpi sge, %convert_element_type3A_17, %ge3A_37 : vector<80x128xi32>
    %le3A_39 = arith.constant 54 : i32
    %le3A_40 = vector.broadcast %le3A_39 : i32 to vector<80x128xi32>
    %le3A_41 = arith.cmpi sle, %convert_element_type3A_17, %le3A_40 : vector<80x128xi32>
    %and3A_42 = arith.andi %ge3A_38, %le3A_41 : vector<80x128xi1>
    %add3A_43 = arith.constant 1 : i32
    %add3A_44 = vector.broadcast %add3A_43 : i32 to vector<80x128xi32>
    %add3A_45 = arith.addi %convert_element_type3A, %add3A_44 : vector<80x128xi32>
    %jit3A = arith.constant 0 : i32
    %jit3A_46 = arith.constant 56 : i32
    %max3A = vector.broadcast %jit3A : i32 to vector<80x128xi32>
    %max3A_47 = arith.maxsi %max3A, %add3A_45 : vector<80x128xi32>
    %min3A = vector.broadcast %jit3A_46 : i32 to vector<80x128xi32>
    %min3A_48 = arith.minsi %min3A, %max3A_47 : vector<80x128xi32>
    %add3A_49 = arith.constant 1 : i32
    %add3A_50 = vector.broadcast %add3A_49 : i32 to vector<80x128xi32>
    %add3A_51 = arith.addi %convert_element_type3A_17, %add3A_50 : vector<80x128xi32>
    %jit3A_52 = arith.constant 0 : i32
    %jit3A_53 = arith.constant 57 : i32
    %max3A_54 = vector.broadcast %jit3A_52 : i32 to vector<80x128xi32>
    %max3A_55 = arith.maxsi %max3A_54, %add3A_51 : vector<80x128xi32>
    %min3A_56 = vector.broadcast %jit3A_53 : i32 to vector<80x128xi32>
    %min3A_57 = arith.minsi %min3A_56, %max3A_55 : vector<80x128xi32>
    %add3A_58 = arith.constant 2 : i32
    %add3A_59 = vector.broadcast %add3A_58 : i32 to vector<80x128xi32>
    %add3A_60 = arith.addi %convert_element_type3A_17, %add3A_59 : vector<80x128xi32>
    %jit3A_61 = arith.constant 0 : i32
    %jit3A_62 = arith.constant 57 : i32
    %max3A_63 = vector.broadcast %jit3A_61 : i32 to vector<80x128xi32>
    %max3A_64 = arith.maxsi %max3A_63, %add3A_60 : vector<80x128xi32>
    %min3A_65 = vector.broadcast %jit3A_62 : i32 to vector<80x128xi32>
    %min3A_66 = arith.minsi %min3A_65, %max3A_64 : vector<80x128xi32>
    %mul3A_67 = arith.constant 58 : i32
    %mul3A_68 = vector.broadcast %mul3A_67 : i32 to vector<80x128xi32>
    %mul3A_69 = arith.muli %min3A_57, %mul3A_68 : vector<80x128xi32>
    %add3A_70 = arith.addi %mul3A_69, %min3A_48 : vector<80x128xi32>
    %swap3A = arith.constant 0 : index
    %swap3A_71 = arith.constant 0 : index
    %swap3A_72 = vector.load %arg3[%swap3A, %swap3A_71] : memref<80x128xi32, #tpu.memory_space<vmem>>, vector<80x128xi32>
    tpu.vector_store %arg3[%swap3A, %swap3A_71], %add3A_70 {strides = array<i32>} : memref<80x128xi32, #tpu.memory_space<vmem>>, vector<80x128xi32>,
    %mul3A_73 = arith.constant 58 : i32
    %mul3A_74 = vector.broadcast %mul3A_73 : i32 to vector<80x128xi32>
    %mul3A_75 = arith.muli %min3A_66, %mul3A_74 : vector<80x128xi32>
    %add3A_76 = arith.addi %mul3A_75, %min3A_48 : vector<80x128xi32>
    %swap3A_77 = arith.constant 0 : index
    %swap3A_78 = arith.constant 0 : index
    %swap3A_79 = vector.load %arg4[%swap3A_77, %swap3A_78] : memref<80x128xi32, #tpu.memory_space<vmem>>, vector<80x128xi32>
    tpu.vector_store %arg4[%swap3A_77, %swap3A_78], %add3A_76 {strides = array<i32>} : memref<80x128xi32, #tpu.memory_space<vmem>>, vector<80x128xi32>,
    %sub3A_80 = arith.constant 1.000000e+00 : f32
    %sub3A_81 = vector.broadcast %sub3A_80 : f32 to vector<80x128xf32>
    %sub3A_82 = arith.subf %sub3A_81, %sub3A_16 : vector<80x128xf32>
    %jit3A_83 = arith.constant 0.000000e+00 : f32
    %broadcast_in_dim3A = vector.broadcast %jit3A_83 : f32 to vector<80x128xf32>
    %select_n3A = arith.select %and3A_35, %sub3A_82, %broadcast_in_dim3A : vector<80x128xi1>, vector<80x128xf32>
    %swap3A_84 = arith.constant 0 : index
    %swap3A_85 = arith.constant 0 : index
    %swap3A_86 = vector.load %arg5[%swap3A_84, %swap3A_85] : memref<80x128xf32, #tpu.memory_space<vmem>>, vector<80x128xf32>
    tpu.vector_store %arg5[%swap3A_84, %swap3A_85], %select_n3A {strides = array<i32>} : memref<80x128xf32, #tpu.memory_space<vmem>>, vector<80x128xf32>,
    %jit3A_87 = arith.constant 0.000000e+00 : f32
    %broadcast_in_dim3A_88 = vector.broadcast %jit3A_87 : f32 to vector<80x128xf32>
    %select_n3A_89 = arith.select %and3A_42, %sub3A_16, %broadcast_in_dim3A_88 : vector<80x128xi1>, vector<80x128xf32>
    %swap3A_90 = arith.constant 0 : index
    %swap3A_91 = arith.constant 0 : index
    %swap3A_92 = vector.load %arg6[%swap3A_90, %swap3A_91] : memref<80x128xf32, #tpu.memory_space<vmem>>, vector<80x128xf32>
    tpu.vector_store %arg6[%swap3A_90, %swap3A_91], %select_n3A_89 {strides = array<i32>} : memref<80x128xf32, #tpu.memory_space<vmem>>, vector<80x128xf32>,
    %sub3A_93 = arith.constant 1.000000e+00 : f32
    %sub3A_94 = vector.broadcast %sub3A_93 : f32 to vector<80x128xf32>
    %sub3A_95 = arith.subf %sub3A_94, %sub3A : vector<80x128xf32>
    %jit3A_96 = arith.constant 0.000000e+00 : f32
    %broadcast_in_dim3A_97 = vector.broadcast %jit3A_96 : f32 to vector<80x128xf32>
    %select_n3A_98 = arith.select %and3A, %sub3A_95, %broadcast_in_dim3A_97 : vector<80x128xi1>, vector<80x128xf32>
    %swap3A_99 = arith.constant 0 : index
    %swap3A_100 = arith.constant 0 : index
    %swap3A_101 = vector.load %arg7[%swap3A_99, %swap3A_100] : memref<80x128xf32, #tpu.memory_space<vmem>>, vector<80x128xf32>
    tpu.vector_store %arg7[%swap3A_99, %swap3A_100], %select_n3A_98 {strides = array<i32>} : memref<80x128xf32, #tpu.memory_space<vmem>>, vector<80x128xf32>,
    %jit3A_102 = arith.constant 0.000000e+00 : f32
    %broadcast_in_dim3A_103 = vector.broadcast %jit3A_102 : f32 to vector<80x128xf32>
    %select_n3A_104 = arith.select %and3A_28, %sub3A, %broadcast_in_dim3A_103 : vector<80x128xi1>, vector<80x128xf32>
    %swap3A_105 = arith.constant 0 : index
    %swap3A_106 = arith.constant 0 : index
    %swap3A_107 = vector.load %arg8[%swap3A_105, %swap3A_106] : memref<80x128xf32, #tpu.memory_space<vmem>>, vector<80x128xf32>
    tpu.vector_store %arg8[%swap3A_105, %swap3A_106], %select_n3A_104 {strides = array<i32>} : memref<80x128xf32, #tpu.memory_space<vmem>>, vector<80x128xf32>,
    return
  }
  func.func @transform_0(%arg0: i32) -> (i32, i32) {
    %c0_i32 = arith.constant 0 : i32
    %c0_i32_0 = arith.constant 0 : i32
    %c0_i32_1 = arith.constant 0 : i32
    return %c0_i32, %c0_i32_0 : i32, i32
  }
  func.func @transform_1(%arg0: i32) -> (i32, i32) {
    %c0_i32 = arith.constant 0 : i32
    %c0_i32_0 = arith.constant 0 : i32
    %c0_i32_1 = arith.constant 0 : i32
    return %c0_i32, %c0_i32_0 : i32, i32
  }
  func.func @transform_2(%arg0: i32) -> (i32, i32) {
    %c0_i32 = arith.constant 0 : i32
    %c0_i32_0 = arith.constant 0 : i32
    %c0_i32_1 = arith.constant 0 : i32
    return %c0_i32, %c0_i32_0 : i32, i32
  }
  func.func @transform_3(%arg0: i32) -> (i32, i32) {
    %c0_i32 = arith.constant 0 : i32
    %c0_i32_0 = arith.constant 0 : i32
    %c0_i32_1 = arith.constant 0 : i32
    return %c0_i32, %c0_i32_0 : i32, i32
  }
  func.func @transform_4(%arg0: i32) -> (i32, i32) {
    %c0_i32 = arith.constant 0 : i32
    %c0_i32_0 = arith.constant 0 : i32
    %c0_i32_1 = arith.constant 0 : i32
    return %c0_i32, %c0_i32_0 : i32, i32
  }
  func.func @transform_5(%arg0: i32) -> (i32, i32) {
    %c0_i32 = arith.constant 0 : i32
    %c0_i32_0 = arith.constant 0 : i32
    %c0_i32_1 = arith.constant 0 : i32
    return %c0_i32, %c0_i32_0 : i32, i32
  }
  func.func @transform_6(%arg0: i32) -> (i32, i32) {
    %c0_i32 = arith.constant 0 : i32
    %c0_i32_0 = arith.constant 0 : i32
    %c0_i32_1 = arith.constant 0 : i32
    return %c0_i32, %c0_i32_0 : i32, i32
  }
  func.func @transform_7(%arg0: i32) -> (i32, i32) {
    %c0_i32 = arith.constant 0 : i32
    %c0_i32_0 = arith.constant 0 : i32
    %c0_i32_1 = arith.constant 0 : i32
    return %c0_i32, %c0_i32_0 : i32, i32
  }
}

module attributes {stable_mosaic.version = 14 : i64} {
  func.func @_layer0_body(%arg0: i32, %arg1: memref<512x256xf32, #tpu.memory_space<vmem>>, %arg2: memref<512x256xf32, #tpu.memory_space<vmem>>, %arg3: memref<512x1xf32, #tpu.memory_space<vmem>>, %arg4: memref<512x1xf32, #tpu.memory_space<vmem>>, %arg5: memref<512x1xf32, #tpu.memory_space<vmem>>, %arg6: memref<512x1xf32, #tpu.memory_space<vmem>>, %arg7: memref<1x128xf32, #tpu.memory_space<vmem>>, %arg8: memref<512x8xf32, #tpu.memory_space<vmem>>, %arg9: memref<128x256xf32, #tpu.memory_space<vmem>>, %arg10: memref<8x256xf32, #tpu.memory_space<vmem>>, %arg11: memref<1x256xf32, #tpu.memory_space<vmem>>, %arg12: memref<512x128xf32, #tpu.memory_space<vmem>>, %arg13: memref<512x128xf32, #tpu.memory_space<vmem>>) attributes {dimension_semantics = [#tpu.dimension_semantics<arbitrary>], iteration_bounds = array<i64: 20>, scalar_prefetch = 0 : i64, scratch_operands = 0 : i64, tpu.core_type = #tpu.core_type<tc>, window_params = [{transform_indices = @transform_0, window_bounds = array<i64: 512, 256>}, {transform_indices = @transform_1, window_bounds = array<i64: 512, 256>}, {transform_indices = @transform_2, window_bounds = array<i64: 512, 1>}, {transform_indices = @transform_3, window_bounds = array<i64: 512, 1>}, {transform_indices = @transform_4, window_bounds = array<i64: 512, 1>}, {transform_indices = @transform_5, window_bounds = array<i64: 512, 1>}, {pipeline_mode = #tpu.pipeline_mode<synchronous>, transform_indices = @transform_6, window_bounds = array<i64: 1, 128>}, {transform_indices = @transform_7, window_bounds = array<i64: 512, 8>}, {pipeline_mode = #tpu.pipeline_mode<synchronous>, transform_indices = @transform_8, window_bounds = array<i64: 128, 256>}, {pipeline_mode = #tpu.pipeline_mode<synchronous>, transform_indices = @transform_9, window_bounds = array<i64: 8, 256>}, {pipeline_mode = #tpu.pipeline_mode<synchronous>, transform_indices = @transform_10, window_bounds = array<i64: 1, 256>}, {transform_indices = @transform_11, window_bounds = array<i64: 512, 128>}, {transform_indices = @transform_12, window_bounds = array<i64: 512, 128>}]} {
    %get3A = arith.constant 0 : index
    %get3A_0 = arith.constant 0 : index
    %get3A_1 = vector.load %arg3[%get3A, %get3A_0] : memref<512x1xf32, #tpu.memory_space<vmem>>, vector<512x1xf32>
    %get3A_2 = arith.constant 0 : index
    %get3A_3 = arith.constant 0 : index
    %get3A_4 = vector.load %arg1[%get3A_2, %get3A_3] : memref<512x256xf32, #tpu.memory_space<vmem>>, vector<512x256xf32>
    %mul3A = vector.broadcast %get3A_1 : vector<512x1xf32> to vector<512x256xf32>
    %mul3A_5 = arith.mulf %mul3A, %get3A_4 : vector<512x256xf32>
    %get3A_6 = arith.constant 0 : index
    %get3A_7 = arith.constant 0 : index
    %get3A_8 = vector.load %arg4[%get3A_6, %get3A_7] : memref<512x1xf32, #tpu.memory_space<vmem>>, vector<512x1xf32>
    %get3A_9 = arith.constant 0 : index
    %get3A_10 = arith.constant 0 : index
    %get3A_11 = vector.load %arg2[%get3A_9, %get3A_10] : memref<512x256xf32, #tpu.memory_space<vmem>>, vector<512x256xf32>
    %mul3A_12 = vector.broadcast %get3A_8 : vector<512x1xf32> to vector<512x256xf32>
    %mul3A_13 = arith.mulf %mul3A_12, %get3A_11 : vector<512x256xf32>
    %add3A = arith.addf %mul3A_5, %mul3A_13 : vector<512x256xf32>
    %get3A_14 = arith.constant 0 : index
    %get3A_15 = arith.constant 0 : index
    %get3A_16 = vector.load %arg5[%get3A_14, %get3A_15] : memref<512x1xf32, #tpu.memory_space<vmem>>, vector<512x1xf32>
    %slice3A = vector.extract_strided_slice %add3A {offsets = [0, 0], sizes = [512, 128], strides = [1, 1]} : vector<512x256xf32> to vector<512x128xf32>
    %mul3A_17 = vector.broadcast %get3A_16 : vector<512x1xf32> to vector<512x128xf32>
    %mul3A_18 = arith.mulf %mul3A_17, %slice3A : vector<512x128xf32>
    %get3A_19 = arith.constant 0 : index
    %get3A_20 = arith.constant 0 : index
    %get3A_21 = vector.load %arg6[%get3A_19, %get3A_20] : memref<512x1xf32, #tpu.memory_space<vmem>>, vector<512x1xf32>
    %slice3A_22 = vector.extract_strided_slice %add3A {offsets = [0, 128], sizes = [512, 128], strides = [1, 1]} : vector<512x256xf32> to vector<512x128xf32>
    %mul3A_23 = vector.broadcast %get3A_21 : vector<512x1xf32> to vector<512x128xf32>
    %mul3A_24 = arith.mulf %mul3A_23, %slice3A_22 : vector<512x128xf32>
    %add3A_25 = arith.addf %mul3A_18, %mul3A_24 : vector<512x128xf32>
    %get3A_26 = arith.constant 0 : index
    %get3A_27 = arith.constant 0 : index
    %get3A_28 = vector.load %arg7[%get3A_26, %get3A_27] : memref<1x128xf32, #tpu.memory_space<vmem>>, vector<1x128xf32>
    %add3A_29 = vector.broadcast %get3A_28 : vector<1x128xf32> to vector<512x128xf32>
    %add3A_30 = arith.addf %add3A_25, %add3A_29 : vector<512x128xf32>
    %max3A = arith.constant 0.000000e+00 : f32
    %max3A_31 = vector.broadcast %max3A : f32 to vector<512x128xf32>
    %max3A_32 = arith.maximumf %add3A_30, %max3A_31 : vector<512x128xf32>
    %get3A_33 = arith.constant 0 : index
    %get3A_34 = arith.constant 0 : index
    %get3A_35 = vector.load %arg9[%get3A_33, %get3A_34] : memref<128x256xf32, #tpu.memory_space<vmem>>, vector<128x256xf32>
    %dot_general3A = arith.constant dense<0.000000e+00> : vector<512x256xf32>
    %dot_general3A_36 = tpu.matmul %max3A_32, %get3A_35, %dot_general3A {dimension_numbers = #tpu.dot_dimension_numbers<[1], [0], [0], [1], [0, 0, 1, 1], [], []>, transpose_lhs_hint = false} : vector<512x128xf32>, vector<128x256xf32>, vector<512x256xf32> -> vector<512x256xf32>
    %get3A_37 = arith.constant 0 : index
    %get3A_38 = arith.constant 0 : index
    %get3A_39 = vector.load %arg8[%get3A_37, %get3A_38] : memref<512x8xf32, #tpu.memory_space<vmem>>, vector<512x8xf32>
    %get3A_40 = arith.constant 0 : index
    %get3A_41 = arith.constant 0 : index
    %get3A_42 = vector.load %arg10[%get3A_40, %get3A_41] : memref<8x256xf32, #tpu.memory_space<vmem>>, vector<8x256xf32>
    %dot_general3A_43 = arith.constant dense<0.000000e+00> : vector<512x256xf32>
    %dot_general3A_44 = tpu.matmul %get3A_39, %get3A_42, %dot_general3A_43 {dimension_numbers = #tpu.dot_dimension_numbers<[1], [0], [0], [1], [0, 0, 1, 1], [], []>, transpose_lhs_hint = false} : vector<512x8xf32>, vector<8x256xf32>, vector<512x256xf32> -> vector<512x256xf32>
    %add3A_45 = arith.addf %dot_general3A_36, %dot_general3A_44 : vector<512x256xf32>
    %get3A_46 = arith.constant 0 : index
    %get3A_47 = arith.constant 0 : index
    %get3A_48 = vector.load %arg11[%get3A_46, %get3A_47] : memref<1x256xf32, #tpu.memory_space<vmem>>, vector<1x256xf32>
    %add3A_49 = vector.broadcast %get3A_48 : vector<1x256xf32> to vector<512x256xf32>
    %add3A_50 = arith.addf %add3A_45, %add3A_49 : vector<512x256xf32>
    %slice3A_51 = vector.extract_strided_slice %add3A_50 {offsets = [0, 0], sizes = [512, 128], strides = [1, 1]} : vector<512x256xf32> to vector<512x128xf32>
    %swap3A = arith.constant 0 : index
    %swap3A_52 = arith.constant 0 : index
    %swap3A_53 = vector.load %arg12[%swap3A, %swap3A_52] : memref<512x128xf32, #tpu.memory_space<vmem>>, vector<512x128xf32>
    tpu.vector_store %arg12[%swap3A, %swap3A_52], %slice3A_51 {strides = array<i32>} : memref<512x128xf32, #tpu.memory_space<vmem>>, vector<512x128xf32>,
    %slice3A_54 = vector.extract_strided_slice %add3A_50 {offsets = [0, 128], sizes = [512, 128], strides = [1, 1]} : vector<512x256xf32> to vector<512x128xf32>
    %swap3A_55 = arith.constant 0 : index
    %swap3A_56 = arith.constant 0 : index
    %swap3A_57 = vector.load %arg13[%swap3A_55, %swap3A_56] : memref<512x128xf32, #tpu.memory_space<vmem>>, vector<512x128xf32>
    tpu.vector_store %arg13[%swap3A_55, %swap3A_56], %slice3A_54 {strides = array<i32>} : memref<512x128xf32, #tpu.memory_space<vmem>>, vector<512x128xf32>,
    return
  }
  func.func @transform_0(%arg0: i32) -> (i32, i32) {
    %c0_i32 = arith.constant 0 : i32
    %c0_i32_0 = arith.constant 0 : i32
    return %arg0, %c0_i32 : i32, i32
  }
  func.func @transform_1(%arg0: i32) -> (i32, i32) {
    %c0_i32 = arith.constant 0 : i32
    %c0_i32_0 = arith.constant 0 : i32
    return %arg0, %c0_i32 : i32, i32
  }
  func.func @transform_2(%arg0: i32) -> (i32, i32) {
    %c0_i32 = arith.constant 0 : i32
    %c0_i32_0 = arith.constant 0 : i32
    return %arg0, %c0_i32 : i32, i32
  }
  func.func @transform_3(%arg0: i32) -> (i32, i32) {
    %c0_i32 = arith.constant 0 : i32
    %c0_i32_0 = arith.constant 0 : i32
    return %arg0, %c0_i32 : i32, i32
  }
  func.func @transform_4(%arg0: i32) -> (i32, i32) {
    %c0_i32 = arith.constant 0 : i32
    %c0_i32_0 = arith.constant 0 : i32
    return %arg0, %c0_i32 : i32, i32
  }
  func.func @transform_5(%arg0: i32) -> (i32, i32) {
    %c0_i32 = arith.constant 0 : i32
    %c0_i32_0 = arith.constant 0 : i32
    return %arg0, %c0_i32 : i32, i32
  }
  func.func @transform_6(%arg0: i32) -> (i32, i32) {
    %c0_i32 = arith.constant 0 : i32
    %c0_i32_0 = arith.constant 0 : i32
    %c0_i32_1 = arith.constant 0 : i32
    return %c0_i32, %c0_i32_0 : i32, i32
  }
  func.func @transform_7(%arg0: i32) -> (i32, i32) {
    %c0_i32 = arith.constant 0 : i32
    %c0_i32_0 = arith.constant 0 : i32
    return %arg0, %c0_i32 : i32, i32
  }
  func.func @transform_8(%arg0: i32) -> (i32, i32) {
    %c0_i32 = arith.constant 0 : i32
    %c0_i32_0 = arith.constant 0 : i32
    %c0_i32_1 = arith.constant 0 : i32
    return %c0_i32, %c0_i32_0 : i32, i32
  }
  func.func @transform_9(%arg0: i32) -> (i32, i32) {
    %c0_i32 = arith.constant 0 : i32
    %c0_i32_0 = arith.constant 0 : i32
    %c0_i32_1 = arith.constant 0 : i32
    return %c0_i32, %c0_i32_0 : i32, i32
  }
  func.func @transform_10(%arg0: i32) -> (i32, i32) {
    %c0_i32 = arith.constant 0 : i32
    %c0_i32_0 = arith.constant 0 : i32
    %c0_i32_1 = arith.constant 0 : i32
    return %c0_i32, %c0_i32_0 : i32, i32
  }
  func.func @transform_11(%arg0: i32) -> (i32, i32) {
    %c0_i32 = arith.constant 0 : i32
    %c0_i32_0 = arith.constant 0 : i32
    return %arg0, %c0_i32 : i32, i32
  }
  func.func @transform_12(%arg0: i32) -> (i32, i32) {
    %c0_i32 = arith.constant 0 : i32
    %c0_i32_0 = arith.constant 0 : i32
    return %arg0, %c0_i32 : i32, i32
  }
}

module attributes {stable_mosaic.version = 14 : i64} {
  func.func @_layer_body(%arg0: i32, %arg1: memref<512x128xf32, #tpu.memory_space<vmem>>, %arg2: memref<2x512x128xf32, #tpu.memory_space<vmem>>, %arg3: memref<512x8xf32, #tpu.memory_space<vmem>>, %arg4: memref<128x256xf32, #tpu.memory_space<vmem>>, %arg5: memref<8x256xf32, #tpu.memory_space<vmem>>, %arg6: memref<1x256xf32, #tpu.memory_space<vmem>>, %arg7: memref<512x128xf32, #tpu.memory_space<vmem>>, %arg8: memref<512x128xf32, #tpu.memory_space<vmem>>) attributes {dimension_semantics = [#tpu.dimension_semantics<arbitrary>], iteration_bounds = array<i64: 20>, scalar_prefetch = 0 : i64, scratch_operands = 0 : i64, tpu.core_type = #tpu.core_type<tc>, window_params = [{transform_indices = @transform_0, window_bounds = array<i64: 512, 128>}, {transform_indices = @transform_1, window_bounds = array<i64: 2, 512, 128>}, {transform_indices = @transform_2, window_bounds = array<i64: 512, 8>}, {pipeline_mode = #tpu.pipeline_mode<synchronous>, transform_indices = @transform_3, window_bounds = array<i64: 128, 256>}, {pipeline_mode = #tpu.pipeline_mode<synchronous>, transform_indices = @transform_4, window_bounds = array<i64: 8, 256>}, {pipeline_mode = #tpu.pipeline_mode<synchronous>, transform_indices = @transform_5, window_bounds = array<i64: 1, 256>}, {transform_indices = @transform_6, window_bounds = array<i64: 512, 128>}, {transform_indices = @transform_7, window_bounds = array<i64: 512, 128>}]} {
    %get3A = arith.constant 0 : index
    %get3A_0 = arith.constant 0 : index
    %get3A_1 = vector.load %arg1[%get3A, %get3A_0] : memref<512x128xf32, #tpu.memory_space<vmem>>, vector<512x128xf32>
    %get3A_2 = arith.constant 0 : index
    %get3A_3 = arith.constant 0 : index
    %get3A_4 = arith.constant 0 : index
    %get3A_5 = vector.load %arg2[%get3A_2, %get3A_3, %get3A_4] : memref<2x512x128xf32, #tpu.memory_space<vmem>>, vector<1x512x128xf32>
    %get3A_6 = vector.shape_cast %get3A_5 : vector<1x512x128xf32> to vector<512x128xf32>
    %add3A = arith.addf %get3A_1, %get3A_6 : vector<512x128xf32>
    %get3A_7 = arith.constant 1 : index
    %get3A_8 = arith.constant 0 : index
    %get3A_9 = arith.constant 0 : index
    %get3A_10 = vector.load %arg2[%get3A_7, %get3A_8, %get3A_9] : memref<2x512x128xf32, #tpu.memory_space<vmem>>, vector<1x512x128xf32>
    %get3A_11 = vector.shape_cast %get3A_10 : vector<1x512x128xf32> to vector<512x128xf32>
    %add3A_12 = arith.addf %add3A, %get3A_11 : vector<512x128xf32>
    %max3A = arith.constant 0.000000e+00 : f32
    %max3A_13 = vector.broadcast %max3A : f32 to vector<512x128xf32>
    %max3A_14 = arith.maximumf %add3A_12, %max3A_13 : vector<512x128xf32>
    %get3A_15 = arith.constant 0 : index
    %get3A_16 = arith.constant 0 : index
    %get3A_17 = vector.load %arg4[%get3A_15, %get3A_16] : memref<128x256xf32, #tpu.memory_space<vmem>>, vector<128x256xf32>
    %dot_general3A = arith.constant dense<0.000000e+00> : vector<512x256xf32>
    %dot_general3A_18 = tpu.matmul %max3A_14, %get3A_17, %dot_general3A {dimension_numbers = #tpu.dot_dimension_numbers<[1], [0], [0], [1], [0, 0, 1, 1], [], []>, transpose_lhs_hint = false} : vector<512x128xf32>, vector<128x256xf32>, vector<512x256xf32> -> vector<512x256xf32>
    %get3A_19 = arith.constant 0 : index
    %get3A_20 = arith.constant 0 : index
    %get3A_21 = vector.load %arg3[%get3A_19, %get3A_20] : memref<512x8xf32, #tpu.memory_space<vmem>>, vector<512x8xf32>
    %get3A_22 = arith.constant 0 : index
    %get3A_23 = arith.constant 0 : index
    %get3A_24 = vector.load %arg5[%get3A_22, %get3A_23] : memref<8x256xf32, #tpu.memory_space<vmem>>, vector<8x256xf32>
    %dot_general3A_25 = arith.constant dense<0.000000e+00> : vector<512x256xf32>
    %dot_general3A_26 = tpu.matmul %get3A_21, %get3A_24, %dot_general3A_25 {dimension_numbers = #tpu.dot_dimension_numbers<[1], [0], [0], [1], [0, 0, 1, 1], [], []>, transpose_lhs_hint = false} : vector<512x8xf32>, vector<8x256xf32>, vector<512x256xf32> -> vector<512x256xf32>
    %add3A_27 = arith.addf %dot_general3A_18, %dot_general3A_26 : vector<512x256xf32>
    %get3A_28 = arith.constant 0 : index
    %get3A_29 = arith.constant 0 : index
    %get3A_30 = vector.load %arg6[%get3A_28, %get3A_29] : memref<1x256xf32, #tpu.memory_space<vmem>>, vector<1x256xf32>
    %add3A_31 = vector.broadcast %get3A_30 : vector<1x256xf32> to vector<512x256xf32>
    %add3A_32 = arith.addf %add3A_27, %add3A_31 : vector<512x256xf32>
    %slice3A = vector.extract_strided_slice %add3A_32 {offsets = [0, 0], sizes = [512, 128], strides = [1, 1]} : vector<512x256xf32> to vector<512x128xf32>
    %swap3A = arith.constant 0 : index
    %swap3A_33 = arith.constant 0 : index
    %swap3A_34 = vector.load %arg7[%swap3A, %swap3A_33] : memref<512x128xf32, #tpu.memory_space<vmem>>, vector<512x128xf32>
    tpu.vector_store %arg7[%swap3A, %swap3A_33], %slice3A {strides = array<i32>} : memref<512x128xf32, #tpu.memory_space<vmem>>, vector<512x128xf32>,
    %slice3A_35 = vector.extract_strided_slice %add3A_32 {offsets = [0, 128], sizes = [512, 128], strides = [1, 1]} : vector<512x256xf32> to vector<512x128xf32>
    %swap3A_36 = arith.constant 0 : index
    %swap3A_37 = arith.constant 0 : index
    %swap3A_38 = vector.load %arg8[%swap3A_36, %swap3A_37] : memref<512x128xf32, #tpu.memory_space<vmem>>, vector<512x128xf32>
    tpu.vector_store %arg8[%swap3A_36, %swap3A_37], %slice3A_35 {strides = array<i32>} : memref<512x128xf32, #tpu.memory_space<vmem>>, vector<512x128xf32>,
    return
  }
  func.func @transform_0(%arg0: i32) -> (i32, i32) {
    %c0_i32 = arith.constant 0 : i32
    %c0_i32_0 = arith.constant 0 : i32
    return %arg0, %c0_i32 : i32, i32
  }
  func.func @transform_1(%arg0: i32) -> (i32, i32, i32) {
    %c0_i32 = arith.constant 0 : i32
    %c0_i32_0 = arith.constant 0 : i32
    %c0_i32_1 = arith.constant 0 : i32
    return %c0_i32, %arg0, %c0_i32_0 : i32, i32, i32
  }
  func.func @transform_2(%arg0: i32) -> (i32, i32) {
    %c0_i32 = arith.constant 0 : i32
    %c0_i32_0 = arith.constant 0 : i32
    return %arg0, %c0_i32 : i32, i32
  }
  func.func @transform_3(%arg0: i32) -> (i32, i32) {
    %c0_i32 = arith.constant 0 : i32
    %c0_i32_0 = arith.constant 0 : i32
    %c0_i32_1 = arith.constant 0 : i32
    return %c0_i32, %c0_i32_0 : i32, i32
  }
  func.func @transform_4(%arg0: i32) -> (i32, i32) {
    %c0_i32 = arith.constant 0 : i32
    %c0_i32_0 = arith.constant 0 : i32
    %c0_i32_1 = arith.constant 0 : i32
    return %c0_i32, %c0_i32_0 : i32, i32
  }
  func.func @transform_5(%arg0: i32) -> (i32, i32) {
    %c0_i32 = arith.constant 0 : i32
    %c0_i32_0 = arith.constant 0 : i32
    %c0_i32_1 = arith.constant 0 : i32
    return %c0_i32, %c0_i32_0 : i32, i32
  }
  func.func @transform_6(%arg0: i32) -> (i32, i32) {
    %c0_i32 = arith.constant 0 : i32
    %c0_i32_0 = arith.constant 0 : i32
    return %arg0, %c0_i32 : i32, i32
  }
  func.func @transform_7(%arg0: i32) -> (i32, i32) {
    %c0_i32 = arith.constant 0 : i32
    %c0_i32_0 = arith.constant 0 : i32
    return %arg0, %c0_i32 : i32, i32
  }
}

module attributes {stable_mosaic.version = 14 : i64} {
  func.func @_final_body(%arg0: i32, %arg1: memref<512x128xf32, #tpu.memory_space<vmem>>, %arg2: memref<2x512x128xf32, #tpu.memory_space<vmem>>, %arg3: memref<512x8xf32, #tpu.memory_space<vmem>>, %arg4: memref<512x128xf32, #tpu.memory_space<vmem>>, %arg5: memref<128x128xf32, #tpu.memory_space<vmem>>, %arg6: memref<8x128xf32, #tpu.memory_space<vmem>>, %arg7: memref<1x128xf32, #tpu.memory_space<vmem>>, %arg8: memref<512x128xf32, #tpu.memory_space<vmem>>, %arg9: memref<512x128xf32, #tpu.memory_space<vmem>>) attributes {dimension_semantics = [#tpu.dimension_semantics<arbitrary>], iteration_bounds = array<i64: 20>, scalar_prefetch = 0 : i64, scratch_operands = 0 : i64, tpu.core_type = #tpu.core_type<tc>, window_params = [{transform_indices = @transform_0, window_bounds = array<i64: 512, 128>}, {transform_indices = @transform_1, window_bounds = array<i64: 2, 512, 128>}, {transform_indices = @transform_2, window_bounds = array<i64: 512, 8>}, {transform_indices = @transform_3, window_bounds = array<i64: 512, 128>}, {pipeline_mode = #tpu.pipeline_mode<synchronous>, transform_indices = @transform_4, window_bounds = array<i64: 128, 128>}, {pipeline_mode = #tpu.pipeline_mode<synchronous>, transform_indices = @transform_5, window_bounds = array<i64: 8, 128>}, {pipeline_mode = #tpu.pipeline_mode<synchronous>, transform_indices = @transform_6, window_bounds = array<i64: 1, 128>}, {transform_indices = @transform_7, window_bounds = array<i64: 512, 128>}, {transform_indices = @transform_8, window_bounds = array<i64: 512, 128>}]} {
    %get3A = arith.constant 0 : index
    %get3A_0 = arith.constant 0 : index
    %get3A_1 = vector.load %arg1[%get3A, %get3A_0] : memref<512x128xf32, #tpu.memory_space<vmem>>, vector<512x128xf32>
    %get3A_2 = arith.constant 0 : index
    %get3A_3 = arith.constant 0 : index
    %get3A_4 = arith.constant 0 : index
    %get3A_5 = vector.load %arg2[%get3A_2, %get3A_3, %get3A_4] : memref<2x512x128xf32, #tpu.memory_space<vmem>>, vector<1x512x128xf32>
    %get3A_6 = vector.shape_cast %get3A_5 : vector<1x512x128xf32> to vector<512x128xf32>
    %add3A = arith.addf %get3A_1, %get3A_6 : vector<512x128xf32>
    %get3A_7 = arith.constant 1 : index
    %get3A_8 = arith.constant 0 : index
    %get3A_9 = arith.constant 0 : index
    %get3A_10 = vector.load %arg2[%get3A_7, %get3A_8, %get3A_9] : memref<2x512x128xf32, #tpu.memory_space<vmem>>, vector<1x512x128xf32>
    %get3A_11 = vector.shape_cast %get3A_10 : vector<1x512x128xf32> to vector<512x128xf32>
    %add3A_12 = arith.addf %add3A, %get3A_11 : vector<512x128xf32>
    %max3A = arith.constant 0.000000e+00 : f32
    %max3A_13 = vector.broadcast %max3A : f32 to vector<512x128xf32>
    %max3A_14 = arith.maximumf %add3A_12, %max3A_13 : vector<512x128xf32>
    %get3A_15 = arith.constant 0 : index
    %get3A_16 = arith.constant 0 : index
    %get3A_17 = vector.load %arg5[%get3A_15, %get3A_16] : memref<128x128xf32, #tpu.memory_space<vmem>>, vector<128x128xf32>
    %dot_general3A = arith.constant dense<0.000000e+00> : vector<512x128xf32>
    %dot_general3A_18 = tpu.matmul %max3A_14, %get3A_17, %dot_general3A {dimension_numbers = #tpu.dot_dimension_numbers<[1], [0], [0], [1], [0, 0, 1, 1], [], []>, transpose_lhs_hint = false} : vector<512x128xf32>, vector<128x128xf32>, vector<512x128xf32> -> vector<512x128xf32>
    %get3A_19 = arith.constant 0 : index
    %get3A_20 = arith.constant 0 : index
    %get3A_21 = vector.load %arg3[%get3A_19, %get3A_20] : memref<512x8xf32, #tpu.memory_space<vmem>>, vector<512x8xf32>
    %get3A_22 = arith.constant 0 : index
    %get3A_23 = arith.constant 0 : index
    %get3A_24 = vector.load %arg6[%get3A_22, %get3A_23] : memref<8x128xf32, #tpu.memory_space<vmem>>, vector<8x128xf32>
    %dot_general3A_25 = arith.constant dense<0.000000e+00> : vector<512x128xf32>
    %dot_general3A_26 = tpu.matmul %get3A_21, %get3A_24, %dot_general3A_25 {dimension_numbers = #tpu.dot_dimension_numbers<[1], [0], [0], [1], [0, 0, 1, 1], [], []>, transpose_lhs_hint = false} : vector<512x8xf32>, vector<8x128xf32>, vector<512x128xf32> -> vector<512x128xf32>
    %add3A_27 = arith.addf %dot_general3A_18, %dot_general3A_26 : vector<512x128xf32>
    %get3A_28 = arith.constant 0 : index
    %get3A_29 = arith.constant 0 : index
    %get3A_30 = vector.load %arg7[%get3A_28, %get3A_29] : memref<1x128xf32, #tpu.memory_space<vmem>>, vector<1x128xf32>
    %add3A_31 = vector.broadcast %get3A_30 : vector<1x128xf32> to vector<512x128xf32>
    %add3A_32 = arith.addf %add3A_27, %add3A_31 : vector<512x128xf32>
    %ne3A = arith.cmpf one, %add3A_32, %add3A_32 : vector<512x128xf32>
    %jit3A = arith.constant 0.000000e+00 : f32
    %broadcast_in_dim3A = vector.broadcast %jit3A : f32 to vector<512x128xf32>
    %select_n3A = arith.select %ne3A, %broadcast_in_dim3A, %add3A_32 : vector<512x128xi1>, vector<512x128xf32>
    %iota3A = tpu.iota {dimensions = array<i32: 1>} : vector<512x128xi32>
    %swap3A = arith.constant 0 : index
    %swap3A_33 = arith.constant 0 : index
    %swap3A_34 = vector.load %arg8[%swap3A, %swap3A_33] : memref<512x128xf32, #tpu.memory_space<vmem>>, vector<512x128xf32>
    tpu.vector_store %arg8[%swap3A, %swap3A_33], %max3A_14 {strides = array<i32>} : memref<512x128xf32, #tpu.memory_space<vmem>>, vector<512x128xf32>,
    %get3A_35 = arith.constant 0 : index
    %get3A_36 = arith.constant 0 : index
    %get3A_37 = vector.load %arg4[%get3A_35, %get3A_36] : memref<512x128xf32, #tpu.memory_space<vmem>>, vector<512x128xf32>
    %lt3A = arith.constant 3 : i32
    %lt3A_38 = vector.broadcast %lt3A : i32 to vector<512x128xi32>
    %lt3A_39 = arith.cmpi slt, %iota3A, %lt3A_38 : vector<512x128xi32>
    %jit3A_40 = arith.constant 0.000000e+00 : f32
    %broadcast_in_dim3A_41 = vector.broadcast %jit3A_40 : f32 to vector<512x128xf32>
    %select_n3A_42 = arith.select %lt3A_39, %select_n3A, %broadcast_in_dim3A_41 : vector<512x128xi1>, vector<512x128xf32>
    %add3A_43 = arith.addf %get3A_37, %select_n3A_42 : vector<512x128xf32>
    %swap3A_44 = arith.constant 0 : index
    %swap3A_45 = arith.constant 0 : index
    %swap3A_46 = vector.load %arg9[%swap3A_44, %swap3A_45] : memref<512x128xf32, #tpu.memory_space<vmem>>, vector<512x128xf32>
    tpu.vector_store %arg9[%swap3A_44, %swap3A_45], %add3A_43 {strides = array<i32>} : memref<512x128xf32, #tpu.memory_space<vmem>>, vector<512x128xf32>,
    return
  }
  func.func @transform_0(%arg0: i32) -> (i32, i32) {
    %c0_i32 = arith.constant 0 : i32
    %c0_i32_0 = arith.constant 0 : i32
    return %arg0, %c0_i32 : i32, i32
  }
  func.func @transform_1(%arg0: i32) -> (i32, i32, i32) {
    %c0_i32 = arith.constant 0 : i32
    %c0_i32_0 = arith.constant 0 : i32
    %c0_i32_1 = arith.constant 0 : i32
    return %c0_i32, %arg0, %c0_i32_0 : i32, i32, i32
  }
  func.func @transform_2(%arg0: i32) -> (i32, i32) {
    %c0_i32 = arith.constant 0 : i32
    %c0_i32_0 = arith.constant 0 : i32
    return %arg0, %c0_i32 : i32, i32
  }
  func.func @transform_3(%arg0: i32) -> (i32, i32) {
    %c0_i32 = arith.constant 0 : i32
    %c0_i32_0 = arith.constant 0 : i32
    return %arg0, %c0_i32 : i32, i32
  }
  func.func @transform_4(%arg0: i32) -> (i32, i32) {
    %c0_i32 = arith.constant 0 : i32
    %c0_i32_0 = arith.constant 0 : i32
    %c0_i32_1 = arith.constant 0 : i32
    return %c0_i32, %c0_i32_0 : i32, i32
  }
  func.func @transform_5(%arg0: i32) -> (i32, i32) {
    %c0_i32 = arith.constant 0 : i32
    %c0_i32_0 = arith.constant 0 : i32
    %c0_i32_1 = arith.constant 0 : i32
    return %c0_i32, %c0_i32_0 : i32, i32
  }
  func.func @transform_6(%arg0: i32) -> (i32, i32) {
    %c0_i32 = arith.constant 0 : i32
    %c0_i32_0 = arith.constant 0 : i32
    %c0_i32_1 = arith.constant 0 : i32
    return %c0_i32, %c0_i32_0 : i32, i32
  }
  func.func @transform_7(%arg0: i32) -> (i32, i32) {
    %c0_i32 = arith.constant 0 : i32
    %c0_i32_0 = arith.constant 0 : i32
    return %arg0, %c0_i32 : i32, i32
  }
  func.func @transform_8(%arg0: i32) -> (i32, i32) {
    %c0_i32 = arith.constant 0 : i32
    %c0_i32_0 = arith.constant 0 : i32
    return %arg0, %c0_i32 : i32, i32
  }
}

</mosaic_0001>

<sc_bundles>
// kernel: kernel.12.cloned.1.call-start
scs
__scs_entry_jumppad:
0x0: {  	(pc) =	sbr.rel $0x88, $3  }
0x1: {  	(tag) =	ssettag $0x0;
	lr =	simm.s32 $0x1  }
0x2: {  	[smem:$0x3F8E] =	sst lr;
	_ =	strace $0xD0000000  }
0x3: {  	_ = 	snop  }
0x4: {  	_ = 	snop  }
0x5: {  	_ = 	snop  }
0x6: {  	_ = 	snop  }
0x7: {  	_ = 	snop  }
__scs_overlays_trampoline_lowered:
0x8: {  	[smem:$0x3F9D] =	sst s0  }
0x9: {  	[smem:$0x3F9E] =	sst s1  }
0xa: {  	[smem:$0x3F9F] =	sst s2  }
0xb: {  	[smem:$0x3FA0] =	sst s3  }
0xc: {  	[smem:$0x3FA1] =	sst s4  }
0xd: {  	[smem:$0x3FA2] =	sst s5  }
0xe: {  	[smem:$0x3FA3] =	sst s6  }
0xf: {  	[smem:$0x3FA4] =	sst s7  }
0x10: {  	[smem:$0x3FA5] =	sst s8  }
0x11: {  	[smem:$0x3FA6] =	sst s9;
	s0 =	simm.s32 @!p0 $0x0  }
0x12: {  	s1 =	sld [smem:$0x3F8C];
	s0 =	simm.s32 @p0 $0x1  }
0x13: {  	[smem:$0x3FA7] =	sst s0;
	s0 =	simm.s32 @!p1 $0x0  }
0x14: {  	s2 =	sld [smem:$0x3F8B];
	s0 =	simm.s32 @p1 $0x1  }
0x15: {  	[smem:$0x3FA8] =	sst s0;
	s0 =	simm.s32 @!p2 $0x0  }
0x16: {  	s3 =	sld [smem:$0x3FDB];
	s0 =	simm.s32 @p2 $0x1  }
0x17: {  	s4 =	simm.s32 $0x1BF5;
	[smem:$0x3FAA] =	sst s0  }
0x18: {  	s0 =	sld [smem:$0x3F8D];
	_ =	swait.ge [sflag:s4], $0x0  }
0x19: {  	s7 =	sld [smem:$0x3F8E]  }
0x1a: {  	s8 =	sadd.s32 $0xFFFFE003, lr  }
0x1b: {  	s9 =	sadd.s32 $0xFFFFFEF7, lr;
	s5 =	simm.s32 $0xFFFFFFFF;
	p2 =	slt.u32 s8, $0xFFFFF086  }
0x1c: {  	p1 =	slt.u32 s9, $0xF7A;
	s5 =	simm.s32 @!p2 $0x0  }
0x1d: {  	s5 =	simm.s32 @p1 $0x1;
	p0 =	seq.s32 s7, s2  }
0x1e: {  	s7 =	smul.u32 @!p0 $0xF7A, s2;
	p2 =	seq.s32 @!p0 s5, $0x0  }
0x1f: {  	s9 =	smul.u32 $0xF7A, s1;
	s8 =	simm.s32 @!p0 $0x1BF5;
	p2 =	por !p2, p0  }
0x20: {  	[sflag:s8] =	ssyncset.s32 @!p0 $0xFFFFF086;
	s6 =	sadd.s32 @!p0 s3, s7;
	s7 =	simm.s32 @!p0 $0x108  }
0x21: {  	s3 =	sadd.s32 s3, s9;
	s6 =	sadd.s32 @!p0 $0x88, s6;
	s7 =	simm.s32 @p2 $0x1082  }
0x22: {  	[simem:s7], [sflag:s8] =	dma.local @!p0 [hbm:s6], $0xF7A  }
0x23: {  	s9 =	sor.u32 $0xD0000000, s2;
	s6 =	simm.s32 $0x108;
	_ =	swait.ge @!p0 [sflag:s8], $0x0  }
0x24: {  	s3 =	sadd.s32 $0x88, s3;
	s6 =	simm.s32 @!p1 $0x1082;
	[sflag:s4] =	ssyncset.s32 $0xFFFFF086  }
0x25: {  	[simem:s6], [sflag:s4] =	dma.local [hbm:s3], $0xF7A  }
0x26: {  	[smem:$0x3F8E] =	sst s1;
	(tag) =	ssettag s2;
	_ =	strace s9  }
0x27: {  	s1 =	sld [smem:$0x3F9E]  }
0x28: {  	s2 =	sld [smem:$0x3F9F]  }
0x29: {  	s4 =	sld [smem:$0x3FA1]  }
0x2a: {  	p0 =	seq.s32 s5, $0x0;
	s5 =	sld [smem:$0x3FA2]  }
0x2b: {  	s6 =	sld [smem:$0x3FA3]  }
0x2c: {  	s7 =	sld [smem:$0x3FA4]  }
0x2d: {  	s3 =	simm.s32 $0x108;
	s8 =	sld [smem:$0x3FA5]  }
0x2e: {  	s3 =	simm.s32 @!p0 $0x1082;
	s9 =	sld [smem:$0x3FA6]  }
0x2f: {  	lr =	sadd.s32 s0, s3;
	s0 =	sld [smem:$0x3F9D]  }
0x30: {  	s3 =	sld [smem:$0x3FA0]  }
0x31: {  	[smem:$0x3FA9] =	sst s10  }
0x32: {  	s10 =	sld [smem:$0x3FA7];
	_ =	sdelay $0x3  }
0x33: {  	p0 =	seq.s32 s10, $0x1;
	s10 =	sld [smem:$0x3FA9];
	_ =	sdelay $0x3  }
0x34: {  	[smem:$0x3FA9] =	sst s10  }
0x35: {  	s10 =	sld [smem:$0x3FA8];
	_ =	sdelay $0x3  }
0x36: {  	p1 =	seq.s32 s10, $0x1;
	s10 =	sld [smem:$0x3FA9];
	_ =	sdelay $0x3  }
0x37: {  	[smem:$0x3FA9] =	sst s10  }
0x38: {  	s10 =	sld [smem:$0x3FAA]  }
0x39: {  	_ = 	snop;
	(pc) =	sbr.ind lr, $3  }
0x3a: {  	_ = 	snop  }
0x3b: {  	_ = 	snop  }
0x3c: {  	p2 =	seq.s32 s10, $0x1;
	s10 =	sld [smem:$0x3FA9]  }
0x3d: {  	_ =	shalt  }
0x3e: {  	_ =	shalt  }
0x3f: {  	_ =	shalt  }
0x40: {  	_ =	shalt  }
0x41: {  	_ =	shalt  }
0x42: {  	_ =	shalt  }
0x43: {  	_ =	shalt  }
0x44: {  	_ =	shalt  }
0x45: {  	_ =	shalt  }
0x46: {  	_ =	shalt  }
0x47: {  	_ =	shalt  }
0x48: {  	_ =	shalt  }
0x49: {  	_ =	shalt  }
0x4a: {  	_ =	shalt  }
0x4b: {  	_ =	shalt  }
0x4c: {  	_ =	shalt  }
0x4d: {  	_ =	shalt  }
0x4e: {  	_ =	shalt  }
0x4f: {  	_ =	shalt  }
0x50: {  	_ =	shalt  }
0x51: {  	_ =	shalt  }
0x52: {  	_ =	shalt  }
0x53: {  	_ =	shalt  }
0x54: {  	_ =	shalt  }
0x55: {  	_ =	shalt  }
0x56: {  	_ =	shalt  }
0x57: {  	_ =	shalt  }
0x58: {  	_ =	shalt  }
0x59: {  	_ =	shalt  }
0x5a: {  	_ =	shalt  }
0x5b: {  	_ =	shalt  }
0x5c: {  	_ =	shalt  }
0x5d: {  	_ =	shalt  }
0x5e: {  	_ =	shalt  }
0x5f: {  	_ =	shalt  }
0x60: {  	_ =	shalt  }
0x61: {  	_ =	shalt  }
0x62: {  	_ =	shalt  }
0x63: {  	_ =	shalt  }
0x64: {  	_ =	shalt  }
0x65: {  	_ =	shalt  }
0x66: {  	_ =	shalt  }
0x67: {  	_ =	shalt  }
0x68: {  	_ =	shalt  }
0x69: {  	_ =	shalt  }
0x6a: {  	_ =	shalt  }
0x6b: {  	_ =	shalt  }
0x6c: {  	_ =	shalt  }
0x6d: {  	_ =	shalt  }
0x6e: {  	_ =	shalt  }
0x6f: {  	_ =	shalt  }
0x70: {  	_ =	shalt  }
0x71: {  	_ =	shalt  }
0x72: {  	_ =	shalt  }
0x73: {  	_ =	shalt  }
0x74: {  	_ =	shalt  }
0x75: {  	_ =	shalt  }
0x76: {  	_ =	shalt  }
0x77: {  	_ =	shalt  }
0x78: {  	_ =	shalt  }
0x79: {  	_ =	shalt  }
0x7a: {  	_ =	shalt  }
0x7b: {  	_ =	shalt  }
0x7c: {  	_ =	shalt  }
0x7d: {  	_ =	shalt  }
0x7e: {  	_ =	shalt  }
0x7f: {  	_ =	shalt  }
0x80: {  	_ =	shalt  }
0x81: {  	_ =	shalt  }
0x82: {  	_ =	shalt  }
0x83: {  	_ =	shalt  }
0x84: {  	_ =	shalt  }
0x85: {  	_ =	shalt  }
0x86: {  	_ =	shalt  }
0x87: {  	_ =	shalt  }
.Lfunc_end0:
.L_simem_size_0:
called_computation_lowered:
.L_overlay_start_0:
0x88: {  	s2 =	sld [smem:$0x3FD9]  }
0x89: {  	s3 =	sld [smem:$0x3FFE];
	_ =	sdelay $0x1  }
0x8a: {  	s1 =	srdreg.scid  }
0x8b: {  	s0 =	sand.u32 $0x1, s1  }
0x8c: {  	s14 =	sshll.u32 s0, $0xA;
	s2 =	sadd.s32 s3, s2  }
0x8d: {  	s2 =	sadd.s32 s2, s14  }
0x8e: {  	[smem:$0x3FB5] =	sst s2  }
0x8f: {  	_ = 	snop  }
0x90: {  	s2 =	sld [smem:$0x3FD0];
	_ =	sdelay $0x2  }
0x91: {  	s15 =	simm.s32 $0xA;
	s4 =	simm.s32 $0x10  }
0x92: {  	[smem:s4], [sflag:s15] =	dma.local [hbm:s2], $0x1  }
0x93: {  	_ =	swait.eq [sflag:s15], $0x1  }
0x94: {  	[sflag:s15] =	ssyncset.done $0x0  }
0x95: {  	s16 =	sld [smem:$0x10];
	[sflag:s15] =	ssyncadd.s32 $0xFFFFFFFF  }
0x96: {  	s17 =	sld [smem:$0x11];
	(tm) =	ssettm $0x1  }
0x97: {  	s18 =	sld [smem:$0x3FFB];
	_ =	sdelay $0x3  }
0x98: {  	_ =	strace s18  }
0x99: {  	s4 =	sld [smem:$0x3FFC];
	_ =	sdelay $0x3  }
0x9a: {  	_ =	strace s4  }
0x9b: {  	s4 =	sld [smem:$0x3FFD];
	_ =	sdelay $0x3  }
0x9c: {  	_ =	strace s4  }
0x9d: {  	_ =	strace $0x8FFFFFFF  }
0x9e: {  	s19 =	sld [smem:$0x3FDB];
	_ =	sdelay $0x1  }
0x9f: {  	s5 =	simm.s32 $_scs_section_size  }
0xa0: {  	s6 =	simm.s32 $_size__tile_overlayer_lowered;
	s7 =	simm.s32 $_tile_overlayer_lowered  }
0xa1: {  	s22 =	simm.s32 $0x1BFF;
	s21 =	sshll.u32 s7, $0x1;
	s4 =	sadd.s32 s5, s19  }
0xa2: {  	s8 =	simm.s32 $0x0;
	s20 =	sshll.u32 s6, $0x1;
	s6 =	sadd.s32 s21, s4  }
0xa3: {  	[timem:s8], [sflag:s22] =	dma.local [hbm:s6], s20  }
0xa4: {  	_ =	swait.ge [sflag:s22], s20  }
0xa5: {  	s5 =	ssub.s32 $0x0, s20;
	[sflag:s22] =	ssyncset.done $0x0  }
0xa6: {  	[sflag:s22] =	ssyncadd.s32 s5;
	_ =	sdelay $0x1  }
0xa7: {  	s23 =	simm.s32 $0x1B8B  }
0xa8: {  	_ =	swait.ge [sflag:s23], $0x1  }
0xa9: {  	[sflag:s23] =	ssyncset.done $0x0  }
0xaa: {  	s25 =	simm.s32 $0x1B8E;
	s24 =	sld [smem:$0x3FFE];
	[sflag:s23] =	ssyncadd.s32 $0xFFFFFFFF  }
0xab: {  	s26 =	simm.s32 $execute0_lowered;
	[smem:$0x3FD2] =	sst s25  }
0xac: {  	s6 =	sshll.u32 s26, $0x1;
	_ =	strace $0x80000046;
	[dreg:$0x1] =	wrdreg $0xFFFFFFFF  }
0xad: {  	s28 =	simm.s32 $_size_execute0_lowered;
	s4 =	sadd.s32 s4, s6;
	[dreg:$0x0] =	wrdreg $0x0  }
0xae: {  	s6 =	sshll.u32 s28, $0x1;
	[dreg:$0x2] =	wrdreg s4  }
0xaf: {  	[dreg:$0x3] =	wrdreg s6  }
0xb0: {  	[dreg:$0x4] =	wrdreg $0xC0  }
0xb1: {  	_ =	task [dreg:s8], $0x5FFFF  }
0xb2: {  	[dreg:$0x1] =	wrdreg $0xFFFFFFFF  }
0xb3: {  	[dreg:$0x0] =	wrdreg $0x60  }
0xb4: {  	[dreg:$0x2] =	wrdreg s17  }
0xb5: {  	[dreg:$0x3] =	wrdreg s16  }
0xb6: {  	[dreg:$0x4] =	wrdreg s24  }
0xb7: {  	[dreg:$0x5] =	wrdreg $0x9  }
0xb8: {  	_ =	task.clear_ibuf [dreg:s8], $0x6FFFF;
	_ =	strace $0x90000046  }
0xb9: {  	s29 =	simm.s32 $0x9;
	_ =	strace $0x80000048  }
0xba: {  	_ =	swait.ge [sflag:s29], $0x1  }
0xbb: {  	[sflag:s29] =	ssyncadd.s32 $0xFFFFFFFF  }
0xbc: {  	_ =	strace $0x90000048  }
0xbd: {  	_ =	sfence  }
0xbe: {  	s30 =	sld [smem:$0x0];
	_ =	sdelay $0x2  }
0xbf: {  	s31 =	sshll.u32 s1, $0xD;
	s1 =	sshrl.u32 s1, $0x2  }
0xc0: {  	s3 =	sand.u32 $0x4000, s31;
	s1 =	sadd.s32 s1, s30  }
0xc1: {  	s0 =	sor.u32 s3, s0;
	s1 =	sshll.u32 s1, $0x11  }
0xc2: {  	s0 =	sor.u32 s1, s0  }
0xc3: {  	s0 =	sadd.s32 $0x8F2B, s0  }
0xc4: {  	[sflag:s0] =	ssyncadd.remote.s32 $0x1  }
0xc5: {  	_ =	sfence.sel $0xFFFF  }
0xc6: {  	[dreg:$0x0] =	wrdreg $0xFFFFFFFF;
	(pc) =	sbr.abs _section_cstart, $3  }
0xc7: {  	[dreg:$0x1] =	wrdreg $0xFFFFFFFF  }
0xc8: {  	_ =	task.clear_ibuf [dreg:s8], $0x2FFFF;
	_ =	strace $0x9FFFFFFF  }
0xc9: {  	(tm) =	ssettm $0x7FFFFFFF  }
tec
execute0_lowered:
.L_overlay_start_1:
0x0: {  	(tag) =	ssettag $0x1  }
0x1: {  	s0 =	srdreg.scid;
	s1 =	rddreg [dreg:$0x0]  }
0x2: {  	s2 =	stileid.u32;
	s4 =	rddreg [dreg:$0x1]  }
0x3: {  	s5 =	rddreg [dreg:$0x2];
	s3 =	simm.s32 $0x0;
	s20 =	simm.s32 $0x100  }
0x4: {  	s21 =	simm.s32 $0x200;
	s23 =	simm.s32 $0x80;
	s26 =	simm.s32 $0x180  }
0x5: {  	s29 =	simm.s32 $0x280;
	s30 =	simm.s32 $0x2300;
	s31 =	simm.s32 $0x2B00  }
0x6: {  	s9 =	simm.s32 $0x4300;
	s10 =	simm.s32 $0x5300;
	s11 =	simm.s32 $0x5B00  }
0x7: {  	s12 =	simm.s32 $0x6300;
	s13 =	simm.s32 $0x6B00;
	[smem:$0x7FF] =	sst s3  }
0x8: {  	s14 =	simm.s32 $0x7300;
	_ =	strace $0x80000047;
	[dreg:$0x8] =	wrdreg s20  }
0x9: {  	s15 =	simm.s32 $0x7B00;
	s16 =	simm.s32 $0x8300;
	[dreg:$0x9] =	wrdreg s21  }
0xa: {  	s0 =	sand.u32 $0x1, s0;
	s2 =	sshll.u32 s2, $0x1;
	[dreg:$0xa] =	wrdreg s23  }
0xb: {  	s8 =	simm.s32 $0xCB00;
	s2 =	sor.u32 s0, s2;
	[dreg:$0xc] =	wrdreg s26  }
0xc: {  	s0 =	ssub.s32 $0x2, s0;
	[dreg:$0xe] =	wrdreg s29;
	s6 =	smul.u32 $0x2800, s2  }
0xd: {  	s20 =	simm.s32 $0xAB00;
	s21 =	simm.s32 $0xB300;
	s17 =	smul.u32 $0x30, s2  }
0xe: {  	s23 =	simm.s32 $0xC300;
	s2 =	smul.u32 $0x180, s2;
	s24 =	sshrl.u32 s0, $0x1  }
0xf: {  	s0 =	ssub.s32 s0, s24;
	s5 =	sadd.s32 s6, s5;
	s6 =	sadd.s32 s4, s17  }
0x10: {  	s24 =	simm.s32 $0x1;
	s7 =	sadd.s32 $0x7000, s5;
	[dreg:$0xf] =	wrdreg s6  }
0x11: {  	s2 =	sshrl.u32 s2, $0x3;
	s5 =	sadd.s32 $0x57000, s5;
	[dreg:$0x4] =	wrdreg s7  }
0x12: {  	s17 =	simm.s32 $0x8B00;
	s18 =	sadd.s32 $0x10, s6;
	[dreg:$0x5] =	wrdreg s5  }
0x13: {  	s19 =	sadd.s32 $0x20, s6;
	s2 =	sadd.s32 s4, s2;
	[dreg:$0x6] =	wrdreg s18  }
0x14: {  	s6 =	smax.u32 s0, $0x1;
	s4 =	simm.s32 $0xA300;
	[dreg:$0x7] =	wrdreg s19  }
0x15: {  	s22 =	sadd.s32 $0x600, s2;
	s7 =	simm.s32 $0x2;
	s2 =	simm.s32 $0x3300  }
0x16: {  	v2 =	vlaneseq.u32;
	s5 =	simm.s32 $0x4B00;
	s25 =	sadd.s32 $0x10, s22;
	[dreg:$0x10] =	wrdreg s22  }
0x17: {  	vm0 =	vmmov $0xffff;
	v1 =	vshrl.u32 v2, $0x3;
	s18 =	simm.s32 $0x9300;
	s28 =	sadd.s32 $0x20, s22;
	[dreg:$0xb] =	wrdreg s25  }
0x18: {  	v0 =	vand.u32 $0x7, v2;
	v2 =	vor.u32 $0x8, v2;
	v1 =	vmul.u32 $0x8, v1;
	s19 =	simm.s32 $0x9B00;
	s22 =	simm.s32 $0xBB00;
	[dreg:$0xd] =	wrdreg s28  }
.LBB2_1:
0x19: {  	s25 =	rddreg [dreg:$0xf]  }
0x1a: {  	s0 =	rddreg [dreg:$0x6]  }
0x1b: {  	s26 =	rddreg [dreg:$0x8]  }
0x1c: {  	[tilespmem:s3], [sflag:$0x2] =	stream.linear.gather [hbm4b:s25+s3], $0x80, $0x38;
	[tilespmem:$0x14300] =	vst v63  }
0x1d: {  	s28 =	rddreg [dreg:$0x7]  }
0x1e: {  	[tilespmem:s26], [sflag:$0x2] =	stream.linear.gather [hbm4b:s0+s3], $0x80, $0x38;
	[tilespmem:$0x14300] =	vst v63  }
0x1f: {  	s29 =	rddreg [dreg:$0x9]  }
0x20: {  	[tilespmem:s29], [sflag:$0x2] =	stream.linear.gather [hbm4b:s28+s3], $0x80, $0x38;
	[tilespmem:$0x14300] =	vst v63  }
0x21: {  	_ =	swait.ge [sflag:s7], $0x180  }
0x22: {  	s29 =	rddreg [dreg:$0xa]  }
0x23: {  	s0 =	rddreg [dreg:$0x10]  }
0x24: {  	[sflag:s7] =	ssyncset.done $0x0;
	s25 =	rddreg [dreg:$0xb]  }
0x25: {  	s26 =	rddreg [dreg:$0xc];
	[sflag:s7] =	ssyncadd.s32 $0xFFFFFE80  }
0x26: {  	[tilespmem:s29], [sflag:$0x2] =	stream.linear.gather [hbm4b:s0+s3], $0x80, $0x38;
	[tilespmem:$0x14300] =	vst v63  }
0x27: {  	s28 =	rddreg [dreg:$0xd]  }
0x28: {  	[tilespmem:s26], [sflag:$0x2] =	stream.linear.gather [hbm4b:s25+s3], $0x80, $0x38;
	[tilespmem:$0x14300] =	vst v63  }
0x29: {  	s0 =	rddreg [dreg:$0xe]  }
0x2a: {  	[tilespmem:s0], [sflag:$0x2] =	stream.linear.gather [hbm4b:s28+s3], $0x80, $0x38;
	[tilespmem:$0x14300] =	vst v63  }
0x2b: {  	_ =	swait.ge [sflag:s7], $0x180  }
0x2c: {  	[sflag:s7] =	ssyncset.done $0x0  }
0x2d: {  	[sflag:s7] =	ssyncadd.s32 $0xFFFFFE80  }
0x2e: {  	v3 =	vld [tilespmem:$0x0];
	_ =	sdelay $0x4  }
0x2f: {  	v4 =	vshll.u32 v3, $0x1  }
0x30: {  	v3 =	vand.u32 $0x7, v3;
	v4 =	vand.u32 $0xFFFFFFF0, v4  }
0x31: {  	v3 =	vor.u32 v3, v4  }
0x32: {  	v4 =	vperm.xlane v3, v0;
	_ =	sdelay $0x1  }
0x33: {  	v3 =	vperm.xlane v3, v2;
	v4 =	vadd.s32 v1, v4;
	_ =	sdelay $0x1  }
0x34: {  	v3 =	vadd.s32 v1, v3;
	_ =	sdelay $0x1  }
0x35: {  	s29 =	simm.s32 $0x300  }
0x36: {  	[tilespmem:s29], [sflag:$0x1] =	stream.indirect_vreg.gather [hbm4b:s1+s3], $0x80, v4, vm0, $0xb8;
	[tilespmem:$0x14300] =	vst v63  }
0x37: {  	s26 =	simm.s32 $0xB00  }
0x38: {  	[tilespmem:s26], [sflag:$0x1] =	stream.indirect_vreg.gather [hbm4b:s1+s3], $0x80, v3, vm0, $0xb8;
	[tilespmem:$0x14300] =	vst v63  }
0x39: {  	v3 =	vld [tilespmem:$0x10];
	_ =	sdelay $0x4  }
0x3a: {  	v25 =	vshll.u32 v3, $0x1  }
0x3b: {  	v3 =	vand.u32 $0x7, v3;
	v4 =	vand.u32 $0xFFFFFFF0, v25  }
0x3c: {  	v3 =	vor.u32 v3, v4  }
0x3d: {  	v4 =	vperm.xlane v3, v0;
	_ =	sdelay $0x1  }
0x3e: {  	v3 =	vperm.xlane v3, v2;
	v4 =	vadd.s32 v1, v4;
	_ =	sdelay $0x1  }
0x3f: {  	v3 =	vadd.s32 v1, v3;
	_ =	sdelay $0x1  }
0x40: {  	s28 =	simm.s32 $0x1300  }
0x41: {  	[tilespmem:s28], [sflag:$0x1] =	stream.indirect_vreg.gather [hbm4b:s1+s3], $0x80, v4, vm0, $0xb8;
	[tilespmem:$0x14300] =	vst v63  }
0x42: {  	s29 =	simm.s32 $0x1B00  }
0x43: {  	[tilespmem:s29], [sflag:$0x1] =	stream.indirect_vreg.gather [hbm4b:s1+s3], $0x80, v3, vm0, $0xb8;
	[tilespmem:$0x14300] =	vst v63  }
0x44: {  	v3 =	vld [tilespmem:$0x20];
	_ =	sdelay $0x4  }
0x45: {  	v26 =	vshll.u32 v3, $0x1  }
0x46: {  	v3 =	vand.u32 $0x7, v3;
	v4 =	vand.u32 $0xFFFFFFF0, v26  }
0x47: {  	v3 =	vor.u32 v3, v4  }
0x48: {  	v4 =	vperm.xlane v3, v0;
	_ =	sdelay $0x1  }
0x49: {  	v3 =	vperm.xlane v3, v2;
	v4 =	vadd.s32 v1, v4;
	_ =	sdelay $0x1  }
0x4a: {  	v3 =	vadd.s32 v1, v3;
	_ =	sdelay $0x2  }
0x4b: {  	[tilespmem:s30], [sflag:$0x1] =	stream.indirect_vreg.gather [hbm4b:s1+s3], $0x80, v4, vm0, $0xb8;
	[tilespmem:$0x14300] =	vst v63  }
0x4c: {  	_ = 	snop  }
0x4d: {  	[tilespmem:s31], [sflag:$0x1] =	stream.indirect_vreg.gather [hbm4b:s1+s3], $0x80, v3, vm0, $0xb8;
	[tilespmem:$0x14300] =	vst v63  }
0x4e: {  	v3 =	vld [tilespmem:$0x30];
	_ =	sdelay $0x4  }
0x4f: {  	v27 =	vshll.u32 v3, $0x1  }
0x50: {  	v3 =	vand.u32 $0x7, v3;
	v4 =	vand.u32 $0xFFFFFFF0, v27  }
0x51: {  	v3 =	vor.u32 v3, v4  }
0x52: {  	v4 =	vperm.xlane v3, v0;
	_ =	sdelay $0x1  }
0x53: {  	v3 =	vperm.xlane v3, v2;
	v4 =	vadd.s32 v1, v4;
	_ =	sdelay $0x1  }
0x54: {  	v3 =	vadd.s32 v1, v3;
	_ =	sdelay $0x2  }
0x55: {  	[tilespmem:s2], [sflag:$0x1] =	stream.indirect_vreg.gather [hbm4b:s1+s3], $0x80, v4, vm0, $0xb8;
	[tilespmem:$0x14300] =	vst v63  }
0x56: {  	s25 =	simm.s32 $0x3B00  }
0x57: {  	[tilespmem:s25], [sflag:$0x1] =	stream.indirect_vreg.gather [hbm4b:s1+s3], $0x80, v3, vm0, $0xb8;
	[tilespmem:$0x14300] =	vst v63  }
0x58: {  	v3 =	vld [tilespmem:$0x40];
	_ =	sdelay $0x4  }
0x59: {  	v28 =	vshll.u32 v3, $0x1  }
0x5a: {  	v3 =	vand.u32 $0x7, v3;
	v4 =	vand.u32 $0xFFFFFFF0, v28  }
0x5b: {  	v3 =	vor.u32 v3, v4  }
0x5c: {  	v4 =	vperm.xlane v3, v0;
	_ =	sdelay $0x1  }
0x5d: {  	v3 =	vperm.xlane v3, v2;
	v4 =	vadd.s32 v1, v4;
	_ =	sdelay $0x1  }
0x5e: {  	v3 =	vadd.s32 v1, v3;
	_ =	sdelay $0x2  }
0x5f: {  	[tilespmem:s9], [sflag:$0x1] =	stream.indirect_vreg.gather [hbm4b:s1+s3], $0x80, v4, vm0, $0xb8;
	[tilespmem:$0x14300] =	vst v63  }
0x60: {  	_ = 	snop  }
0x61: {  	[tilespmem:s5], [sflag:$0x1] =	stream.indirect_vreg.gather [hbm4b:s1+s3], $0x80, v3, vm0, $0xb8;
	[tilespmem:$0x14300] =	vst v63  }
0x62: {  	v3 =	vld [tilespmem:$0x50];
	_ =	sdelay $0x4  }
0x63: {  	v29 =	vshll.u32 v3, $0x1  }
0x64: {  	v3 =	vand.u32 $0x7, v3;
	v4 =	vand.u32 $0xFFFFFFF0, v29  }
0x65: {  	v3 =	vor.u32 v3, v4  }
0x66: {  	v4 =	vperm.xlane v3, v0;
	_ =	sdelay $0x1  }
0x67: {  	v3 =	vperm.xlane v3, v2;
	v4 =	vadd.s32 v1, v4;
	_ =	sdelay $0x1  }
0x68: {  	v3 =	vadd.s32 v1, v3;
	_ =	sdelay $0x2  }
0x69: {  	[tilespmem:s10], [sflag:$0x1] =	stream.indirect_vreg.gather [hbm4b:s1+s3], $0x80, v4, vm0, $0xb8;
	[tilespmem:$0x14300] =	vst v63  }
0x6a: {  	_ = 	snop  }
0x6b: {  	[tilespmem:s11], [sflag:$0x1] =	stream.indirect_vreg.gather [hbm4b:s1+s3], $0x80, v3, vm0, $0xb8;
	[tilespmem:$0x14300] =	vst v63  }
0x6c: {  	v3 =	vld [tilespmem:$0x60];
	_ =	sdelay $0x4  }
0x6d: {  	v30 =	vshll.u32 v3, $0x1  }
0x6e: {  	v3 =	vand.u32 $0x7, v3;
	v4 =	vand.u32 $0xFFFFFFF0, v30  }
0x6f: {  	v3 =	vor.u32 v3, v4  }
0x70: {  	v4 =	vperm.xlane v3, v0;
	_ =	sdelay $0x1  }
0x71: {  	v3 =	vperm.xlane v3, v2;
	v4 =	vadd.s32 v1, v4;
	_ =	sdelay $0x1  }
0x72: {  	v3 =	vadd.s32 v1, v3;
	_ =	sdelay $0x2  }
0x73: {  	[tilespmem:s12], [sflag:$0x1] =	stream.indirect_vreg.gather [hbm4b:s1+s3], $0x80, v4, vm0, $0xb8;
	[tilespmem:$0x14300] =	vst v63  }
0x74: {  	_ = 	snop  }
0x75: {  	[tilespmem:s13], [sflag:$0x1] =	stream.indirect_vreg.gather [hbm4b:s1+s3], $0x80, v3, vm0, $0xb8;
	[tilespmem:$0x14300] =	vst v63  }
0x76: {  	v3 =	vld [tilespmem:$0x70];
	_ =	sdelay $0x4  }
0x77: {  	v31 =	vshll.u32 v3, $0x1  }
0x78: {  	v3 =	vand.u32 $0x7, v3;
	v4 =	vand.u32 $0xFFFFFFF0, v31  }
0x79: {  	v3 =	vor.u32 v3, v4  }
0x7a: {  	v4 =	vperm.xlane v3, v0;
	_ =	sdelay $0x1  }
0x7b: {  	v3 =	vperm.xlane v3, v2;
	v4 =	vadd.s32 v1, v4;
	_ =	sdelay $0x1  }
0x7c: {  	v3 =	vadd.s32 v1, v3;
	_ =	sdelay $0x2  }
0x7d: {  	[tilespmem:s14], [sflag:$0x1] =	stream.indirect_vreg.gather [hbm4b:s1+s3], $0x80, v4, vm0, $0xb8;
	[tilespmem:$0x14300] =	vst v63  }
0x7e: {  	_ = 	snop  }
0x7f: {  	[tilespmem:s15], [sflag:$0x1] =	stream.indirect_vreg.gather [hbm4b:s1+s3], $0x80, v3, vm0, $0xb8;
	[tilespmem:$0x14300] =	vst v63  }
0x80: {  	_ =	swait.ge [sflag:s24], $0x8000  }
0x81: {  	[sflag:s24] =	ssyncset.done $0x0  }
0x82: {  	[sflag:s24] =	ssyncadd.s32 $0xFFFF8000  }
0x83: {  	v3 =	vld [tilespmem:$0x100];
	_ =	sdelay $0x4  }
0x84: {  	v32 =	vshll.u32 v3, $0x1  }
0x85: {  	v3 =	vand.u32 $0x7, v3;
	v4 =	vand.u32 $0xFFFFFFF0, v32  }
0x86: {  	v3 =	vor.u32 v3, v4  }
0x87: {  	v4 =	vperm.xlane v3, v0;
	_ =	sdelay $0x1  }
0x88: {  	v3 =	vperm.xlane v3, v2;
	v4 =	vadd.s32 v1, v4;
	_ =	sdelay $0x1  }
0x89: {  	v3 =	vadd.s32 v1, v3;
	_ =	sdelay $0x2  }
0x8a: {  	[tilespmem:s16], [sflag:$0x1] =	stream.indirect_vreg.gather [hbm4b:s1+s3], $0x80, v4, vm0, $0xb8;
	[tilespmem:$0x14300] =	vst v63  }
0x8b: {  	_ = 	snop  }
0x8c: {  	[tilespmem:s17], [sflag:$0x1] =	stream.indirect_vreg.gather [hbm4b:s1+s3], $0x80, v3, vm0, $0xb8;
	[tilespmem:$0x14300] =	vst v63  }
0x8d: {  	v3 =	vld [tilespmem:$0x110];
	_ =	sdelay $0x4  }
0x8e: {  	v33 =	vshll.u32 v3, $0x1  }
0x8f: {  	v3 =	vand.u32 $0x7, v3;
	v4 =	vand.u32 $0xFFFFFFF0, v33  }
0x90: {  	v3 =	vor.u32 v3, v4  }
0x91: {  	v4 =	vperm.xlane v3, v0;
	_ =	sdelay $0x1  }
0x92: {  	v3 =	vperm.xlane v3, v2;
	v4 =	vadd.s32 v1, v4;
	_ =	sdelay $0x1  }
0x93: {  	v3 =	vadd.s32 v1, v3;
	_ =	sdelay $0x2  }
0x94: {  	[tilespmem:s18], [sflag:$0x1] =	stream.indirect_vreg.gather [hbm4b:s1+s3], $0x80, v4, vm0, $0xb8;
	[tilespmem:$0x14300] =	vst v63  }
0x95: {  	_ = 	snop  }
0x96: {  	[tilespmem:s19], [sflag:$0x1] =	stream.indirect_vreg.gather [hbm4b:s1+s3], $0x80, v3, vm0, $0xb8;
	[tilespmem:$0x14300] =	vst v63  }
0x97: {  	v3 =	vld [tilespmem:$0x120];
	_ =	sdelay $0x4  }
0x98: {  	v34 =	vshll.u32 v3, $0x1  }
0x99: {  	v3 =	vand.u32 $0x7, v3;
	v4 =	vand.u32 $0xFFFFFFF0, v34  }
0x9a: {  	v3 =	vor.u32 v3, v4  }
0x9b: {  	v4 =	vperm.xlane v3, v0;
	_ =	sdelay $0x1  }
0x9c: {  	v3 =	vperm.xlane v3, v2;
	v4 =	vadd.s32 v1, v4;
	_ =	sdelay $0x1  }
0x9d: {  	v3 =	vadd.s32 v1, v3;
	_ =	sdelay $0x2  }
0x9e: {  	[tilespmem:s4], [sflag:$0x1] =	stream.indirect_vreg.gather [hbm4b:s1+s3], $0x80, v4, vm0, $0xb8;
	[tilespmem:$0x14300] =	vst v63  }
0x9f: {  	_ = 	snop  }
0xa0: {  	[tilespmem:s20], [sflag:$0x1] =	stream.indirect_vreg.gather [hbm4b:s1+s3], $0x80, v3, vm0, $0xb8;
	[tilespmem:$0x14300] =	vst v63  }
0xa1: {  	v3 =	vld [tilespmem:$0x130];
	_ =	sdelay $0x4  }
0xa2: {  	v35 =	vshll.u32 v3, $0x1  }
0xa3: {  	v3 =	vand.u32 $0x7, v3;
	v4 =	vand.u32 $0xFFFFFFF0, v35  }
0xa4: {  	v3 =	vor.u32 v3, v4  }
0xa5: {  	v4 =	vperm.xlane v3, v0;
	_ =	sdelay $0x1  }
0xa6: {  	v3 =	vperm.xlane v3, v2;
	v4 =	vadd.s32 v1, v4;
	_ =	sdelay $0x1  }
0xa7: {  	v3 =	vadd.s32 v1, v3;
	_ =	sdelay $0x2  }
0xa8: {  	[tilespmem:s21], [sflag:$0x1] =	stream.indirect_vreg.gather [hbm4b:s1+s3], $0x80, v4, vm0, $0xb8;
	[tilespmem:$0x14300] =	vst v63  }
0xa9: {  	_ = 	snop  }
0xaa: {  	[tilespmem:s22], [sflag:$0x1] =	stream.indirect_vreg.gather [hbm4b:s1+s3], $0x80, v3, vm0, $0xb8;
	[tilespmem:$0x14300] =	vst v63  }
0xab: {  	v3 =	vld [tilespmem:$0x140];
	_ =	sdelay $0x4  }
0xac: {  	v36 =	vshll.u32 v3, $0x1  }
0xad: {  	v3 =	vand.u32 $0x7, v3;
	v4 =	vand.u32 $0xFFFFFFF0, v36  }
0xae: {  	v3 =	vor.u32 v3, v4  }
0xaf: {  	v4 =	vperm.xlane v3, v0;
	_ =	sdelay $0x1  }
0xb0: {  	v3 =	vperm.xlane v3, v2;
	v4 =	vadd.s32 v1, v4;
	_ =	sdelay $0x1  }
0xb1: {  	v3 =	vadd.s32 v1, v3;
	_ =	sdelay $0x2  }
0xb2: {  	[tilespmem:s23], [sflag:$0x1] =	stream.indirect_vreg.gather [hbm4b:s1+s3], $0x80, v4, vm0, $0xb8;
	[tilespmem:$0x14300] =	vst v63  }
0xb3: {  	_ = 	snop  }
0xb4: {  	[tilespmem:s8], [sflag:$0x1] =	stream.indirect_vreg.gather [hbm4b:s1+s3], $0x80, v3, vm0, $0xb8;
	[tilespmem:$0x14300] =	vst v63  }
0xb5: {  	v3 =	vld [tilespmem:$0x150];
	_ =	sdelay $0x4  }
0xb6: {  	v37 =	vshll.u32 v3, $0x1  }
0xb7: {  	v3 =	vand.u32 $0x7, v3;
	v4 =	vand.u32 $0xFFFFFFF0, v37  }
0xb8: {  	v3 =	vor.u32 v3, v4  }
0xb9: {  	v4 =	vperm.xlane v3, v0;
	_ =	sdelay $0x1  }
0xba: {  	v3 =	vperm.xlane v3, v2;
	v4 =	vadd.s32 v1, v4;
	_ =	sdelay $0x1  }
0xbb: {  	v3 =	vadd.s32 v1, v3;
	_ =	sdelay $0x1  }
0xbc: {  	s25 =	simm.s32 $0xD300  }
0xbd: {  	[tilespmem:s25], [sflag:$0x1] =	stream.indirect_vreg.gather [hbm4b:s1+s3], $0x80, v4, vm0, $0xb8;
	[tilespmem:$0x14300] =	vst v63  }
0xbe: {  	s25 =	simm.s32 $0xDB00  }
0xbf: {  	[tilespmem:s25], [sflag:$0x1] =	stream.indirect_vreg.gather [hbm4b:s1+s3], $0x80, v3, vm0, $0xb8;
	[tilespmem:$0x14300] =	vst v63  }
0xc0: {  	v3 =	vld [tilespmem:$0x160];
	_ =	sdelay $0x4  }
0xc1: {  	v38 =	vshll.u32 v3, $0x1  }
0xc2: {  	v3 =	vand.u32 $0x7, v3;
	v4 =	vand.u32 $0xFFFFFFF0, v38  }
0xc3: {  	v3 =	vor.u32 v3, v4  }
0xc4: {  	v4 =	vperm.xlane v3, v0;
	_ =	sdelay $0x1  }
0xc5: {  	v3 =	vperm.xlane v3, v2;
	v4 =	vadd.s32 v1, v4;
	_ =	sdelay $0x1  }
0xc6: {  	v3 =	vadd.s32 v1, v3;
	_ =	sdelay $0x1  }
0xc7: {  	s25 =	simm.s32 $0xE300  }
0xc8: {  	[tilespmem:s25], [sflag:$0x1] =	stream.indirect_vreg.gather [hbm4b:s1+s3], $0x80, v4, vm0, $0xb8;
	[tilespmem:$0x14300] =	vst v63  }
0xc9: {  	s25 =	simm.s32 $0xEB00  }
0xca: {  	[tilespmem:s25], [sflag:$0x1] =	stream.indirect_vreg.gather [hbm4b:s1+s3], $0x80, v3, vm0, $0xb8;
	[tilespmem:$0x14300] =	vst v63  }
0xcb: {  	v3 =	vld [tilespmem:$0x170];
	_ =	sdelay $0x4  }
0xcc: {  	v39 =	vshll.u32 v3, $0x1  }
0xcd: {  	v3 =	vand.u32 $0x7, v3;
	v4 =	vand.u32 $0xFFFFFFF0, v39  }
0xce: {  	v3 =	vor.u32 v3, v4  }
0xcf: {  	v4 =	vperm.xlane v3, v0;
	_ =	sdelay $0x1  }
0xd0: {  	v3 =	vperm.xlane v3, v2;
	v4 =	vadd.s32 v1, v4;
	_ =	sdelay $0x1  }
0xd1: {  	v3 =	vadd.s32 v1, v3;
	_ =	sdelay $0x1  }
0xd2: {  	s25 =	simm.s32 $0xF300  }
0xd3: {  	[tilespmem:s25], [sflag:$0x1] =	stream.indirect_vreg.gather [hbm4b:s1+s3], $0x80, v4, vm0, $0xb8;
	[tilespmem:$0x14300] =	vst v63  }
0xd4: {  	s25 =	simm.s32 $0xFB00  }
0xd5: {  	[tilespmem:s25], [sflag:$0x1] =	stream.indirect_vreg.gather [hbm4b:s1+s3], $0x80, v3, vm0, $0xb8;
	[tilespmem:$0x14300] =	vst v63  }
0xd6: {  	_ =	swait.ge [sflag:s24], $0x8000  }
0xd7: {  	[sflag:s24] =	ssyncset.done $0x0  }
0xd8: {  	[sflag:s24] =	ssyncadd.s32 $0xFFFF8000  }
0xd9: {  	v3 =	vld [tilespmem:$0x200];
	_ =	sdelay $0x4  }
0xda: {  	v40 =	vshll.u32 v3, $0x1  }
0xdb: {  	v3 =	vand.u32 $0x7, v3;
	v4 =	vand.u32 $0xFFFFFFF0, v40  }
0xdc: {  	v3 =	vor.u32 v3, v4  }
0xdd: {  	v4 =	vperm.xlane v3, v0;
	_ =	sdelay $0x1  }
0xde: {  	v3 =	vperm.xlane v3, v2;
	v4 =	vadd.s32 v1, v4;
	_ =	sdelay $0x1  }
0xdf: {  	v3 =	vadd.s32 v1, v3;
	_ =	sdelay $0x1  }
0xe0: {  	s25 =	simm.s32 $0x10300  }
0xe1: {  	[tilespmem:s25], [sflag:$0x1] =	stream.indirect_vreg.gather [hbm4b:s1+s3], $0x80, v4, vm0, $0xb8;
	[tilespmem:$0x14300] =	vst v63  }
0xe2: {  	s25 =	simm.s32 $0x10B00  }
0xe3: {  	[tilespmem:s25], [sflag:$0x1] =	stream.indirect_vreg.gather [hbm4b:s1+s3], $0x80, v3, vm0, $0xb8;
	[tilespmem:$0x14300] =	vst v63  }
0xe4: {  	v3 =	vld [tilespmem:$0x210];
	_ =	sdelay $0x4  }
0xe5: {  	v41 =	vshll.u32 v3, $0x1  }
0xe6: {  	v3 =	vand.u32 $0x7, v3;
	v4 =	vand.u32 $0xFFFFFFF0, v41  }
0xe7: {  	v3 =	vor.u32 v3, v4  }
0xe8: {  	v4 =	vperm.xlane v3, v0;
	_ =	sdelay $0x1  }
0xe9: {  	v3 =	vperm.xlane v3, v2;
	v4 =	vadd.s32 v1, v4;
	_ =	sdelay $0x1  }
0xea: {  	v3 =	vadd.s32 v1, v3;
	_ =	sdelay $0x1  }
0xeb: {  	s25 =	simm.s32 $0x11300  }
0xec: {  	[tilespmem:s25], [sflag:$0x1] =	stream.indirect_vreg.gather [hbm4b:s1+s3], $0x80, v4, vm0, $0xb8;
	[tilespmem:$0x14300] =	vst v63  }
0xed: {  	s25 =	simm.s32 $0x11B00  }
0xee: {  	[tilespmem:s25], [sflag:$0x1] =	stream.indirect_vreg.gather [hbm4b:s1+s3], $0x80, v3, vm0, $0xb8;
	[tilespmem:$0x14300] =	vst v63  }
0xef: {  	v3 =	vld [tilespmem:$0x220];
	_ =	sdelay $0x4  }
0xf0: {  	v42 =	vshll.u32 v3, $0x1  }
0xf1: {  	v3 =	vand.u32 $0x7, v3;
	v4 =	vand.u32 $0xFFFFFFF0, v42  }
0xf2: {  	v3 =	vor.u32 v3, v4  }
0xf3: {  	v4 =	vperm.xlane v3, v0;
	_ =	sdelay $0x1  }
0xf4: {  	v3 =	vperm.xlane v3, v2;
	v4 =	vadd.s32 v1, v4;
	_ =	sdelay $0x1  }
0xf5: {  	v3 =	vadd.s32 v1, v3;
	_ =	sdelay $0x1  }
0xf6: {  	s25 =	simm.s32 $0x12300  }
0xf7: {  	[tilespmem:s25], [sflag:$0x1] =	stream.indirect_vreg.gather [hbm4b:s1+s3], $0x80, v4, vm0, $0xb8;
	[tilespmem:$0x14300] =	vst v63  }
0xf8: {  	s25 =	simm.s32 $0x12B00  }
0xf9: {  	[tilespmem:s25], [sflag:$0x1] =	stream.indirect_vreg.gather [hbm4b:s1+s3], $0x80, v3, vm0, $0xb8;
	[tilespmem:$0x14300] =	vst v63  }
0xfa: {  	v3 =	vld [tilespmem:$0x230];
	_ =	sdelay $0x4  }
0xfb: {  	v43 =	vshll.u32 v3, $0x1  }
0xfc: {  	v3 =	vand.u32 $0x7, v3;
	v4 =	vand.u32 $0xFFFFFFF0, v43  }
0xfd: {  	v3 =	vor.u32 v3, v4  }
0xfe: {  	v4 =	vperm.xlane v3, v0;
	_ =	sdelay $0x1  }
0xff: {  	v3 =	vperm.xlane v3, v2;
	v4 =	vadd.s32 v1, v4;
	_ =	sdelay $0x1  }
0x100: {  	v3 =	vadd.s32 v1, v3;
	_ =	sdelay $0x1  }
0x101: {  	s25 =	simm.s32 $0x13300  }
0x102: {  	[tilespmem:s25], [sflag:$0x1] =	stream.indirect_vreg.gather [hbm4b:s1+s3], $0x80, v4, vm0, $0xb8;
	[tilespmem:$0x14300] =	vst v63  }
0x103: {  	s25 =	simm.s32 $0x13B00  }
0x104: {  	[tilespmem:s25], [sflag:$0x1] =	stream.indirect_vreg.gather [hbm4b:s1+s3], $0x80, v3, vm0, $0xb8;
	[tilespmem:$0x14300] =	vst v63  }
0x105: {  	_ =	swait.ge [sflag:s24], $0x4000  }
0x106: {  	[sflag:s24] =	ssyncset.done $0x0  }
0x107: {  	s0 =	simm.s32 $0x300;
	s25 =	rddreg [dreg:$0x4];
	[sflag:s24] =	ssyncadd.s32 $0xFFFFC000  }
0x108: {  	[hbm4b:s25+s3] =	stream.linear.scatter [tilespmem:s0], [sflag:$0x2], $0x14000, $0x38;
	[tilespmem:$0x14300] =	vst v63  }
0x109: {  	_ =	swait.ge [sflag:s7], $0x14000  }
0x10a: {  	[sflag:s7] =	ssyncset.done $0x0  }
0x10b: {  	[sflag:s7] =	ssyncadd.s32 $0xFFFEC000  }
0x10c: {  	v3 =	vld [tilespmem:$0x80];
	_ =	sdelay $0x4  }
0x10d: {  	v44 =	vshll.u32 v3, $0x1  }
0x10e: {  	v3 =	vand.u32 $0x7, v3;
	v4 =	vand.u32 $0xFFFFFFF0, v44  }
0x10f: {  	v3 =	vor.u32 v3, v4  }
0x110: {  	v4 =	vperm.xlane v3, v0;
	_ =	sdelay $0x1  }
0x111: {  	v3 =	vperm.xlane v3, v2;
	v4 =	vadd.s32 v1, v4;
	_ =	sdelay $0x1  }
0x112: {  	v3 =	vadd.s32 v1, v3;
	_ =	sdelay $0x2  }
0x113: {  	[tilespmem:s0], [sflag:$0x1] =	stream.indirect_vreg.gather [hbm4b:s1+s3], $0x80, v4, vm0, $0xb8;
	[tilespmem:$0x14300] =	vst v63  }
0x114: {  	_ = 	snop  }
0x115: {  	[tilespmem:s26], [sflag:$0x1] =	stream.indirect_vreg.gather [hbm4b:s1+s3], $0x80, v3, vm0, $0xb8;
	[tilespmem:$0x14300] =	vst v63  }
0x116: {  	v3 =	vld [tilespmem:$0x90];
	_ =	sdelay $0x4  }
0x117: {  	v45 =	vshll.u32 v3, $0x1  }
0x118: {  	v3 =	vand.u32 $0x7, v3;
	v4 =	vand.u32 $0xFFFFFFF0, v45  }
0x119: {  	v3 =	vor.u32 v3, v4  }
0x11a: {  	v4 =	vperm.xlane v3, v0;
	_ =	sdelay $0x1  }
0x11b: {  	v3 =	vperm.xlane v3, v2;
	v4 =	vadd.s32 v1, v4;
	_ =	sdelay $0x1  }
0x11c: {  	v3 =	vadd.s32 v1, v3;
	_ =	sdelay $0x2  }
0x11d: {  	[tilespmem:s28], [sflag:$0x1] =	stream.indirect_vreg.gather [hbm4b:s1+s3], $0x80, v4, vm0, $0xb8;
	[tilespmem:$0x14300] =	vst v63  }
0x11e: {  	_ = 	snop  }
0x11f: {  	[tilespmem:s29], [sflag:$0x1] =	stream.indirect_vreg.gather [hbm4b:s1+s3], $0x80, v3, vm0, $0xb8;
	[tilespmem:$0x14300] =	vst v63  }
0x120: {  	v3 =	vld [tilespmem:$0xA0];
	_ =	sdelay $0x4  }
0x121: {  	v46 =	vshll.u32 v3, $0x1  }
0x122: {  	v3 =	vand.u32 $0x7, v3;
	v4 =	vand.u32 $0xFFFFFFF0, v46  }
0x123: {  	v3 =	vor.u32 v3, v4  }
0x124: {  	v4 =	vperm.xlane v3, v0;
	_ =	sdelay $0x1  }
0x125: {  	v3 =	vperm.xlane v3, v2;
	v4 =	vadd.s32 v1, v4;
	_ =	sdelay $0x1  }
0x126: {  	v3 =	vadd.s32 v1, v3;
	_ =	sdelay $0x2  }
0x127: {  	[tilespmem:s30], [sflag:$0x1] =	stream.indirect_vreg.gather [hbm4b:s1+s3], $0x80, v4, vm0, $0xb8;
	[tilespmem:$0x14300] =	vst v63  }
0x128: {  	_ = 	snop  }
0x129: {  	[tilespmem:s31], [sflag:$0x1] =	stream.indirect_vreg.gather [hbm4b:s1+s3], $0x80, v3, vm0, $0xb8;
	[tilespmem:$0x14300] =	vst v63  }
0x12a: {  	v3 =	vld [tilespmem:$0xB0];
	_ =	sdelay $0x4  }
0x12b: {  	v47 =	vshll.u32 v3, $0x1  }
0x12c: {  	v3 =	vand.u32 $0x7, v3;
	v4 =	vand.u32 $0xFFFFFFF0, v47  }
0x12d: {  	v3 =	vor.u32 v3, v4  }
0x12e: {  	v4 =	vperm.xlane v3, v0;
	_ =	sdelay $0x1  }
0x12f: {  	v3 =	vperm.xlane v3, v2;
	v4 =	vadd.s32 v1, v4;
	_ =	sdelay $0x1  }
0x130: {  	v3 =	vadd.s32 v1, v3;
	_ =	sdelay $0x2  }
0x131: {  	[tilespmem:s2], [sflag:$0x1] =	stream.indirect_vreg.gather [hbm4b:s1+s3], $0x80, v4, vm0, $0xb8;
	[tilespmem:$0x14300] =	vst v63  }
0x132: {  	s29 =	simm.s32 $0x3B00  }
0x133: {  	[tilespmem:s29], [sflag:$0x1] =	stream.indirect_vreg.gather [hbm4b:s1+s3], $0x80, v3, vm0, $0xb8;
	[tilespmem:$0x14300] =	vst v63  }
0x134: {  	v3 =	vld [tilespmem:$0xC0];
	_ =	sdelay $0x4  }
0x135: {  	v48 =	vshll.u32 v3, $0x1  }
0x136: {  	v3 =	vand.u32 $0x7, v3;
	v4 =	vand.u32 $0xFFFFFFF0, v48  }
0x137: {  	v3 =	vor.u32 v3, v4  }
0x138: {  	v4 =	vperm.xlane v3, v0;
	_ =	sdelay $0x1  }
0x139: {  	v3 =	vperm.xlane v3, v2;
	v4 =	vadd.s32 v1, v4;
	_ =	sdelay $0x1  }
0x13a: {  	v3 =	vadd.s32 v1, v3;
	_ =	sdelay $0x2  }
0x13b: {  	[tilespmem:s9], [sflag:$0x1] =	stream.indirect_vreg.gather [hbm4b:s1+s3], $0x80, v4, vm0, $0xb8;
	[tilespmem:$0x14300] =	vst v63  }
0x13c: {  	_ = 	snop  }
0x13d: {  	[tilespmem:s5], [sflag:$0x1] =	stream.indirect_vreg.gather [hbm4b:s1+s3], $0x80, v3, vm0, $0xb8;
	[tilespmem:$0x14300] =	vst v63  }
0x13e: {  	v3 =	vld [tilespmem:$0xD0];
	_ =	sdelay $0x4  }
0x13f: {  	v49 =	vshll.u32 v3, $0x1  }
0x140: {  	v3 =	vand.u32 $0x7, v3;
	v4 =	vand.u32 $0xFFFFFFF0, v49  }
0x141: {  	v3 =	vor.u32 v3, v4  }
0x142: {  	v4 =	vperm.xlane v3, v0;
	_ =	sdelay $0x1  }
0x143: {  	v3 =	vperm.xlane v3, v2;
	v4 =	vadd.s32 v1, v4;
	_ =	sdelay $0x1  }
0x144: {  	v3 =	vadd.s32 v1, v3;
	_ =	sdelay $0x2  }
0x145: {  	[tilespmem:s10], [sflag:$0x1] =	stream.indirect_vreg.gather [hbm4b:s1+s3], $0x80, v4, vm0, $0xb8;
	[tilespmem:$0x14300] =	vst v63  }
0x146: {  	_ = 	snop  }
0x147: {  	[tilespmem:s11], [sflag:$0x1] =	stream.indirect_vreg.gather [hbm4b:s1+s3], $0x80, v3, vm0, $0xb8;
	[tilespmem:$0x14300] =	vst v63  }
0x148: {  	v3 =	vld [tilespmem:$0xE0];
	_ =	sdelay $0x4  }
0x149: {  	v50 =	vshll.u32 v3, $0x1  }
0x14a: {  	v3 =	vand.u32 $0x7, v3;
	v4 =	vand.u32 $0xFFFFFFF0, v50  }
0x14b: {  	v3 =	vor.u32 v3, v4  }
0x14c: {  	v4 =	vperm.xlane v3, v0;
	_ =	sdelay $0x1  }
0x14d: {  	v3 =	vperm.xlane v3, v2;
	v4 =	vadd.s32 v1, v4;
	_ =	sdelay $0x1  }
0x14e: {  	v3 =	vadd.s32 v1, v3;
	_ =	sdelay $0x2  }
0x14f: {  	[tilespmem:s12], [sflag:$0x1] =	stream.indirect_vreg.gather [hbm4b:s1+s3], $0x80, v4, vm0, $0xb8;
	[tilespmem:$0x14300] =	vst v63  }
0x150: {  	_ = 	snop  }
0x151: {  	[tilespmem:s13], [sflag:$0x1] =	stream.indirect_vreg.gather [hbm4b:s1+s3], $0x80, v3, vm0, $0xb8;
	[tilespmem:$0x14300] =	vst v63  }
0x152: {  	v3 =	vld [tilespmem:$0xF0];
	_ =	sdelay $0x4  }
0x153: {  	v51 =	vshll.u32 v3, $0x1  }
0x154: {  	v3 =	vand.u32 $0x7, v3;
	v4 =	vand.u32 $0xFFFFFFF0, v51  }
0x155: {  	v3 =	vor.u32 v3, v4  }
0x156: {  	v4 =	vperm.xlane v3, v0;
	_ =	sdelay $0x1  }
0x157: {  	v3 =	vperm.xlane v3, v2;
	v4 =	vadd.s32 v1, v4;
	_ =	sdelay $0x1  }
0x158: {  	v3 =	vadd.s32 v1, v3;
	_ =	sdelay $0x2  }
0x159: {  	[tilespmem:s14], [sflag:$0x1] =	stream.indirect_vreg.gather [hbm4b:s1+s3], $0x80, v4, vm0, $0xb8;
	[tilespmem:$0x14300] =	vst v63  }
0x15a: {  	_ = 	snop  }
0x15b: {  	[tilespmem:s15], [sflag:$0x1] =	stream.indirect_vreg.gather [hbm4b:s1+s3], $0x80, v3, vm0, $0xb8;
	[tilespmem:$0x14300] =	vst v63  }
0x15c: {  	_ =	swait.ge [sflag:s24], $0x8000  }
0x15d: {  	[sflag:s24] =	ssyncset.done $0x0  }
0x15e: {  	[sflag:s24] =	ssyncadd.s32 $0xFFFF8000  }
0x15f: {  	v3 =	vld [tilespmem:$0x180];
	_ =	sdelay $0x4  }
0x160: {  	v52 =	vshll.u32 v3, $0x1  }
0x161: {  	v3 =	vand.u32 $0x7, v3;
	v4 =	vand.u32 $0xFFFFFFF0, v52  }
0x162: {  	v3 =	vor.u32 v3, v4  }
0x163: {  	v4 =	vperm.xlane v3, v0;
	_ =	sdelay $0x1  }
0x164: {  	v3 =	vperm.xlane v3, v2;
	v4 =	vadd.s32 v1, v4;
	_ =	sdelay $0x1  }
0x165: {  	v3 =	vadd.s32 v1, v3;
	_ =	sdelay $0x2  }
0x166: {  	[tilespmem:s16], [sflag:$0x1] =	stream.indirect_vreg.gather [hbm4b:s1+s3], $0x80, v4, vm0, $0xb8;
	[tilespmem:$0x14300] =	vst v63  }
0x167: {  	_ = 	snop  }
0x168: {  	[tilespmem:s17], [sflag:$0x1] =	stream.indirect_vreg.gather [hbm4b:s1+s3], $0x80, v3, vm0, $0xb8;
	[tilespmem:$0x14300] =	vst v63  }
0x169: {  	v3 =	vld [tilespmem:$0x190];
	_ =	sdelay $0x4  }
0x16a: {  	v53 =	vshll.u32 v3, $0x1  }
0x16b: {  	v3 =	vand.u32 $0x7, v3;
	v4 =	vand.u32 $0xFFFFFFF0, v53  }
0x16c: {  	v3 =	vor.u32 v3, v4  }
0x16d: {  	v4 =	vperm.xlane v3, v0;
	_ =	sdelay $0x1  }
0x16e: {  	v3 =	vperm.xlane v3, v2;
	v4 =	vadd.s32 v1, v4;
	_ =	sdelay $0x1  }
0x16f: {  	v3 =	vadd.s32 v1, v3;
	_ =	sdelay $0x2  }
0x170: {  	[tilespmem:s18], [sflag:$0x1] =	stream.indirect_vreg.gather [hbm4b:s1+s3], $0x80, v4, vm0, $0xb8;
	[tilespmem:$0x14300] =	vst v63  }
0x171: {  	_ = 	snop  }
0x172: {  	[tilespmem:s19], [sflag:$0x1] =	stream.indirect_vreg.gather [hbm4b:s1+s3], $0x80, v3, vm0, $0xb8;
	[tilespmem:$0x14300] =	vst v63  }
0x173: {  	v3 =	vld [tilespmem:$0x1A0];
	_ =	sdelay $0x4  }
0x174: {  	v54 =	vshll.u32 v3, $0x1  }
0x175: {  	v3 =	vand.u32 $0x7, v3;
	v4 =	vand.u32 $0xFFFFFFF0, v54  }
0x176: {  	v3 =	vor.u32 v3, v4  }
0x177: {  	v4 =	vperm.xlane v3, v0;
	_ =	sdelay $0x1  }
0x178: {  	v3 =	vperm.xlane v3, v2;
	v4 =	vadd.s32 v1, v4;
	_ =	sdelay $0x1  }
0x179: {  	v3 =	vadd.s32 v1, v3;
	_ =	sdelay $0x2  }
0x17a: {  	[tilespmem:s4], [sflag:$0x1] =	stream.indirect_vreg.gather [hbm4b:s1+s3], $0x80, v4, vm0, $0xb8;
	[tilespmem:$0x14300] =	vst v63  }
0x17b: {  	_ = 	snop  }
0x17c: {  	[tilespmem:s20], [sflag:$0x1] =	stream.indirect_vreg.gather [hbm4b:s1+s3], $0x80, v3, vm0, $0xb8;
	[tilespmem:$0x14300] =	vst v63  }
0x17d: {  	v3 =	vld [tilespmem:$0x1B0];
	_ =	sdelay $0x4  }
0x17e: {  	v55 =	vshll.u32 v3, $0x1  }
0x17f: {  	v3 =	vand.u32 $0x7, v3;
	v4 =	vand.u32 $0xFFFFFFF0, v55  }
0x180: {  	v3 =	vor.u32 v3, v4  }
0x181: {  	v4 =	vperm.xlane v3, v0;
	_ =	sdelay $0x1  }
0x182: {  	v3 =	vperm.xlane v3, v2;
	v4 =	vadd.s32 v1, v4;
	_ =	sdelay $0x1  }
0x183: {  	v3 =	vadd.s32 v1, v3;
	_ =	sdelay $0x2  }
0x184: {  	[tilespmem:s21], [sflag:$0x1] =	stream.indirect_vreg.gather [hbm4b:s1+s3], $0x80, v4, vm0, $0xb8;
	[tilespmem:$0x14300] =	vst v63  }
0x185: {  	_ = 	snop  }
0x186: {  	[tilespmem:s22], [sflag:$0x1] =	stream.indirect_vreg.gather [hbm4b:s1+s3], $0x80, v3, vm0, $0xb8;
	[tilespmem:$0x14300] =	vst v63  }
0x187: {  	v3 =	vld [tilespmem:$0x1C0];
	_ =	sdelay $0x4  }
0x188: {  	v56 =	vshll.u32 v3, $0x1  }
0x189: {  	v3 =	vand.u32 $0x7, v3;
	v4 =	vand.u32 $0xFFFFFFF0, v56  }
0x18a: {  	v3 =	vor.u32 v3, v4  }
0x18b: {  	v4 =	vperm.xlane v3, v0;
	_ =	sdelay $0x1  }
0x18c: {  	v3 =	vperm.xlane v3, v2;
	v4 =	vadd.s32 v1, v4;
	_ =	sdelay $0x1  }
0x18d: {  	v3 =	vadd.s32 v1, v3;
	_ =	sdelay $0x2  }
0x18e: {  	[tilespmem:s23], [sflag:$0x1] =	stream.indirect_vreg.gather [hbm4b:s1+s3], $0x80, v4, vm0, $0xb8;
	[tilespmem:$0x14300] =	vst v63  }
0x18f: {  	_ = 	snop  }
0x190: {  	[tilespmem:s8], [sflag:$0x1] =	stream.indirect_vreg.gather [hbm4b:s1+s3], $0x80, v3, vm0, $0xb8;
	[tilespmem:$0x14300] =	vst v63  }
0x191: {  	v3 =	vld [tilespmem:$0x1D0];
	_ =	sdelay $0x4  }
0x192: {  	v57 =	vshll.u32 v3, $0x1  }
0x193: {  	v3 =	vand.u32 $0x7, v3;
	v4 =	vand.u32 $0xFFFFFFF0, v57  }
0x194: {  	v3 =	vor.u32 v3, v4  }
0x195: {  	v4 =	vperm.xlane v3, v0;
	_ =	sdelay $0x1  }
0x196: {  	v3 =	vperm.xlane v3, v2;
	v4 =	vadd.s32 v1, v4;
	_ =	sdelay $0x1  }
0x197: {  	v3 =	vadd.s32 v1, v3;
	_ =	sdelay $0x1  }
0x198: {  	s25 =	simm.s32 $0xD300  }
0x199: {  	[tilespmem:s25], [sflag:$0x1] =	stream.indirect_vreg.gather [hbm4b:s1+s3], $0x80, v4, vm0, $0xb8;
	[tilespmem:$0x14300] =	vst v63  }
0x19a: {  	s26 =	simm.s32 $0xDB00  }
0x19b: {  	[tilespmem:s26], [sflag:$0x1] =	stream.indirect_vreg.gather [hbm4b:s1+s3], $0x80, v3, vm0, $0xb8;
	[tilespmem:$0x14300] =	vst v63  }
0x19c: {  	v3 =	vld [tilespmem:$0x1E0];
	_ =	sdelay $0x4  }
0x19d: {  	v58 =	vshll.u32 v3, $0x1  }
0x19e: {  	v3 =	vand.u32 $0x7, v3;
	v4 =	vand.u32 $0xFFFFFFF0, v58  }
0x19f: {  	v3 =	vor.u32 v3, v4  }
0x1a0: {  	v4 =	vperm.xlane v3, v0;
	_ =	sdelay $0x1  }
0x1a1: {  	v3 =	vperm.xlane v3, v2;
	v4 =	vadd.s32 v1, v4;
	_ =	sdelay $0x1  }
0x1a2: {  	v3 =	vadd.s32 v1, v3;
	_ =	sdelay $0x1  }
0x1a3: {  	s28 =	simm.s32 $0xE300  }
0x1a4: {  	[tilespmem:s28], [sflag:$0x1] =	stream.indirect_vreg.gather [hbm4b:s1+s3], $0x80, v4, vm0, $0xb8;
	[tilespmem:$0x14300] =	vst v63  }
0x1a5: {  	s29 =	simm.s32 $0xEB00  }
0x1a6: {  	[tilespmem:s29], [sflag:$0x1] =	stream.indirect_vreg.gather [hbm4b:s1+s3], $0x80, v3, vm0, $0xb8;
	[tilespmem:$0x14300] =	vst v63  }
0x1a7: {  	v3 =	vld [tilespmem:$0x1F0];
	_ =	sdelay $0x4  }
0x1a8: {  	v59 =	vshll.u32 v3, $0x1  }
0x1a9: {  	v3 =	vand.u32 $0x7, v3;
	v4 =	vand.u32 $0xFFFFFFF0, v59  }
0x1aa: {  	v3 =	vor.u32 v3, v4  }
0x1ab: {  	v4 =	vperm.xlane v3, v0;
	_ =	sdelay $0x1  }
0x1ac: {  	v3 =	vperm.xlane v3, v2;
	v4 =	vadd.s32 v1, v4;
	_ =	sdelay $0x1  }
0x1ad: {  	v3 =	vadd.s32 v1, v3;
	_ =	sdelay $0x1  }
0x1ae: {  	s25 =	simm.s32 $0xF300  }
0x1af: {  	[tilespmem:s25], [sflag:$0x1] =	stream.indirect_vreg.gather [hbm4b:s1+s3], $0x80, v4, vm0, $0xb8;
	[tilespmem:$0x14300] =	vst v63  }
0x1b0: {  	s26 =	simm.s32 $0xFB00  }
0x1b1: {  	[tilespmem:s26], [sflag:$0x1] =	stream.indirect_vreg.gather [hbm4b:s1+s3], $0x80, v3, vm0, $0xb8;
	[tilespmem:$0x14300] =	vst v63  }
0x1b2: {  	_ =	swait.ge [sflag:s24], $0x8000  }
0x1b3: {  	[sflag:s24] =	ssyncset.done $0x0  }
0x1b4: {  	[sflag:s24] =	ssyncadd.s32 $0xFFFF8000  }
0x1b5: {  	v3 =	vld [tilespmem:$0x280];
	_ =	sdelay $0x4  }
0x1b6: {  	v60 =	vshll.u32 v3, $0x1  }
0x1b7: {  	v3 =	vand.u32 $0x7, v3;
	v4 =	vand.u32 $0xFFFFFFF0, v60  }
0x1b8: {  	v3 =	vor.u32 v3, v4  }
0x1b9: {  	v4 =	vperm.xlane v3, v0;
	_ =	sdelay $0x1  }
0x1ba: {  	v3 =	vperm.xlane v3, v2;
	v4 =	vadd.s32 v1, v4;
	_ =	sdelay $0x1  }
0x1bb: {  	v3 =	vadd.s32 v1, v3;
	_ =	sdelay $0x1  }
0x1bc: {  	s28 =	simm.s32 $0x10300  }
0x1bd: {  	[tilespmem:s28], [sflag:$0x1] =	stream.indirect_vreg.gather [hbm4b:s1+s3], $0x80, v4, vm0, $0xb8;
	[tilespmem:$0x14300] =	vst v63  }
0x1be: {  	s29 =	simm.s32 $0x10B00  }
0x1bf: {  	[tilespmem:s29], [sflag:$0x1] =	stream.indirect_vreg.gather [hbm4b:s1+s3], $0x80, v3, vm0, $0xb8;
	[tilespmem:$0x14300] =	vst v63  }
0x1c0: {  	v3 =	vld [tilespmem:$0x290];
	_ =	sdelay $0x4  }
0x1c1: {  	v61 =	vshll.u32 v3, $0x1  }
0x1c2: {  	v3 =	vand.u32 $0x7, v3;
	v4 =	vand.u32 $0xFFFFFFF0, v61  }
0x1c3: {  	v3 =	vor.u32 v3, v4  }
0x1c4: {  	v4 =	vperm.xlane v3, v0;
	_ =	sdelay $0x1  }
0x1c5: {  	v3 =	vperm.xlane v3, v2;
	v4 =	vadd.s32 v1, v4;
	_ =	sdelay $0x1  }
0x1c6: {  	v3 =	vadd.s32 v1, v3;
	_ =	sdelay $0x1  }
0x1c7: {  	s25 =	simm.s32 $0x11300  }
0x1c8: {  	[tilespmem:s25], [sflag:$0x1] =	stream.indirect_vreg.gather [hbm4b:s1+s3], $0x80, v4, vm0, $0xb8;
	[tilespmem:$0x14300] =	vst v63  }
0x1c9: {  	s26 =	simm.s32 $0x11B00  }
0x1ca: {  	[tilespmem:s26], [sflag:$0x1] =	stream.indirect_vreg.gather [hbm4b:s1+s3], $0x80, v3, vm0, $0xb8;
	[tilespmem:$0x14300] =	vst v63  }
0x1cb: {  	v3 =	vld [tilespmem:$0x2A0];
	_ =	sdelay $0x4  }
0x1cc: {  	v62 =	vshll.u32 v3, $0x1  }
0x1cd: {  	v3 =	vand.u32 $0x7, v3;
	v4 =	vand.u32 $0xFFFFFFF0, v62  }
0x1ce: {  	v3 =	vor.u32 v3, v4  }
0x1cf: {  	v4 =	vperm.xlane v3, v0;
	_ =	sdelay $0x1  }
0x1d0: {  	v3 =	vperm.xlane v3, v2;
	v4 =	vadd.s32 v1, v4;
	_ =	sdelay $0x1  }
0x1d1: {  	v3 =	vadd.s32 v1, v3;
	_ =	sdelay $0x1  }
0x1d2: {  	s28 =	simm.s32 $0x12300  }
0x1d3: {  	[tilespmem:s28], [sflag:$0x1] =	stream.indirect_vreg.gather [hbm4b:s1+s3], $0x80, v4, vm0, $0xb8;
	[tilespmem:$0x14300] =	vst v63  }
0x1d4: {  	s29 =	simm.s32 $0x12B00  }
0x1d5: {  	[tilespmem:s29], [sflag:$0x1] =	stream.indirect_vreg.gather [hbm4b:s1+s3], $0x80, v3, vm0, $0xb8;
	[tilespmem:$0x14300] =	vst v63  }
0x1d6: {  	v3 =	vld [tilespmem:$0x2B0];
	_ =	sdelay $0x4  }
0x1d7: {  	v63 =	vshll.u32 v3, $0x1  }
0x1d8: {  	v3 =	vand.u32 $0x7, v3;
	v4 =	vand.u32 $0xFFFFFFF0, v63  }
0x1d9: {  	v3 =	vor.u32 v3, v4  }
0x1da: {  	v4 =	vperm.xlane v3, v0;
	_ =	sdelay $0x1  }
0x1db: {  	v3 =	vperm.xlane v3, v2;
	v4 =	vadd.s32 v1, v4;
	_ =	sdelay $0x1  }
0x1dc: {  	v3 =	vadd.s32 v1, v3;
	_ =	sdelay $0x1  }
0x1dd: {  	s25 =	simm.s32 $0x13300  }
0x1de: {  	[tilespmem:s25], [sflag:$0x1] =	stream.indirect_vreg.gather [hbm4b:s1+s3], $0x80, v4, vm0, $0xb8;
	[tilespmem:$0x14300] =	vst v63  }
0x1df: {  	s26 =	simm.s32 $0x13B00  }
0x1e0: {  	[tilespmem:s26], [sflag:$0x1] =	stream.indirect_vreg.gather [hbm4b:s1+s3], $0x80, v3, vm0, $0xb8;
	[tilespmem:$0x14300] =	vst v63  }
0x1e1: {  	_ =	swait.ge [sflag:s24], $0x4000  }
0x1e2: {  	p0 =	sne.s32 s6, $0x1;
	s29 =	simm.s32 $0x300;
	[sflag:s24] =	ssyncset.done $0x0  }
.Ltmp0:
0x1e3: {  	s28 =	rddreg [dreg:$0x5];
	[sflag:s24] =	ssyncadd.s32 $0xFFFFC000;
	(pc) =	sbr.rel @p0 .LBB2_1-.Ltmp0, $4  }
0x1e4: {  	[hbm4b:s28+s3] =	stream.linear.scatter [tilespmem:s29], [sflag:$0x2], $0x14000, $0x38;
	[tilespmem:$0x14300] =	vst v63  }
0x1e5: {  	_ =	swait.ge [sflag:s7], $0x14000  }
0x1e6: {  	[sflag:s7] =	ssyncset.done $0x0  }
0x1e7: {  	s6 =	sadd.s32 $0xFFFFFFFF, s6;
	[sflag:s7] =	ssyncadd.s32 $0xFFFEC000  }
0x1e8: {  	_ =	sfence.sel $0x180000  }
0x1e9: {  	[bflag:$0x0] =	sbarrier.arrive $0xFFFF  }
0x1ea: {  	_ =	strace $0x90000047  }
0x1eb: {  	s0 =	stileid.u32;
	[bflag:$0x2] =	sbarrier.arrive $0xFFFF  }
0x1ec: {  	p0 =	sne.s32 s0, $0x0;
	s0 =	rddreg [dreg:$0x3]  }
0x1ed: {  	s0 =	sadd.s32 @!p0 $0x100000, s0  }
0x1ee: {  	[sflag:s0] =	ssyncadd.tile.s32 @!p0 $0x1;
	_ =	shalt  }
.Lfunc_end2:
_tile_overlayer_lowered:
.L_overlay_start_2:
0x1ef: {  	(tag) =	ssettag $0x2  }
0x1f0: {  	s0 =	rddreg [dreg:$0x0];
	s2 =	stileid.u32  }
0x1f1: {  	s1 =	rddreg [dreg:$0x1];
	p0 =	sne.s32 s2, $0x0  }
0x1f2: {  	s3 =	rddreg [dreg:$0x2];
	[bflag:$0x3] =	sbarrier.arrive $0xFFFF;
	s2 =	simm.s32 @!p0 $0x1C02  }
0x1f3: {  	[timem:s3], [sflag:s2] =	dma.local @!p0 [hbm:s0], s1  }
0x1f4: {  	s0 =	simm.s32 @!p0 $0x2  }
0x1f5: {  	_ =	swait.ge @!p0 [sflag:s0], s1  }
0x1f6: {  	s1 =	ssub.s32 @!p0 $0x0, s1;
	[sflag:s0] =	ssyncset.done @!p0 $0x0  }
0x1f7: {  	[sflag:s0] =	ssyncadd.s32 @!p0 s1  }
0x1f8: {  	[bflag:$0x3] =	sbarrier.arrive $0xFFFF  }
0x1f9: {  	_ =	shalt  }

// kernel: kernel.15.cloned.1.call-start
scs
__scs_entry_jumppad:
0x0: {  	(pc) =	sbr.rel $0x88, $3  }
0x1: {  	(tag) =	ssettag $0x0;
	lr =	simm.s32 $0x1  }
0x2: {  	[smem:$0x3F8E] =	sst lr;
	_ =	strace $0xD0000000  }
0x3: {  	_ = 	snop  }
0x4: {  	_ = 	snop  }
0x5: {  	_ = 	snop  }
0x6: {  	_ = 	snop  }
0x7: {  	_ = 	snop  }
__scs_overlays_trampoline_lowered:
0x8: {  	[smem:$0x3F9D] =	sst s0  }
0x9: {  	[smem:$0x3F9E] =	sst s1  }
0xa: {  	[smem:$0x3F9F] =	sst s2  }
0xb: {  	[smem:$0x3FA0] =	sst s3  }
0xc: {  	[smem:$0x3FA1] =	sst s4  }
0xd: {  	[smem:$0x3FA2] =	sst s5  }
0xe: {  	[smem:$0x3FA3] =	sst s6  }
0xf: {  	[smem:$0x3FA4] =	sst s7  }
0x10: {  	[smem:$0x3FA5] =	sst s8  }
0x11: {  	[smem:$0x3FA6] =	sst s9;
	s0 =	simm.s32 @!p0 $0x0  }
0x12: {  	s1 =	sld [smem:$0x3F8C];
	s0 =	simm.s32 @p0 $0x1  }
0x13: {  	[smem:$0x3FA7] =	sst s0;
	s0 =	simm.s32 @!p1 $0x0  }
0x14: {  	s2 =	sld [smem:$0x3F8B];
	s0 =	simm.s32 @p1 $0x1  }
0x15: {  	[smem:$0x3FA8] =	sst s0;
	s0 =	simm.s32 @!p2 $0x0  }
0x16: {  	s3 =	sld [smem:$0x3FDB];
	s0 =	simm.s32 @p2 $0x1  }
0x17: {  	s4 =	simm.s32 $0x1BF5;
	[smem:$0x3FAA] =	sst s0  }
0x18: {  	s0 =	sld [smem:$0x3F8D];
	_ =	swait.ge [sflag:s4], $0x0  }
0x19: {  	s7 =	sld [smem:$0x3F8E]  }
0x1a: {  	s8 =	sadd.s32 $0xFFFFE003, lr  }
0x1b: {  	s9 =	sadd.s32 $0xFFFFFEF7, lr;
	s5 =	simm.s32 $0xFFFFFFFF;
	p2 =	slt.u32 s8, $0xFFFFF086  }
0x1c: {  	p1 =	slt.u32 s9, $0xF7A;
	s5 =	simm.s32 @!p2 $0x0  }
0x1d: {  	s5 =	simm.s32 @p1 $0x1;
	p0 =	seq.s32 s7, s2  }
0x1e: {  	s7 =	smul.u32 @!p0 $0xF7A, s2;
	p2 =	seq.s32 @!p0 s5, $0x0  }
0x1f: {  	s9 =	smul.u32 $0xF7A, s1;
	s8 =	simm.s32 @!p0 $0x1BF5;
	p2 =	por !p2, p0  }
0x20: {  	[sflag:s8] =	ssyncset.s32 @!p0 $0xFFFFF086;
	s6 =	sadd.s32 @!p0 s3, s7;
	s7 =	simm.s32 @!p0 $0x108  }
0x21: {  	s3 =	sadd.s32 s3, s9;
	s6 =	sadd.s32 @!p0 $0x88, s6;
	s7 =	simm.s32 @p2 $0x1082  }
0x22: {  	[simem:s7], [sflag:s8] =	dma.local @!p0 [hbm:s6], $0xF7A  }
0x23: {  	s9 =	sor.u32 $0xD0000000, s2;
	s6 =	simm.s32 $0x108;
	_ =	swait.ge @!p0 [sflag:s8], $0x0  }
0x24: {  	s3 =	sadd.s32 $0x88, s3;
	s6 =	simm.s32 @!p1 $0x1082;
	[sflag:s4] =	ssyncset.s32 $0xFFFFF086  }
0x25: {  	[simem:s6], [sflag:s4] =	dma.local [hbm:s3], $0xF7A  }
0x26: {  	[smem:$0x3F8E] =	sst s1;
	(tag) =	ssettag s2;
	_ =	strace s9  }
0x27: {  	s1 =	sld [smem:$0x3F9E]  }
0x28: {  	s2 =	sld [smem:$0x3F9F]  }
0x29: {  	s4 =	sld [smem:$0x3FA1]  }
0x2a: {  	p0 =	seq.s32 s5, $0x0;
	s5 =	sld [smem:$0x3FA2]  }
0x2b: {  	s6 =	sld [smem:$0x3FA3]  }
0x2c: {  	s7 =	sld [smem:$0x3FA4]  }
0x2d: {  	s3 =	simm.s32 $0x108;
	s8 =	sld [smem:$0x3FA5]  }
0x2e: {  	s3 =	simm.s32 @!p0 $0x1082;
	s9 =	sld [smem:$0x3FA6]  }
0x2f: {  	lr =	sadd.s32 s0, s3;
	s0 =	sld [smem:$0x3F9D]  }
0x30: {  	s3 =	sld [smem:$0x3FA0]  }
0x31: {  	[smem:$0x3FA9] =	sst s10  }
0x32: {  	s10 =	sld [smem:$0x3FA7];
	_ =	sdelay $0x3  }
0x33: {  	p0 =	seq.s32 s10, $0x1;
	s10 =	sld [smem:$0x3FA9];
	_ =	sdelay $0x3  }
0x34: {  	[smem:$0x3FA9] =	sst s10  }
0x35: {  	s10 =	sld [smem:$0x3FA8];
	_ =	sdelay $0x3  }
0x36: {  	p1 =	seq.s32 s10, $0x1;
	s10 =	sld [smem:$0x3FA9];
	_ =	sdelay $0x3  }
0x37: {  	[smem:$0x3FA9] =	sst s10  }
0x38: {  	s10 =	sld [smem:$0x3FAA]  }
0x39: {  	_ = 	snop;
	(pc) =	sbr.ind lr, $3  }
0x3a: {  	_ = 	snop  }
0x3b: {  	_ = 	snop  }
0x3c: {  	p2 =	seq.s32 s10, $0x1;
	s10 =	sld [smem:$0x3FA9]  }
0x3d: {  	_ =	shalt  }
0x3e: {  	_ =	shalt  }
0x3f: {  	_ =	shalt  }
0x40: {  	_ =	shalt  }
0x41: {  	_ =	shalt  }
0x42: {  	_ =	shalt  }
0x43: {  	_ =	shalt  }
0x44: {  	_ =	shalt  }
0x45: {  	_ =	shalt  }
0x46: {  	_ =	shalt  }
0x47: {  	_ =	shalt  }
0x48: {  	_ =	shalt  }
0x49: {  	_ =	shalt  }
0x4a: {  	_ =	shalt  }
0x4b: {  	_ =	shalt  }
0x4c: {  	_ =	shalt  }
0x4d: {  	_ =	shalt  }
0x4e: {  	_ =	shalt  }
0x4f: {  	_ =	shalt  }
0x50: {  	_ =	shalt  }
0x51: {  	_ =	shalt  }
0x52: {  	_ =	shalt  }
0x53: {  	_ =	shalt  }
0x54: {  	_ =	shalt  }
0x55: {  	_ =	shalt  }
0x56: {  	_ =	shalt  }
0x57: {  	_ =	shalt  }
0x58: {  	_ =	shalt  }
0x59: {  	_ =	shalt  }
0x5a: {  	_ =	shalt  }
0x5b: {  	_ =	shalt  }
0x5c: {  	_ =	shalt  }
0x5d: {  	_ =	shalt  }
0x5e: {  	_ =	shalt  }
0x5f: {  	_ =	shalt  }
0x60: {  	_ =	shalt  }
0x61: {  	_ =	shalt  }
0x62: {  	_ =	shalt  }
0x63: {  	_ =	shalt  }
0x64: {  	_ =	shalt  }
0x65: {  	_ =	shalt  }
0x66: {  	_ =	shalt  }
0x67: {  	_ =	shalt  }
0x68: {  	_ =	shalt  }
0x69: {  	_ =	shalt  }
0x6a: {  	_ =	shalt  }
0x6b: {  	_ =	shalt  }
0x6c: {  	_ =	shalt  }
0x6d: {  	_ =	shalt  }
0x6e: {  	_ =	shalt  }
0x6f: {  	_ =	shalt  }
0x70: {  	_ =	shalt  }
0x71: {  	_ =	shalt  }
0x72: {  	_ =	shalt  }
0x73: {  	_ =	shalt  }
0x74: {  	_ =	shalt  }
0x75: {  	_ =	shalt  }
0x76: {  	_ =	shalt  }
0x77: {  	_ =	shalt  }
0x78: {  	_ =	shalt  }
0x79: {  	_ =	shalt  }
0x7a: {  	_ =	shalt  }
0x7b: {  	_ =	shalt  }
0x7c: {  	_ =	shalt  }
0x7d: {  	_ =	shalt  }
0x7e: {  	_ =	shalt  }
0x7f: {  	_ =	shalt  }
0x80: {  	_ =	shalt  }
0x81: {  	_ =	shalt  }
0x82: {  	_ =	shalt  }
0x83: {  	_ =	shalt  }
0x84: {  	_ =	shalt  }
0x85: {  	_ =	shalt  }
0x86: {  	_ =	shalt  }
0x87: {  	_ =	shalt  }
.Lfunc_end0:
.L_simem_size_0:
called_computation.1_lowered:
.L_overlay_start_0:
0x88: {  	s2 =	sld [smem:$0x3FD9]  }
0x89: {  	s3 =	sld [smem:$0x3FFE];
	_ =	sdelay $0x1  }
0x8a: {  	s1 =	srdreg.scid  }
0x8b: {  	s0 =	sand.u32 $0x1, s1  }
0x8c: {  	s14 =	sshll.u32 s0, $0xA;
	s2 =	sadd.s32 s3, s2  }
0x8d: {  	s2 =	sadd.s32 s2, s14  }
0x8e: {  	[smem:$0x3FB5] =	sst s2  }
0x8f: {  	_ = 	snop  }
0x90: {  	s2 =	sld [smem:$0x3FD0];
	_ =	sdelay $0x2  }
0x91: {  	s15 =	simm.s32 $0xA;
	s4 =	simm.s32 $0x10  }
0x92: {  	[smem:s4], [sflag:s15] =	dma.local [hbm:s2], $0x1  }
0x93: {  	_ =	swait.eq [sflag:s15], $0x1  }
0x94: {  	[sflag:s15] =	ssyncset.done $0x0  }
0x95: {  	[sflag:s15] =	ssyncadd.s32 $0xFFFFFFFF  }
0x96: {  	s16 =	sld [smem:$0x11];
	(tm) =	ssettm $0x1  }
0x97: {  	s17 =	sld [smem:$0x3FFB];
	_ =	sdelay $0x3  }
0x98: {  	_ =	strace s17  }
0x99: {  	s3 =	sld [smem:$0x3FFC];
	_ =	sdelay $0x3  }
0x9a: {  	_ =	strace s3  }
0x9b: {  	s3 =	sld [smem:$0x3FFD];
	_ =	sdelay $0x3  }
0x9c: {  	_ =	strace s3  }
0x9d: {  	_ =	strace $0x8FFFFFFF  }
0x9e: {  	s18 =	sld [smem:$0x3FDB];
	_ =	sdelay $0x1  }
0x9f: {  	s19 =	simm.s32 $_scs_section_size  }
0xa0: {  	s5 =	simm.s32 $_size__tile_overlayer_lowered;
	s6 =	simm.s32 $_tile_overlayer_lowered  }
0xa1: {  	s22 =	simm.s32 $0x1BFF;
	s21 =	sshll.u32 s6, $0x1;
	s3 =	sadd.s32 s19, s18  }
0xa2: {  	s7 =	simm.s32 $0x0;
	s20 =	sshll.u32 s5, $0x1;
	s5 =	sadd.s32 s21, s3  }
0xa3: {  	[timem:s7], [sflag:s22] =	dma.local [hbm:s5], s20  }
0xa4: {  	_ =	swait.ge [sflag:s22], s20  }
0xa5: {  	s4 =	ssub.s32 $0x0, s20;
	[sflag:s22] =	ssyncset.done $0x0  }
0xa6: {  	[sflag:s22] =	ssyncadd.s32 s4;
	_ =	sdelay $0x1  }
0xa7: {  	s23 =	simm.s32 $0x1B8B  }
0xa8: {  	_ =	swait.ge [sflag:s23], $0x1  }
0xa9: {  	[sflag:s23] =	ssyncset.done $0x0  }
0xaa: {  	s25 =	simm.s32 $0x1B8E;
	s24 =	sld [smem:$0x3FFE];
	[sflag:s23] =	ssyncadd.s32 $0xFFFFFFFF  }
0xab: {  	s26 =	simm.s32 $execute0_lowered;
	[smem:$0x3FD2] =	sst s25  }
0xac: {  	s5 =	sshll.u32 s26, $0x1;
	_ =	strace $0x80000049;
	[dreg:$0x1] =	wrdreg $0xFFFFFFFF  }
0xad: {  	s28 =	simm.s32 $_size_execute0_lowered;
	s3 =	sadd.s32 s3, s5;
	[dreg:$0x0] =	wrdreg $0x0  }
0xae: {  	s5 =	sshll.u32 s28, $0x1;
	[dreg:$0x2] =	wrdreg s3  }
0xaf: {  	[dreg:$0x3] =	wrdreg s5  }
0xb0: {  	[dreg:$0x4] =	wrdreg $0xC0  }
0xb1: {  	_ =	task [dreg:s7], $0x5FFFF  }
0xb2: {  	[dreg:$0x1] =	wrdreg $0xFFFFFFFF  }
0xb3: {  	[dreg:$0x0] =	wrdreg $0x60  }
0xb4: {  	[dreg:$0x2] =	wrdreg s24  }
0xb5: {  	[dreg:$0x3] =	wrdreg s16  }
0xb6: {  	[dreg:$0x4] =	wrdreg $0x41000  }
0xb7: {  	[dreg:$0x5] =	wrdreg $0x9  }
0xb8: {  	_ =	task.clear_ibuf [dreg:s7], $0x6FFFF;
	_ =	strace $0x90000049  }
0xb9: {  	s29 =	simm.s32 $0x9;
	_ =	strace $0x8000004B  }
0xba: {  	_ =	swait.ge [sflag:s29], $0x1  }
0xbb: {  	[sflag:s29] =	ssyncadd.s32 $0xFFFFFFFF  }
0xbc: {  	_ =	strace $0x9000004B  }
0xbd: {  	_ =	sfence  }
0xbe: {  	s30 =	sld [smem:$0x0];
	_ =	sdelay $0x2  }
0xbf: {  	s31 =	sshll.u32 s1, $0xD;
	s1 =	sshrl.u32 s1, $0x2  }
0xc0: {  	s3 =	sand.u32 $0x4000, s31;
	s1 =	sadd.s32 s1, s30  }
0xc1: {  	s0 =	sor.u32 s3, s0;
	s1 =	sshll.u32 s1, $0x11  }
0xc2: {  	s0 =	sor.u32 s1, s0  }
0xc3: {  	s0 =	sadd.s32 $0x8F2B, s0  }
0xc4: {  	[sflag:s0] =	ssyncadd.remote.s32 $0x1  }
0xc5: {  	_ =	sfence.sel $0xFFFF  }
0xc6: {  	[dreg:$0x0] =	wrdreg $0xFFFFFFFF;
	(pc) =	sbr.abs _section_cstart, $3  }
0xc7: {  	[dreg:$0x1] =	wrdreg $0xFFFFFFFF  }
0xc8: {  	_ =	task.clear_ibuf [dreg:s7], $0x2FFFF;
	_ =	strace $0x9FFFFFFF  }
0xc9: {  	(tm) =	ssettm $0x7FFFFFFF  }
tec
execute0_lowered:
.L_overlay_start_1:
0x0: {  	(tag) =	ssettag $0x1  }
0x1: {  	s6 =	rddreg [dreg:$0x0]  }
0x2: {  	s1 =	srdreg.scid;
	s2 =	rddreg [dreg:$0x1]  }
0x3: {  	s0 =	stileid.u32;
	s3 =	rddreg [dreg:$0x2]  }
0x4: {  	s4 =	simm.s32 $0x0;
	s14 =	simm.s32 $0x100;
	s5 =	smul.u32 $0x15A00, s0  }
0x5: {  	s15 =	simm.s32 $0x1;
	s16 =	simm.s32 $0x0;
	s10 =	smul.u32 $0x14000, s0  }
0x6: {  	s7 =	sand.u32 $0x1, s1;
	s1 =	rddreg [dreg:$0x3];
	s11 =	smul.u32 $0x50000, s0  }
0x7: {  	[smem:$0x7FF] =	sst s4;
	s31 =	sshll.u32 s0, $0x6;
	s8 =	smul.u32 $0xAD00, s7  }
0x8: {  	s9 =	smul.u32 $0x140000, s7;
	_ =	strace $0x8000004A;
	s26 =	ssub.s32 $0x2, s7  }
0x9: {  	p0 =	seq.s32 s7, $0x0;
	s7 =	sor.u32 $0x1C02, s31;
	s29 =	sshrl.u32 s26, $0x1  }
0xa: {  	s30 =	sshrl.u32 s11, $0x2;
	s8 =	sadd.s32 s8, s5;
	s5 =	sadd.s32 $0x7000, s6  }
0xb: {  	s9 =	sadd.s32 s10, s9;
	s13 =	sadd.s32 s30, s3;
	s8 =	sshrl.u32 s8, $0x3  }
0xc: {  	s28 =	sshrl.u32 s9, $0x3;
	s9 =	ssub.s32 s26, s29;
	s11 =	sshrl.u32 s13, $0x3  }
0xd: {  	s12 =	sadd.s32 s8, s6;
	s8 =	sadd.s32 s28, s6;
	s6 =	simm.s32 $0xAD  }
0xe: {  	s13 =	simm.s32 $0x80;
	s9 =	smax.u32 s9, $0x1;
	s6 =	simm.s32 @!p0 $0x8D  }
0xf: {  	s8 =	sadd.s32 $0x2F000, s8;
	s10 =	sadd.s32 $0x11F000, s12;
	s12 =	simm.s32 $0x2  }
.LBB2_1:
0x10: {  	[spmem:s11], [sflag:s7] =	dma.local [hbm:s2], $0x2800  }
0x11: {  	_ =	swait.ge [sflag:s12], $0x2800  }
0x12: {  	[sflag:s12] =	ssyncset.done $0x0  }
0x13: {  	[sflag:s12] =	ssyncadd.s32 $0xFFFFD800  }
0x14: {  	[bflag:$0x0] =	sbarrier.arrive $0xFFFF  }
0x15: {  	[tilespmem:s4], [sflag:$0x2] =	stream.linear.gather [hbm4b:s10+s4], $0x100, $0x38;
	[tilespmem:$0x18100] =	vst v63  }
0x16: {  	_ =	swait.ge [sflag:s12], $0x100  }
0x17: {  	[sflag:s12] =	ssyncset.done $0x0  }
0x18: {  	[sflag:s12] =	ssyncadd.s32 $0xFFFFFF00  }
0x19: {  	[tilespmem:s14], [sflag:$0x1] =	stream.indirect.gather [hbm4b:s5+s13], $0x80, s4, s13, $0xb8;
	[tilespmem:$0x18100] =	vst v63  }
0x1a: {  	p0 =	sne.s32 s6, $0x1;
	_ =	swait.ge [sflag:s15], $0x4000  }
.Ltmp0:
0x1b: {  	[sflag:s15] =	ssyncset.done $0x0;
	(pc) =	sbr.rel @!p0 .LBB2_3-.Ltmp0, $4  }
0x1c: {  	[sflag:s15] =	ssyncadd.s32 $0xFFFFC000  }
0x1d: {  	[spmem:s3] =	stream.indirect.scatter.add.f32 [tilespmem:s14], [sflag:$0x2], $0x80, s13, s13, $0xb8;
	[tilespmem:$0x18100] =	vst v63  }
0x1e: {  	_ =	swait.ge [sflag:s12], $0x4000  }
0x1f: {  	s17 =	sadd.s32 $0xFFFFFFFF, s6;
	s18 =	smov.u32 s10;
	[sflag:s12] =	ssyncset.done $0x0  }
.LBB2_2:
0x20: {  	p0 =	sne.s32 s17, $0x1;
	[sflag:s12] =	ssyncadd.s32 $0xFFFFC000;
	s18 =	sadd.s32 $0x20, s18  }
0x21: {  	[tilespmem:s4], [sflag:$0x2] =	stream.linear.gather [hbm4b:s18+s4], $0x100, $0x38;
	[tilespmem:$0x18100] =	vst v63  }
0x22: {  	s17 =	sadd.s32 $0xFFFFFFFF, s17;
	_ =	swait.ge [sflag:s12], $0x100  }
0x23: {  	[sflag:s12] =	ssyncset.done $0x0  }
0x24: {  	[sflag:s12] =	ssyncadd.s32 $0xFFFFFF00  }
0x25: {  	[tilespmem:s14], [sflag:$0x1] =	stream.indirect.gather [hbm4b:s5+s13], $0x80, s4, s13, $0xb8;
	[tilespmem:$0x18100] =	vst v63  }
0x26: {  	_ =	swait.ge [sflag:s15], $0x4000  }
.Ltmp1:
0x27: {  	[sflag:s15] =	ssyncset.done $0x0;
	(pc) =	sbr.rel @p0 .LBB2_2-.Ltmp1, $4  }
0x28: {  	[sflag:s15] =	ssyncadd.s32 $0xFFFFC000  }
0x29: {  	[spmem:s3] =	stream.indirect.scatter.add.f32 [tilespmem:s14], [sflag:$0x2], $0x80, s13, s13, $0xb8;
	[tilespmem:$0x18100] =	vst v63  }
0x2a: {  	_ =	swait.ge [sflag:s12], $0x4000  }
0x2b: {  	[sflag:s12] =	ssyncset.done $0x0  }
.LBB2_3:
0x2c: {  	s16 =	sadd.s32 $0x1, s16  }
0x2d: {  	[sflag:s12] =	ssyncadd.s32 $0xFFFFC000;
	p0 =	sne.s32 s16, s9  }
.Ltmp2:
0x2e: {  	[bflag:$0x0] =	sbarrier.arrive $0xFFFF;
	(pc) =	sbr.rel @p0 .LBB2_1-.Ltmp2, $4  }
0x2f: {  	[hbm:s8], [sflag:s7] =	dma.local [spmem:s11], $0x2800  }
0x30: {  	_ =	swait.ge [sflag:s12], $0x2800  }
0x31: {  	[sflag:s12] =	ssyncset.done $0x0  }
0x32: {  	[sflag:s12] =	ssyncadd.s32 $0xFFFFD800  }
0x33: {  	_ =	sfence.sel $0x180000  }
0x34: {  	[bflag:$0x0] =	sbarrier.arrive $0xFFFF  }
0x35: {  	p0 =	sne.s32 s0, $0x0;
	_ =	strace $0x9000004A  }
0x36: {  	s0 =	sadd.s32 @!p0 $0x100000, s1;
	[bflag:$0x2] =	sbarrier.arrive $0xFFFF  }
0x37: {  	[sflag:s0] =	ssyncadd.tile.s32 @!p0 $0x1;
	_ =	shalt  }
.Lfunc_end2:
_tile_overlayer_lowered:
.L_overlay_start_2:
0x38: {  	(tag) =	ssettag $0x2  }
0x39: {  	s0 =	rddreg [dreg:$0x0];
	s2 =	stileid.u32  }
0x3a: {  	s1 =	rddreg [dreg:$0x1];
	p0 =	sne.s32 s2, $0x0  }
0x3b: {  	s3 =	rddreg [dreg:$0x2];
	[bflag:$0x3] =	sbarrier.arrive $0xFFFF;
	s2 =	simm.s32 @!p0 $0x1C02  }
0x3c: {  	[timem:s3], [sflag:s2] =	dma.local @!p0 [hbm:s0], s1  }
0x3d: {  	s0 =	simm.s32 @!p0 $0x2  }
0x3e: {  	_ =	swait.ge @!p0 [sflag:s0], s1  }
0x3f: {  	s1 =	ssub.s32 @!p0 $0x0, s1;
	[sflag:s0] =	ssyncset.done @!p0 $0x0  }
0x40: {  	[sflag:s0] =	ssyncadd.s32 @!p0 s1  }
0x41: {  	[bflag:$0x3] =	sbarrier.arrive $0xFFFF  }
0x42: {  	_ =	shalt  }

// kernel: kernel.18.cloned.1.call-start
scs
__scs_entry_jumppad:
0x0: {  	(pc) =	sbr.rel $0x88, $3  }
0x1: {  	(tag) =	ssettag $0x0;
	lr =	simm.s32 $0x1  }
0x2: {  	[smem:$0x3F8E] =	sst lr;
	_ =	strace $0xD0000000  }
0x3: {  	_ = 	snop  }
0x4: {  	_ = 	snop  }
0x5: {  	_ = 	snop  }
0x6: {  	_ = 	snop  }
0x7: {  	_ = 	snop  }
__scs_overlays_trampoline_lowered:
0x8: {  	[smem:$0x3F9D] =	sst s0  }
0x9: {  	[smem:$0x3F9E] =	sst s1  }
0xa: {  	[smem:$0x3F9F] =	sst s2  }
0xb: {  	[smem:$0x3FA0] =	sst s3  }
0xc: {  	[smem:$0x3FA1] =	sst s4  }
0xd: {  	[smem:$0x3FA2] =	sst s5  }
0xe: {  	[smem:$0x3FA3] =	sst s6  }
0xf: {  	[smem:$0x3FA4] =	sst s7  }
0x10: {  	[smem:$0x3FA5] =	sst s8  }
0x11: {  	[smem:$0x3FA6] =	sst s9;
	s0 =	simm.s32 @!p0 $0x0  }
0x12: {  	s1 =	sld [smem:$0x3F8C];
	s0 =	simm.s32 @p0 $0x1  }
0x13: {  	[smem:$0x3FA7] =	sst s0;
	s0 =	simm.s32 @!p1 $0x0  }
0x14: {  	s2 =	sld [smem:$0x3F8B];
	s0 =	simm.s32 @p1 $0x1  }
0x15: {  	[smem:$0x3FA8] =	sst s0;
	s0 =	simm.s32 @!p2 $0x0  }
0x16: {  	s3 =	sld [smem:$0x3FDB];
	s0 =	simm.s32 @p2 $0x1  }
0x17: {  	s4 =	simm.s32 $0x1BF5;
	[smem:$0x3FAA] =	sst s0  }
0x18: {  	s0 =	sld [smem:$0x3F8D];
	_ =	swait.ge [sflag:s4], $0x0  }
0x19: {  	s7 =	sld [smem:$0x3F8E]  }
0x1a: {  	s8 =	sadd.s32 $0xFFFFE003, lr  }
0x1b: {  	s9 =	sadd.s32 $0xFFFFFEF7, lr;
	s5 =	simm.s32 $0xFFFFFFFF;
	p2 =	slt.u32 s8, $0xFFFFF086  }
0x1c: {  	p1 =	slt.u32 s9, $0xF7A;
	s5 =	simm.s32 @!p2 $0x0  }
0x1d: {  	s5 =	simm.s32 @p1 $0x1;
	p0 =	seq.s32 s7, s2  }
0x1e: {  	s7 =	smul.u32 @!p0 $0xF7A, s2;
	p2 =	seq.s32 @!p0 s5, $0x0  }
0x1f: {  	s9 =	smul.u32 $0xF7A, s1;
	s8 =	simm.s32 @!p0 $0x1BF5;
	p2 =	por !p2, p0  }
0x20: {  	[sflag:s8] =	ssyncset.s32 @!p0 $0xFFFFF086;
	s6 =	sadd.s32 @!p0 s3, s7;
	s7 =	simm.s32 @!p0 $0x108  }
0x21: {  	s3 =	sadd.s32 s3, s9;
	s6 =	sadd.s32 @!p0 $0x88, s6;
	s7 =	simm.s32 @p2 $0x1082  }
0x22: {  	[simem:s7], [sflag:s8] =	dma.local @!p0 [hbm:s6], $0xF7A  }
0x23: {  	s9 =	sor.u32 $0xD0000000, s2;
	s6 =	simm.s32 $0x108;
	_ =	swait.ge @!p0 [sflag:s8], $0x0  }
0x24: {  	s3 =	sadd.s32 $0x88, s3;
	s6 =	simm.s32 @!p1 $0x1082;
	[sflag:s4] =	ssyncset.s32 $0xFFFFF086  }
0x25: {  	[simem:s6], [sflag:s4] =	dma.local [hbm:s3], $0xF7A  }
0x26: {  	[smem:$0x3F8E] =	sst s1;
	(tag) =	ssettag s2;
	_ =	strace s9  }
0x27: {  	s1 =	sld [smem:$0x3F9E]  }
0x28: {  	s2 =	sld [smem:$0x3F9F]  }
0x29: {  	s4 =	sld [smem:$0x3FA1]  }
0x2a: {  	p0 =	seq.s32 s5, $0x0;
	s5 =	sld [smem:$0x3FA2]  }
0x2b: {  	s6 =	sld [smem:$0x3FA3]  }
0x2c: {  	s7 =	sld [smem:$0x3FA4]  }
0x2d: {  	s3 =	simm.s32 $0x108;
	s8 =	sld [smem:$0x3FA5]  }
0x2e: {  	s3 =	simm.s32 @!p0 $0x1082;
	s9 =	sld [smem:$0x3FA6]  }
0x2f: {  	lr =	sadd.s32 s0, s3;
	s0 =	sld [smem:$0x3F9D]  }
0x30: {  	s3 =	sld [smem:$0x3FA0]  }
0x31: {  	[smem:$0x3FA9] =	sst s10  }
0x32: {  	s10 =	sld [smem:$0x3FA7];
	_ =	sdelay $0x3  }
0x33: {  	p0 =	seq.s32 s10, $0x1;
	s10 =	sld [smem:$0x3FA9];
	_ =	sdelay $0x3  }
0x34: {  	[smem:$0x3FA9] =	sst s10  }
0x35: {  	s10 =	sld [smem:$0x3FA8];
	_ =	sdelay $0x3  }
0x36: {  	p1 =	seq.s32 s10, $0x1;
	s10 =	sld [smem:$0x3FA9];
	_ =	sdelay $0x3  }
0x37: {  	[smem:$0x3FA9] =	sst s10  }
0x38: {  	s10 =	sld [smem:$0x3FAA]  }
0x39: {  	_ = 	snop;
	(pc) =	sbr.ind lr, $3  }
0x3a: {  	_ = 	snop  }
0x3b: {  	_ = 	snop  }
0x3c: {  	p2 =	seq.s32 s10, $0x1;
	s10 =	sld [smem:$0x3FA9]  }
0x3d: {  	_ =	shalt  }
0x3e: {  	_ =	shalt  }
0x3f: {  	_ =	shalt  }
0x40: {  	_ =	shalt  }
0x41: {  	_ =	shalt  }
0x42: {  	_ =	shalt  }
0x43: {  	_ =	shalt  }
0x44: {  	_ =	shalt  }
0x45: {  	_ =	shalt  }
0x46: {  	_ =	shalt  }
0x47: {  	_ =	shalt  }
0x48: {  	_ =	shalt  }
0x49: {  	_ =	shalt  }
0x4a: {  	_ =	shalt  }
0x4b: {  	_ =	shalt  }
0x4c: {  	_ =	shalt  }
0x4d: {  	_ =	shalt  }
0x4e: {  	_ =	shalt  }
0x4f: {  	_ =	shalt  }
0x50: {  	_ =	shalt  }
0x51: {  	_ =	shalt  }
0x52: {  	_ =	shalt  }
0x53: {  	_ =	shalt  }
0x54: {  	_ =	shalt  }
0x55: {  	_ =	shalt  }
0x56: {  	_ =	shalt  }
0x57: {  	_ =	shalt  }
0x58: {  	_ =	shalt  }
0x59: {  	_ =	shalt  }
0x5a: {  	_ =	shalt  }
0x5b: {  	_ =	shalt  }
0x5c: {  	_ =	shalt  }
0x5d: {  	_ =	shalt  }
0x5e: {  	_ =	shalt  }
0x5f: {  	_ =	shalt  }
0x60: {  	_ =	shalt  }
0x61: {  	_ =	shalt  }
0x62: {  	_ =	shalt  }
0x63: {  	_ =	shalt  }
0x64: {  	_ =	shalt  }
0x65: {  	_ =	shalt  }
0x66: {  	_ =	shalt  }
0x67: {  	_ =	shalt  }
0x68: {  	_ =	shalt  }
0x69: {  	_ =	shalt  }
0x6a: {  	_ =	shalt  }
0x6b: {  	_ =	shalt  }
0x6c: {  	_ =	shalt  }
0x6d: {  	_ =	shalt  }
0x6e: {  	_ =	shalt  }
0x6f: {  	_ =	shalt  }
0x70: {  	_ =	shalt  }
0x71: {  	_ =	shalt  }
0x72: {  	_ =	shalt  }
0x73: {  	_ =	shalt  }
0x74: {  	_ =	shalt  }
0x75: {  	_ =	shalt  }
0x76: {  	_ =	shalt  }
0x77: {  	_ =	shalt  }
0x78: {  	_ =	shalt  }
0x79: {  	_ =	shalt  }
0x7a: {  	_ =	shalt  }
0x7b: {  	_ =	shalt  }
0x7c: {  	_ =	shalt  }
0x7d: {  	_ =	shalt  }
0x7e: {  	_ =	shalt  }
0x7f: {  	_ =	shalt  }
0x80: {  	_ =	shalt  }
0x81: {  	_ =	shalt  }
0x82: {  	_ =	shalt  }
0x83: {  	_ =	shalt  }
0x84: {  	_ =	shalt  }
0x85: {  	_ =	shalt  }
0x86: {  	_ =	shalt  }
0x87: {  	_ =	shalt  }
.Lfunc_end0:
.L_simem_size_0:
called_computation.2_lowered:
.L_overlay_start_0:
0x88: {  	s2 =	sld [smem:$0x3FD9]  }
0x89: {  	s3 =	sld [smem:$0x3FFE];
	_ =	sdelay $0x1  }
0x8a: {  	s1 =	srdreg.scid  }
0x8b: {  	s0 =	sand.u32 $0x1, s1  }
0x8c: {  	s14 =	sshll.u32 s0, $0xA;
	s2 =	sadd.s32 s3, s2  }
0x8d: {  	s2 =	sadd.s32 s2, s14  }
0x8e: {  	[smem:$0x3FB5] =	sst s2  }
0x8f: {  	_ = 	snop  }
0x90: {  	s2 =	sld [smem:$0x3FD0];
	_ =	sdelay $0x2  }
0x91: {  	s15 =	simm.s32 $0xA;
	s4 =	simm.s32 $0x10  }
0x92: {  	[smem:s4], [sflag:s15] =	dma.local [hbm:s2], $0x1  }
0x93: {  	_ =	swait.eq [sflag:s15], $0x1  }
0x94: {  	[sflag:s15] =	ssyncset.done $0x0  }
0x95: {  	[sflag:s15] =	ssyncadd.s32 $0xFFFFFFFF  }
0x96: {  	s16 =	sld [smem:$0x11];
	(tm) =	ssettm $0x1  }
0x97: {  	s17 =	sld [smem:$0x3FFB];
	_ =	sdelay $0x3  }
0x98: {  	_ =	strace s17  }
0x99: {  	s3 =	sld [smem:$0x3FFC];
	_ =	sdelay $0x3  }
0x9a: {  	_ =	strace s3  }
0x9b: {  	s3 =	sld [smem:$0x3FFD];
	_ =	sdelay $0x3  }
0x9c: {  	_ =	strace s3  }
0x9d: {  	_ =	strace $0x8FFFFFFF  }
0x9e: {  	s18 =	sld [smem:$0x3FDB];
	_ =	sdelay $0x1  }
0x9f: {  	s19 =	simm.s32 $_scs_section_size  }
0xa0: {  	s5 =	simm.s32 $_size__tile_overlayer_lowered;
	s6 =	simm.s32 $_tile_overlayer_lowered  }
0xa1: {  	s22 =	simm.s32 $0x1BFF;
	s21 =	sshll.u32 s6, $0x1;
	s3 =	sadd.s32 s19, s18  }
0xa2: {  	s7 =	simm.s32 $0x0;
	s20 =	sshll.u32 s5, $0x1;
	s5 =	sadd.s32 s21, s3  }
0xa3: {  	[timem:s7], [sflag:s22] =	dma.local [hbm:s5], s20  }
0xa4: {  	_ =	swait.ge [sflag:s22], s20  }
0xa5: {  	s4 =	ssub.s32 $0x0, s20;
	[sflag:s22] =	ssyncset.done $0x0  }
0xa6: {  	[sflag:s22] =	ssyncadd.s32 s4;
	_ =	sdelay $0x1  }
0xa7: {  	s23 =	simm.s32 $0x1B8B  }
0xa8: {  	_ =	swait.ge [sflag:s23], $0x1  }
0xa9: {  	[sflag:s23] =	ssyncset.done $0x0  }
0xaa: {  	s25 =	simm.s32 $0x1B8E;
	s24 =	sld [smem:$0x3FFE];
	[sflag:s23] =	ssyncadd.s32 $0xFFFFFFFF  }
0xab: {  	s26 =	simm.s32 $execute0_lowered;
	[smem:$0x3FD2] =	sst s25  }
0xac: {  	s5 =	sshll.u32 s26, $0x1;
	_ =	strace $0x8000004C;
	[dreg:$0x1] =	wrdreg $0xFFFFFFFF  }
0xad: {  	s28 =	simm.s32 $_size_execute0_lowered;
	s3 =	sadd.s32 s3, s5;
	[dreg:$0x0] =	wrdreg $0x0  }
0xae: {  	s5 =	sshll.u32 s28, $0x1;
	[dreg:$0x2] =	wrdreg s3  }
0xaf: {  	[dreg:$0x3] =	wrdreg s5  }
0xb0: {  	[dreg:$0x4] =	wrdreg $0xC0  }
0xb1: {  	_ =	task [dreg:s7], $0x5FFFF  }
0xb2: {  	[dreg:$0x1] =	wrdreg $0xFFFFFFFF  }
0xb3: {  	[dreg:$0x0] =	wrdreg $0x60  }
0xb4: {  	[dreg:$0x2] =	wrdreg s24  }
0xb5: {  	[dreg:$0x3] =	wrdreg s16  }
0xb6: {  	[dreg:$0x4] =	wrdreg $0x41000  }
0xb7: {  	[dreg:$0x5] =	wrdreg $0x9  }
0xb8: {  	_ =	task.clear_ibuf [dreg:s7], $0x6FFFF;
	_ =	strace $0x9000004C  }
0xb9: {  	s29 =	simm.s32 $0x9;
	_ =	strace $0x8000004E  }
0xba: {  	_ =	swait.ge [sflag:s29], $0x1  }
0xbb: {  	[sflag:s29] =	ssyncadd.s32 $0xFFFFFFFF  }
0xbc: {  	_ =	strace $0x9000004E  }
0xbd: {  	_ =	sfence  }
0xbe: {  	s30 =	sld [smem:$0x0];
	_ =	sdelay $0x2  }
0xbf: {  	s31 =	sshll.u32 s1, $0xD;
	s1 =	sshrl.u32 s1, $0x2  }
0xc0: {  	s3 =	sand.u32 $0x4000, s31;
	s1 =	sadd.s32 s1, s30  }
0xc1: {  	s0 =	sor.u32 s3, s0;
	s1 =	sshll.u32 s1, $0x11  }
0xc2: {  	s0 =	sor.u32 s1, s0  }
0xc3: {  	s0 =	sadd.s32 $0x8F2B, s0  }
0xc4: {  	[sflag:s0] =	ssyncadd.remote.s32 $0x1  }
0xc5: {  	_ =	sfence.sel $0xFFFF  }
0xc6: {  	[dreg:$0x0] =	wrdreg $0xFFFFFFFF;
	(pc) =	sbr.abs _section_cstart, $3  }
0xc7: {  	[dreg:$0x1] =	wrdreg $0xFFFFFFFF  }
0xc8: {  	_ =	task.clear_ibuf [dreg:s7], $0x2FFFF;
	_ =	strace $0x9FFFFFFF  }
0xc9: {  	(tm) =	ssettm $0x7FFFFFFF  }
tec
execute0_lowered:
.L_overlay_start_1:
0x0: {  	(tag) =	ssettag $0x1  }
0x1: {  	s6 =	rddreg [dreg:$0x0]  }
0x2: {  	s1 =	srdreg.scid;
	s2 =	rddreg [dreg:$0x1]  }
0x3: {  	s0 =	stileid.u32;
	s3 =	rddreg [dreg:$0x2]  }
0x4: {  	s4 =	simm.s32 $0x0;
	s14 =	simm.s32 $0x100;
	s5 =	smul.u32 $0x15A00, s0  }
0x5: {  	s15 =	simm.s32 $0x1;
	s16 =	simm.s32 $0x0;
	s10 =	smul.u32 $0x14000, s0  }
0x6: {  	s7 =	sand.u32 $0x1, s1;
	s1 =	rddreg [dreg:$0x3];
	s11 =	smul.u32 $0x50000, s0  }
0x7: {  	[smem:$0x7FF] =	sst s4;
	s31 =	sshll.u32 s0, $0x6;
	s8 =	smul.u32 $0xAD00, s7  }
0x8: {  	s9 =	smul.u32 $0x140000, s7;
	_ =	strace $0x8000004D;
	s26 =	ssub.s32 $0x2, s7  }
0x9: {  	p0 =	seq.s32 s7, $0x0;
	s7 =	sor.u32 $0x1C02, s31;
	s29 =	sshrl.u32 s26, $0x1  }
0xa: {  	s30 =	sshrl.u32 s11, $0x2;
	s8 =	sadd.s32 s8, s5;
	s5 =	sadd.s32 $0x7000, s6  }
0xb: {  	s9 =	sadd.s32 s10, s9;
	s13 =	sadd.s32 s30, s3;
	s8 =	sshrl.u32 s8, $0x3  }
0xc: {  	s28 =	sshrl.u32 s9, $0x3;
	s9 =	ssub.s32 s26, s29;
	s11 =	sshrl.u32 s13, $0x3  }
0xd: {  	s12 =	sadd.s32 s8, s6;
	s8 =	sadd.s32 s28, s6;
	s6 =	simm.s32 $0xAD  }
0xe: {  	s13 =	simm.s32 $0x80;
	s9 =	smax.u32 s9, $0x1;
	s6 =	simm.s32 @!p0 $0x8D  }
0xf: {  	s8 =	sadd.s32 $0x2F000, s8;
	s10 =	sadd.s32 $0x11F000, s12;
	s12 =	simm.s32 $0x2  }
.LBB2_1:
0x10: {  	[spmem:s11], [sflag:s7] =	dma.local [hbm:s2], $0x2800  }
0x11: {  	_ =	swait.ge [sflag:s12], $0x2800  }
0x12: {  	[sflag:s12] =	ssyncset.done $0x0  }
0x13: {  	[sflag:s12] =	ssyncadd.s32 $0xFFFFD800  }
0x14: {  	[bflag:$0x0] =	sbarrier.arrive $0xFFFF  }
0x15: {  	[tilespmem:s4], [sflag:$0x2] =	stream.linear.gather [hbm4b:s10+s4], $0x100, $0x38;
	[tilespmem:$0x18100] =	vst v63  }
0x16: {  	_ =	swait.ge [sflag:s12], $0x100  }
0x17: {  	[sflag:s12] =	ssyncset.done $0x0  }
0x18: {  	[sflag:s12] =	ssyncadd.s32 $0xFFFFFF00  }
0x19: {  	[tilespmem:s14], [sflag:$0x1] =	stream.indirect.gather [hbm4b:s5+s13], $0x80, s4, s13, $0xb8;
	[tilespmem:$0x18100] =	vst v63  }
0x1a: {  	p0 =	sne.s32 s6, $0x1;
	_ =	swait.ge [sflag:s15], $0x4000  }
.Ltmp0:
0x1b: {  	[sflag:s15] =	ssyncset.done $0x0;
	(pc) =	sbr.rel @!p0 .LBB2_3-.Ltmp0, $4  }
0x1c: {  	[sflag:s15] =	ssyncadd.s32 $0xFFFFC000  }
0x1d: {  	[spmem:s3] =	stream.indirect.scatter.add.f32 [tilespmem:s14], [sflag:$0x2], $0x80, s13, s13, $0xb8;
	[tilespmem:$0x18100] =	vst v63  }
0x1e: {  	_ =	swait.ge [sflag:s12], $0x4000  }
0x1f: {  	s17 =	sadd.s32 $0xFFFFFFFF, s6;
	s18 =	smov.u32 s10;
	[sflag:s12] =	ssyncset.done $0x0  }
.LBB2_2:
0x20: {  	p0 =	sne.s32 s17, $0x1;
	[sflag:s12] =	ssyncadd.s32 $0xFFFFC000;
	s18 =	sadd.s32 $0x20, s18  }
0x21: {  	[tilespmem:s4], [sflag:$0x2] =	stream.linear.gather [hbm4b:s18+s4], $0x100, $0x38;
	[tilespmem:$0x18100] =	vst v63  }
0x22: {  	s17 =	sadd.s32 $0xFFFFFFFF, s17;
	_ =	swait.ge [sflag:s12], $0x100  }
0x23: {  	[sflag:s12] =	ssyncset.done $0x0  }
0x24: {  	[sflag:s12] =	ssyncadd.s32 $0xFFFFFF00  }
0x25: {  	[tilespmem:s14], [sflag:$0x1] =	stream.indirect.gather [hbm4b:s5+s13], $0x80, s4, s13, $0xb8;
	[tilespmem:$0x18100] =	vst v63  }
0x26: {  	_ =	swait.ge [sflag:s15], $0x4000  }
.Ltmp1:
0x27: {  	[sflag:s15] =	ssyncset.done $0x0;
	(pc) =	sbr.rel @p0 .LBB2_2-.Ltmp1, $4  }
0x28: {  	[sflag:s15] =	ssyncadd.s32 $0xFFFFC000  }
0x29: {  	[spmem:s3] =	stream.indirect.scatter.add.f32 [tilespmem:s14], [sflag:$0x2], $0x80, s13, s13, $0xb8;
	[tilespmem:$0x18100] =	vst v63  }
0x2a: {  	_ =	swait.ge [sflag:s12], $0x4000  }
0x2b: {  	[sflag:s12] =	ssyncset.done $0x0  }
.LBB2_3:
0x2c: {  	s16 =	sadd.s32 $0x1, s16  }
0x2d: {  	[sflag:s12] =	ssyncadd.s32 $0xFFFFC000;
	p0 =	sne.s32 s16, s9  }
.Ltmp2:
0x2e: {  	[bflag:$0x0] =	sbarrier.arrive $0xFFFF;
	(pc) =	sbr.rel @p0 .LBB2_1-.Ltmp2, $4  }
0x2f: {  	[hbm:s8], [sflag:s7] =	dma.local [spmem:s11], $0x2800  }
0x30: {  	_ =	swait.ge [sflag:s12], $0x2800  }
0x31: {  	[sflag:s12] =	ssyncset.done $0x0  }
0x32: {  	[sflag:s12] =	ssyncadd.s32 $0xFFFFD800  }
0x33: {  	_ =	sfence.sel $0x180000  }
0x34: {  	[bflag:$0x0] =	sbarrier.arrive $0xFFFF  }
0x35: {  	p0 =	sne.s32 s0, $0x0;
	_ =	strace $0x9000004D  }
0x36: {  	s0 =	sadd.s32 @!p0 $0x100000, s1;
	[bflag:$0x2] =	sbarrier.arrive $0xFFFF  }
0x37: {  	[sflag:s0] =	ssyncadd.tile.s32 @!p0 $0x1;
	_ =	shalt  }
.Lfunc_end2:
_tile_overlayer_lowered:
.L_overlay_start_2:
0x38: {  	(tag) =	ssettag $0x2  }
0x39: {  	s0 =	rddreg [dreg:$0x0];
	s2 =	stileid.u32  }
0x3a: {  	s1 =	rddreg [dreg:$0x1];
	p0 =	sne.s32 s2, $0x0  }
0x3b: {  	s3 =	rddreg [dreg:$0x2];
	[bflag:$0x3] =	sbarrier.arrive $0xFFFF;
	s2 =	simm.s32 @!p0 $0x1C02  }
0x3c: {  	[timem:s3], [sflag:s2] =	dma.local @!p0 [hbm:s0], s1  }
0x3d: {  	s0 =	simm.s32 @!p0 $0x2  }
0x3e: {  	_ =	swait.ge @!p0 [sflag:s0], s1  }
0x3f: {  	s1 =	ssub.s32 @!p0 $0x0, s1;
	[sflag:s0] =	ssyncset.done @!p0 $0x0  }
0x40: {  	[sflag:s0] =	ssyncadd.s32 @!p0 s1  }
0x41: {  	[bflag:$0x3] =	sbarrier.arrive $0xFFFF  }
0x42: {  	_ =	shalt  }

// kernel: kernel.21.cloned.1.call-start
scs
__scs_entry_jumppad:
0x0: {  	(pc) =	sbr.rel $0x88, $3  }
0x1: {  	(tag) =	ssettag $0x0;
	lr =	simm.s32 $0x1  }
0x2: {  	[smem:$0x3F8E] =	sst lr;
	_ =	strace $0xD0000000  }
0x3: {  	_ = 	snop  }
0x4: {  	_ = 	snop  }
0x5: {  	_ = 	snop  }
0x6: {  	_ = 	snop  }
0x7: {  	_ = 	snop  }
__scs_overlays_trampoline_lowered:
0x8: {  	[smem:$0x3F9D] =	sst s0  }
0x9: {  	[smem:$0x3F9E] =	sst s1  }
0xa: {  	[smem:$0x3F9F] =	sst s2  }
0xb: {  	[smem:$0x3FA0] =	sst s3  }
0xc: {  	[smem:$0x3FA1] =	sst s4  }
0xd: {  	[smem:$0x3FA2] =	sst s5  }
0xe: {  	[smem:$0x3FA3] =	sst s6  }
0xf: {  	[smem:$0x3FA4] =	sst s7  }
0x10: {  	[smem:$0x3FA5] =	sst s8  }
0x11: {  	[smem:$0x3FA6] =	sst s9;
	s0 =	simm.s32 @!p0 $0x0  }
0x12: {  	s1 =	sld [smem:$0x3F8C];
	s0 =	simm.s32 @p0 $0x1  }
0x13: {  	[smem:$0x3FA7] =	sst s0;
	s0 =	simm.s32 @!p1 $0x0  }
0x14: {  	s2 =	sld [smem:$0x3F8B];
	s0 =	simm.s32 @p1 $0x1  }
0x15: {  	[smem:$0x3FA8] =	sst s0;
	s0 =	simm.s32 @!p2 $0x0  }
0x16: {  	s3 =	sld [smem:$0x3FDB];
	s0 =	simm.s32 @p2 $0x1  }
0x17: {  	s4 =	simm.s32 $0x1BF5;
	[smem:$0x3FAA] =	sst s0  }
0x18: {  	s0 =	sld [smem:$0x3F8D];
	_ =	swait.ge [sflag:s4], $0x0  }
0x19: {  	s7 =	sld [smem:$0x3F8E]  }
0x1a: {  	s8 =	sadd.s32 $0xFFFFE003, lr  }
0x1b: {  	s9 =	sadd.s32 $0xFFFFFEF7, lr;
	s5 =	simm.s32 $0xFFFFFFFF;
	p2 =	slt.u32 s8, $0xFFFFF086  }
0x1c: {  	p1 =	slt.u32 s9, $0xF7A;
	s5 =	simm.s32 @!p2 $0x0  }
0x1d: {  	s5 =	simm.s32 @p1 $0x1;
	p0 =	seq.s32 s7, s2  }
0x1e: {  	s7 =	smul.u32 @!p0 $0xF7A, s2;
	p2 =	seq.s32 @!p0 s5, $0x0  }
0x1f: {  	s9 =	smul.u32 $0xF7A, s1;
	s8 =	simm.s32 @!p0 $0x1BF5;
	p2 =	por !p2, p0  }
0x20: {  	[sflag:s8] =	ssyncset.s32 @!p0 $0xFFFFF086;
	s6 =	sadd.s32 @!p0 s3, s7;
	s7 =	simm.s32 @!p0 $0x108  }
0x21: {  	s3 =	sadd.s32 s3, s9;
	s6 =	sadd.s32 @!p0 $0x88, s6;
	s7 =	simm.s32 @p2 $0x1082  }
0x22: {  	[simem:s7], [sflag:s8] =	dma.local @!p0 [hbm:s6], $0xF7A  }
0x23: {  	s9 =	sor.u32 $0xD0000000, s2;
	s6 =	simm.s32 $0x108;
	_ =	swait.ge @!p0 [sflag:s8], $0x0  }
0x24: {  	s3 =	sadd.s32 $0x88, s3;
	s6 =	simm.s32 @!p1 $0x1082;
	[sflag:s4] =	ssyncset.s32 $0xFFFFF086  }
0x25: {  	[simem:s6], [sflag:s4] =	dma.local [hbm:s3], $0xF7A  }
0x26: {  	[smem:$0x3F8E] =	sst s1;
	(tag) =	ssettag s2;
	_ =	strace s9  }
0x27: {  	s1 =	sld [smem:$0x3F9E]  }
0x28: {  	s2 =	sld [smem:$0x3F9F]  }
0x29: {  	s4 =	sld [smem:$0x3FA1]  }
0x2a: {  	p0 =	seq.s32 s5, $0x0;
	s5 =	sld [smem:$0x3FA2]  }
0x2b: {  	s6 =	sld [smem:$0x3FA3]  }
0x2c: {  	s7 =	sld [smem:$0x3FA4]  }
0x2d: {  	s3 =	simm.s32 $0x108;
	s8 =	sld [smem:$0x3FA5]  }
0x2e: {  	s3 =	simm.s32 @!p0 $0x1082;
	s9 =	sld [smem:$0x3FA6]  }
0x2f: {  	lr =	sadd.s32 s0, s3;
	s0 =	sld [smem:$0x3F9D]  }
0x30: {  	s3 =	sld [smem:$0x3FA0]  }
0x31: {  	[smem:$0x3FA9] =	sst s10  }
0x32: {  	s10 =	sld [smem:$0x3FA7];
	_ =	sdelay $0x3  }
0x33: {  	p0 =	seq.s32 s10, $0x1;
	s10 =	sld [smem:$0x3FA9];
	_ =	sdelay $0x3  }
0x34: {  	[smem:$0x3FA9] =	sst s10  }
0x35: {  	s10 =	sld [smem:$0x3FA8];
	_ =	sdelay $0x3  }
0x36: {  	p1 =	seq.s32 s10, $0x1;
	s10 =	sld [smem:$0x3FA9];
	_ =	sdelay $0x3  }
0x37: {  	[smem:$0x3FA9] =	sst s10  }
0x38: {  	s10 =	sld [smem:$0x3FAA]  }
0x39: {  	_ = 	snop;
	(pc) =	sbr.ind lr, $3  }
0x3a: {  	_ = 	snop  }
0x3b: {  	_ = 	snop  }
0x3c: {  	p2 =	seq.s32 s10, $0x1;
	s10 =	sld [smem:$0x3FA9]  }
0x3d: {  	_ =	shalt  }
0x3e: {  	_ =	shalt  }
0x3f: {  	_ =	shalt  }
0x40: {  	_ =	shalt  }
0x41: {  	_ =	shalt  }
0x42: {  	_ =	shalt  }
0x43: {  	_ =	shalt  }
0x44: {  	_ =	shalt  }
0x45: {  	_ =	shalt  }
0x46: {  	_ =	shalt  }
0x47: {  	_ =	shalt  }
0x48: {  	_ =	shalt  }
0x49: {  	_ =	shalt  }
0x4a: {  	_ =	shalt  }
0x4b: {  	_ =	shalt  }
0x4c: {  	_ =	shalt  }
0x4d: {  	_ =	shalt  }
0x4e: {  	_ =	shalt  }
0x4f: {  	_ =	shalt  }
0x50: {  	_ =	shalt  }
0x51: {  	_ =	shalt  }
0x52: {  	_ =	shalt  }
0x53: {  	_ =	shalt  }
0x54: {  	_ =	shalt  }
0x55: {  	_ =	shalt  }
0x56: {  	_ =	shalt  }
0x57: {  	_ =	shalt  }
0x58: {  	_ =	shalt  }
0x59: {  	_ =	shalt  }
0x5a: {  	_ =	shalt  }
0x5b: {  	_ =	shalt  }
0x5c: {  	_ =	shalt  }
0x5d: {  	_ =	shalt  }
0x5e: {  	_ =	shalt  }
0x5f: {  	_ =	shalt  }
0x60: {  	_ =	shalt  }
0x61: {  	_ =	shalt  }
0x62: {  	_ =	shalt  }
0x63: {  	_ =	shalt  }
0x64: {  	_ =	shalt  }
0x65: {  	_ =	shalt  }
0x66: {  	_ =	shalt  }
0x67: {  	_ =	shalt  }
0x68: {  	_ =	shalt  }
0x69: {  	_ =	shalt  }
0x6a: {  	_ =	shalt  }
0x6b: {  	_ =	shalt  }
0x6c: {  	_ =	shalt  }
0x6d: {  	_ =	shalt  }
0x6e: {  	_ =	shalt  }
0x6f: {  	_ =	shalt  }
0x70: {  	_ =	shalt  }
0x71: {  	_ =	shalt  }
0x72: {  	_ =	shalt  }
0x73: {  	_ =	shalt  }
0x74: {  	_ =	shalt  }
0x75: {  	_ =	shalt  }
0x76: {  	_ =	shalt  }
0x77: {  	_ =	shalt  }
0x78: {  	_ =	shalt  }
0x79: {  	_ =	shalt  }
0x7a: {  	_ =	shalt  }
0x7b: {  	_ =	shalt  }
0x7c: {  	_ =	shalt  }
0x7d: {  	_ =	shalt  }
0x7e: {  	_ =	shalt  }
0x7f: {  	_ =	shalt  }
0x80: {  	_ =	shalt  }
0x81: {  	_ =	shalt  }
0x82: {  	_ =	shalt  }
0x83: {  	_ =	shalt  }
0x84: {  	_ =	shalt  }
0x85: {  	_ =	shalt  }
0x86: {  	_ =	shalt  }
0x87: {  	_ =	shalt  }
.Lfunc_end0:
.L_simem_size_0:
called_computation.3_lowered:
.L_overlay_start_0:
0x88: {  	s2 =	sld [smem:$0x3FD9]  }
0x89: {  	s3 =	sld [smem:$0x3FFE];
	_ =	sdelay $0x1  }
0x8a: {  	s1 =	srdreg.scid  }
0x8b: {  	s0 =	sand.u32 $0x1, s1  }
0x8c: {  	s14 =	sshll.u32 s0, $0xA;
	s2 =	sadd.s32 s3, s2  }
0x8d: {  	s2 =	sadd.s32 s2, s14  }
0x8e: {  	[smem:$0x3FB5] =	sst s2  }
0x8f: {  	_ = 	snop  }
0x90: {  	s2 =	sld [smem:$0x3FD0];
	_ =	sdelay $0x2  }
0x91: {  	s15 =	simm.s32 $0xA;
	s4 =	simm.s32 $0x10  }
0x92: {  	[smem:s4], [sflag:s15] =	dma.local [hbm:s2], $0x1  }
0x93: {  	_ =	swait.eq [sflag:s15], $0x1  }
0x94: {  	[sflag:s15] =	ssyncset.done $0x0  }
0x95: {  	[sflag:s15] =	ssyncadd.s32 $0xFFFFFFFF  }
0x96: {  	s16 =	sld [smem:$0x11];
	(tm) =	ssettm $0x1  }
0x97: {  	s17 =	sld [smem:$0x3FFB];
	_ =	sdelay $0x3  }
0x98: {  	_ =	strace s17  }
0x99: {  	s3 =	sld [smem:$0x3FFC];
	_ =	sdelay $0x3  }
0x9a: {  	_ =	strace s3  }
0x9b: {  	s3 =	sld [smem:$0x3FFD];
	_ =	sdelay $0x3  }
0x9c: {  	_ =	strace s3  }
0x9d: {  	_ =	strace $0x8FFFFFFF  }
0x9e: {  	s18 =	sld [smem:$0x3FDB];
	_ =	sdelay $0x1  }
0x9f: {  	s19 =	simm.s32 $_scs_section_size  }
0xa0: {  	s5 =	simm.s32 $_size__tile_overlayer_lowered;
	s6 =	simm.s32 $_tile_overlayer_lowered  }
0xa1: {  	s22 =	simm.s32 $0x1BFF;
	s21 =	sshll.u32 s6, $0x1;
	s3 =	sadd.s32 s19, s18  }
0xa2: {  	s7 =	simm.s32 $0x0;
	s20 =	sshll.u32 s5, $0x1;
	s5 =	sadd.s32 s21, s3  }
0xa3: {  	[timem:s7], [sflag:s22] =	dma.local [hbm:s5], s20  }
0xa4: {  	_ =	swait.ge [sflag:s22], s20  }
0xa5: {  	s4 =	ssub.s32 $0x0, s20;
	[sflag:s22] =	ssyncset.done $0x0  }
0xa6: {  	[sflag:s22] =	ssyncadd.s32 s4;
	_ =	sdelay $0x1  }
0xa7: {  	s23 =	simm.s32 $0x1B8B  }
0xa8: {  	_ =	swait.ge [sflag:s23], $0x1  }
0xa9: {  	[sflag:s23] =	ssyncset.done $0x0  }
0xaa: {  	s25 =	simm.s32 $0x1B8E;
	s24 =	sld [smem:$0x3FFE];
	[sflag:s23] =	ssyncadd.s32 $0xFFFFFFFF  }
0xab: {  	s26 =	simm.s32 $execute0_lowered;
	[smem:$0x3FD2] =	sst s25  }
0xac: {  	s5 =	sshll.u32 s26, $0x1;
	_ =	strace $0x8000004F;
	[dreg:$0x1] =	wrdreg $0xFFFFFFFF  }
0xad: {  	s28 =	simm.s32 $_size_execute0_lowered;
	s3 =	sadd.s32 s3, s5;
	[dreg:$0x0] =	wrdreg $0x0  }
0xae: {  	s5 =	sshll.u32 s28, $0x1;
	[dreg:$0x2] =	wrdreg s3  }
0xaf: {  	[dreg:$0x3] =	wrdreg s5  }
0xb0: {  	[dreg:$0x4] =	wrdreg $0xC0  }
0xb1: {  	_ =	task [dreg:s7], $0x5FFFF  }
0xb2: {  	[dreg:$0x1] =	wrdreg $0xFFFFFFFF  }
0xb3: {  	[dreg:$0x0] =	wrdreg $0x60  }
0xb4: {  	[dreg:$0x2] =	wrdreg s24  }
0xb5: {  	[dreg:$0x3] =	wrdreg s16  }
0xb6: {  	[dreg:$0x4] =	wrdreg $0x41000  }
0xb7: {  	[dreg:$0x5] =	wrdreg $0x9  }
0xb8: {  	_ =	task.clear_ibuf [dreg:s7], $0x6FFFF;
	_ =	strace $0x9000004F  }
0xb9: {  	s29 =	simm.s32 $0x9;
	_ =	strace $0x80000051  }
0xba: {  	_ =	swait.ge [sflag:s29], $0x1  }
0xbb: {  	[sflag:s29] =	ssyncadd.s32 $0xFFFFFFFF  }
0xbc: {  	_ =	strace $0x90000051  }
0xbd: {  	_ =	sfence  }
0xbe: {  	s30 =	sld [smem:$0x0];
	_ =	sdelay $0x2  }
0xbf: {  	s31 =	sshll.u32 s1, $0xD;
	s1 =	sshrl.u32 s1, $0x2  }
0xc0: {  	s3 =	sand.u32 $0x4000, s31;
	s1 =	sadd.s32 s1, s30  }
0xc1: {  	s0 =	sor.u32 s3, s0;
	s1 =	sshll.u32 s1, $0x11  }
0xc2: {  	s0 =	sor.u32 s1, s0  }
0xc3: {  	s0 =	sadd.s32 $0x8F2B, s0  }
0xc4: {  	[sflag:s0] =	ssyncadd.remote.s32 $0x1  }
0xc5: {  	_ =	sfence.sel $0xFFFF  }
0xc6: {  	[dreg:$0x0] =	wrdreg $0xFFFFFFFF;
	(pc) =	sbr.abs _section_cstart, $3  }
0xc7: {  	[dreg:$0x1] =	wrdreg $0xFFFFFFFF  }
0xc8: {  	_ =	task.clear_ibuf [dreg:s7], $0x2FFFF;
	_ =	strace $0x9FFFFFFF  }
0xc9: {  	(tm) =	ssettm $0x7FFFFFFF  }
tec
execute0_lowered:
.L_overlay_start_1:
0x0: {  	(tag) =	ssettag $0x1  }
0x1: {  	s6 =	rddreg [dreg:$0x0]  }
0x2: {  	s1 =	srdreg.scid;
	s2 =	rddreg [dreg:$0x1]  }
0x3: {  	s0 =	stileid.u32;
	s3 =	rddreg [dreg:$0x2]  }
0x4: {  	s4 =	simm.s32 $0x0;
	s14 =	simm.s32 $0x100;
	s5 =	smul.u32 $0x15A00, s0  }
0x5: {  	s15 =	simm.s32 $0x1;
	s16 =	simm.s32 $0x0;
	s10 =	smul.u32 $0x14000, s0  }
0x6: {  	s7 =	sand.u32 $0x1, s1;
	s1 =	rddreg [dreg:$0x3];
	s11 =	smul.u32 $0x50000, s0  }
0x7: {  	[smem:$0x7FF] =	sst s4;
	s31 =	sshll.u32 s0, $0x6;
	s8 =	smul.u32 $0xAD00, s7  }
0x8: {  	s9 =	smul.u32 $0x140000, s7;
	_ =	strace $0x80000050;
	s26 =	ssub.s32 $0x2, s7  }
0x9: {  	p0 =	seq.s32 s7, $0x0;
	s7 =	sor.u32 $0x1C02, s31;
	s29 =	sshrl.u32 s26, $0x1  }
0xa: {  	s30 =	sshrl.u32 s11, $0x2;
	s8 =	sadd.s32 s8, s5;
	s5 =	sadd.s32 $0x7000, s6  }
0xb: {  	s9 =	sadd.s32 s10, s9;
	s13 =	sadd.s32 s30, s3;
	s8 =	sshrl.u32 s8, $0x3  }
0xc: {  	s28 =	sshrl.u32 s9, $0x3;
	s9 =	ssub.s32 s26, s29;
	s11 =	sshrl.u32 s13, $0x3  }
0xd: {  	s12 =	sadd.s32 s8, s6;
	s8 =	sadd.s32 s28, s6;
	s6 =	simm.s32 $0xAD  }
0xe: {  	s13 =	simm.s32 $0x80;
	s9 =	smax.u32 s9, $0x1;
	s6 =	simm.s32 @!p0 $0x8D  }
0xf: {  	s8 =	sadd.s32 $0x2F000, s8;
	s10 =	sadd.s32 $0x11F000, s12;
	s12 =	simm.s32 $0x2  }
.LBB2_1:
0x10: {  	[spmem:s11], [sflag:s7] =	dma.local [hbm:s2], $0x2800  }
0x11: {  	_ =	swait.ge [sflag:s12], $0x2800  }
0x12: {  	[sflag:s12] =	ssyncset.done $0x0  }
0x13: {  	[sflag:s12] =	ssyncadd.s32 $0xFFFFD800  }
0x14: {  	[bflag:$0x0] =	sbarrier.arrive $0xFFFF  }
0x15: {  	[tilespmem:s4], [sflag:$0x2] =	stream.linear.gather [hbm4b:s10+s4], $0x100, $0x38;
	[tilespmem:$0x18100] =	vst v63  }
0x16: {  	_ =	swait.ge [sflag:s12], $0x100  }
0x17: {  	[sflag:s12] =	ssyncset.done $0x0  }
0x18: {  	[sflag:s12] =	ssyncadd.s32 $0xFFFFFF00  }
0x19: {  	[tilespmem:s14], [sflag:$0x1] =	stream.indirect.gather [hbm4b:s5+s13], $0x80, s4, s13, $0xb8;
	[tilespmem:$0x18100] =	vst v63  }
0x1a: {  	p0 =	sne.s32 s6, $0x1;
	_ =	swait.ge [sflag:s15], $0x4000  }
.Ltmp0:
0x1b: {  	[sflag:s15] =	ssyncset.done $0x0;
	(pc) =	sbr.rel @!p0 .LBB2_3-.Ltmp0, $4  }
0x1c: {  	[sflag:s15] =	ssyncadd.s32 $0xFFFFC000  }
0x1d: {  	[spmem:s3] =	stream.indirect.scatter.add.f32 [tilespmem:s14], [sflag:$0x2], $0x80, s13, s13, $0xb8;
	[tilespmem:$0x18100] =	vst v63  }
0x1e: {  	_ =	swait.ge [sflag:s12], $0x4000  }
0x1f: {  	s17 =	sadd.s32 $0xFFFFFFFF, s6;
	s18 =	smov.u32 s10;
	[sflag:s12] =	ssyncset.done $0x0  }
.LBB2_2:
0x20: {  	p0 =	sne.s32 s17, $0x1;
	[sflag:s12] =	ssyncadd.s32 $0xFFFFC000;
	s18 =	sadd.s32 $0x20, s18  }
0x21: {  	[tilespmem:s4], [sflag:$0x2] =	stream.linear.gather [hbm4b:s18+s4], $0x100, $0x38;
	[tilespmem:$0x18100] =	vst v63  }
0x22: {  	s17 =	sadd.s32 $0xFFFFFFFF, s17;
	_ =	swait.ge [sflag:s12], $0x100  }
0x23: {  	[sflag:s12] =	ssyncset.done $0x0  }
0x24: {  	[sflag:s12] =	ssyncadd.s32 $0xFFFFFF00  }
0x25: {  	[tilespmem:s14], [sflag:$0x1] =	stream.indirect.gather [hbm4b:s5+s13], $0x80, s4, s13, $0xb8;
	[tilespmem:$0x18100] =	vst v63  }
0x26: {  	_ =	swait.ge [sflag:s15], $0x4000  }
.Ltmp1:
0x27: {  	[sflag:s15] =	ssyncset.done $0x0;
	(pc) =	sbr.rel @p0 .LBB2_2-.Ltmp1, $4  }
0x28: {  	[sflag:s15] =	ssyncadd.s32 $0xFFFFC000  }
0x29: {  	[spmem:s3] =	stream.indirect.scatter.add.f32 [tilespmem:s14], [sflag:$0x2], $0x80, s13, s13, $0xb8;
	[tilespmem:$0x18100] =	vst v63  }
0x2a: {  	_ =	swait.ge [sflag:s12], $0x4000  }
0x2b: {  	[sflag:s12] =	ssyncset.done $0x0  }
.LBB2_3:
0x2c: {  	s16 =	sadd.s32 $0x1, s16  }
0x2d: {  	[sflag:s12] =	ssyncadd.s32 $0xFFFFC000;
	p0 =	sne.s32 s16, s9  }
.Ltmp2:
0x2e: {  	[bflag:$0x0] =	sbarrier.arrive $0xFFFF;
	(pc) =	sbr.rel @p0 .LBB2_1-.Ltmp2, $4  }
0x2f: {  	[hbm:s8], [sflag:s7] =	dma.local [spmem:s11], $0x2800  }
0x30: {  	_ =	swait.ge [sflag:s12], $0x2800  }
0x31: {  	[sflag:s12] =	ssyncset.done $0x0  }
0x32: {  	[sflag:s12] =	ssyncadd.s32 $0xFFFFD800  }
0x33: {  	_ =	sfence.sel $0x180000  }
0x34: {  	[bflag:$0x0] =	sbarrier.arrive $0xFFFF  }
0x35: {  	p0 =	sne.s32 s0, $0x0;
	_ =	strace $0x90000050  }
0x36: {  	s0 =	sadd.s32 @!p0 $0x100000, s1;
	[bflag:$0x2] =	sbarrier.arrive $0xFFFF  }
0x37: {  	[sflag:s0] =	ssyncadd.tile.s32 @!p0 $0x1;
	_ =	shalt  }
.Lfunc_end2:
_tile_overlayer_lowered:
.L_overlay_start_2:
0x38: {  	(tag) =	ssettag $0x2  }
0x39: {  	s0 =	rddreg [dreg:$0x0];
	s2 =	stileid.u32  }
0x3a: {  	s1 =	rddreg [dreg:$0x1];
	p0 =	sne.s32 s2, $0x0  }
0x3b: {  	s3 =	rddreg [dreg:$0x2];
	[bflag:$0x3] =	sbarrier.arrive $0xFFFF;
	s2 =	simm.s32 @!p0 $0x1C02  }
0x3c: {  	[timem:s3], [sflag:s2] =	dma.local @!p0 [hbm:s0], s1  }
0x3d: {  	s0 =	simm.s32 @!p0 $0x2  }
0x3e: {  	_ =	swait.ge @!p0 [sflag:s0], s1  }
0x3f: {  	s1 =	ssub.s32 @!p0 $0x0, s1;
	[sflag:s0] =	ssyncset.done @!p0 $0x0  }
0x40: {  	[sflag:s0] =	ssyncadd.s32 @!p0 s1  }
0x41: {  	[bflag:$0x3] =	sbarrier.arrive $0xFFFF  }
0x42: {  	_ =	shalt  }

</sc_bundles>
